<compile_context>
chip_gen: v7x
topology: tpu7x:2x2x1
jax: 0.10.2.dev20260603
libtpu: 0.0.44.dev20260713+nightly
codegen_flags: <defaults>
</compile_context>

<pallas_src>
import functools
import math

import jax
import jax.numpy as jnp
from jax import lax
from jax.experimental import pallas as pl
from jax.experimental.pallas import tpu as pltpu
from jax.experimental.pallas import tpu_sc as plsc

VOCAB = 100000
EMB = 128
B, L = 4096, 200
SCALE = math.sqrt(EMB)

NC, NS = 2, 16
NW = NC * NS
NTOK = B * L
N_PER_W = NTOK // NW
CH = 128
HCH = CH // 2
NCH = N_PER_W // CH

NBUF = 6
NPAIR = NBUF // 2
NG = NCH // NBUF
NTAIL = NCH - NG * NBUF


def _scale_chunk(rows_v, b):

    def row_pair(r, carry):
        for rr in range(2):
            for c in range(EMB // 16):
                row = b * CH + 2 * r + rr
                v = rows_v[row, pl.ds(c * 16, 16)]
                rows_v[row, pl.ds(c * 16, 16)] = v * SCALE
        return carry

    lax.fori_loop(0, CH // 2, row_pair, 0)


def _gather_body(table_hbm, idx_hbm, out_hbm, idx_v, rows_v, *sems):
    gsem, ssem = sems[: 2 * NBUF], sems[2 * NBUF :]
    wid = lax.axis_index("s") * NC + lax.axis_index("c")
    base = wid * N_PER_W

    pltpu.sync_copy(idx_hbm.at[wid], idx_v)

    def fire_gathers(j, b):
        descs = []
        for h in range(2):
            descs.append(
                pltpu.async_copy(
                    table_hbm.at[idx_v.at[j, pl.ds(h * HCH, HCH)]],
                    rows_v.at[pl.ds(b * CH + h * HCH, HCH)],
                    gsem[2 * b + h],
                )
            )
        return descs

    def fire_pair_scatter(j, p):
        return pltpu.async_copy(
            rows_v.at[pl.ds(2 * p * CH, 2 * CH)],
            out_hbm.at[pl.ds(base + j * CH, 2 * CH)],
            ssem[p],
        )

    def drain_pair_scatter(p):
        pltpu.make_async_copy(
            rows_v.at[pl.ds(2 * p * CH, 2 * CH)],
            out_hbm.at[pl.ds(base, 2 * CH)],
            ssem[p],
        ).wait()

    def group(g, carry):
        j0 = g * NBUF
        descs = []
        for b in range(NBUF):
            if b % 2 == 0:
                p = b // 2

                @pl.when(g > 0)
                def _(p=p):
                    drain_pair_scatter(p)

            descs.append(fire_gathers(j0 + b, b))
        for b in range(NBUF):
            for d in descs[b]:
                d.wait()
            _scale_chunk(rows_v, b)
            if b % 2 == 1:
                fire_pair_scatter(j0 + b - 1, b // 2)
        return carry

    lax.fori_loop(0, NG, group, 0)

    drain_pair_scatter(0)
    tdescs = [fire_gathers(NG * NBUF + t, t) for t in range(NTAIL)]
    for t in range(NTAIL):
        for d in tdescs[t]:
            d.wait()
        _scale_chunk(rows_v, t)
    fire_pair_scatter(NG * NBUF, 0)

    for p in range(NPAIR):
        drain_pair_scatter(p)


def _sc_gather(table, idx):
    mesh = plsc.VectorSubcoreMesh(core_axis_name="c", subcore_axis_name="s")
    run = functools.partial(
        pl.kernel,
        mesh=mesh,
        out_type=jax.ShapeDtypeStruct((NTOK, EMB), jnp.float32),
        scratch_types=[
            pltpu.VMEM((NCH, CH), jnp.int32),
            pltpu.VMEM((NBUF * CH, EMB), jnp.float32),
        ]
        + [pltpu.SemaphoreType.DMA] * (2 * NBUF + NPAIR),
    )(_gather_body)
    return run(table, idx)


def kernel(tokens, table):
    idx = tokens.astype(jnp.int32).reshape(NW, NCH, CH)
    out = _sc_gather(table, idx)
    return out.reshape(B, L, EMB)

# --- scband reference (transcript-rebuilt; emitter-appended) ---
"""Pipeline reference for scband-token-embedding-46789373723161 (READ-ONLY COPY).

The authoritative reference and input builder live on the scoring server;
editing this copy changes nothing except your own understanding.
"""

import jax, jax.numpy as jnp
import numpy as np
import math

VOCAB = 100000
EMB = 128
B, L = 4096, 200


def setup_inputs(seed: int = 0) -> dict:
    key = jax.random.key(seed)
    k_tok, k_tab = jax.random.split(key)
    tokens = jax.random.randint(k_tok, (B, L), 0, VOCAB, dtype=jnp.int64 if jax.config.jax_enable_x64 else jnp.int32)
    table = jax.random.normal(k_tab, (VOCAB, EMB), dtype=jnp.float32)
    return {"tokens": tokens, "table": table}


def reference(tokens, table):
    # TokenEmbedding.forward: embedding lookup scaled by sqrt(emb_size)
    emb = jnp.take(table, tokens, axis=0)
    return emb * math.sqrt(EMB)

if __name__ == "__main__":
    import jax
    _d = setup_inputs()
    print(jax.jit(kernel)(*tuple(_d.values())))

</pallas_src>

<mosaic_0001>
#map = affine_map<(d0, d1) -> (0, 0)>
#map1 = affine_map<(d0, d1) -> (0, 0, 0)>
module attributes {stable_mosaic.version = 14 : i64} {
  func.func @_gather_body(%arg0: i32, %arg1: i32, %arg2: memref<100000x128xf32, #tpu.memory_space<hbm>>, %arg3: memref<32x200x128xi32, #tpu.memory_space<hbm>>, %arg4: memref<819200x128xf32, #tpu.memory_space<hbm>>, %arg5: memref<200x128xi32, #tpu.memory_space<vmem>>, %arg6: memref<768x128xf32, #tpu.memory_space<vmem>>, %arg7: memref<!tpu.dma_semaphore, #tpu.memory_space<semaphore_mem>>, %arg8: memref<!tpu.dma_semaphore, #tpu.memory_space<semaphore_mem>>, %arg9: memref<!tpu.dma_semaphore, #tpu.memory_space<semaphore_mem>>, %arg10: memref<!tpu.dma_semaphore, #tpu.memory_space<semaphore_mem>>, %arg11: memref<!tpu.dma_semaphore, #tpu.memory_space<semaphore_mem>>, %arg12: memref<!tpu.dma_semaphore, #tpu.memory_space<semaphore_mem>>, %arg13: memref<!tpu.dma_semaphore, #tpu.memory_space<semaphore_mem>>, %arg14: memref<!tpu.dma_semaphore, #tpu.memory_space<semaphore_mem>>, %arg15: memref<!tpu.dma_semaphore, #tpu.memory_space<semaphore_mem>>, %arg16: memref<!tpu.dma_semaphore, #tpu.memory_space<semaphore_mem>>, %arg17: memref<!tpu.dma_semaphore, #tpu.memory_space<semaphore_mem>>, %arg18: memref<!tpu.dma_semaphore, #tpu.memory_space<semaphore_mem>>, %arg19: memref<!tpu.dma_semaphore, #tpu.memory_space<semaphore_mem>>, %arg20: memref<!tpu.dma_semaphore, #tpu.memory_space<semaphore_mem>>, %arg21: memref<!tpu.dma_semaphore, #tpu.memory_space<semaphore_mem>>) attributes {dimension_semantics = [#tpu.dimension_semantics<core_parallel>, #tpu.dimension_semantics<subcore_parallel>], iteration_bounds = array<i64: 2, 16>, scalar_prefetch = 0 : i64, scratch_operands = 17 : i64, tpu.core_type = #tpu.core_type<sc_vector_subcore>, window_params = [{transform_indices = #map}, {transform_indices = #map1}, {transform_indices = #map}]} {
    %mul3A = arith.constant 2 : i32
    %mul3A_0 = arith.muli %arg1, %mul3A : i32
    %add3A = arith.addi %mul3A_0, %arg0 : i32
    %mul3A_1 = arith.constant 25600 : i32
    %mul3A_2 = arith.muli %add3A, %mul3A_1 : i32
    "tpu.region"() ({
      %run_scoped3A = tpu.sem_alloc : memref<!tpu.dma_semaphore, #tpu.memory_space<semaphore_mem>>
      %dma_start3A_150 = arith.constant 0 : i32
      %dma_start3A_151 = arith.constant 0 : i32
      %dma_start3A_152 = tpu.memref_slice %arg3[%add3A, %dma_start3A_150, %dma_start3A_151] : memref<32x200x128xi32, #tpu.memory_space<hbm>> -> memref<1x200x128xi32, #tpu.memory_space<hbm>>
      %dma_start3A_153 = tpu.memref_squeeze %dma_start3A_152 : memref<1x200x128xi32, #tpu.memory_space<hbm>> -> memref<200x128xi32, #tpu.memory_space<hbm>>
      %dma_start3A_154 = arith.constant 0 : i32
      %dma_start3A_155 = arith.constant 0 : i32
      %dma_start3A_156 = tpu.memref_slice %arg3[%add3A, %dma_start3A_154, %dma_start3A_155] : memref<32x200x128xi32, #tpu.memory_space<hbm>> -> memref<1x200x128xi32, #tpu.memory_space<hbm>>
      %dma_start3A_157 = tpu.memref_squeeze %dma_start3A_156 : memref<1x200x128xi32, #tpu.memory_space<hbm>> -> memref<200x128xi32, #tpu.memory_space<hbm>>
      tpu.enqueue_dma source(%dma_start3A_157 : memref<200x128xi32, #tpu.memory_space<hbm>>) target(%arg5 : memref<200x128xi32, #tpu.memory_space<vmem>>) target_semaphore(%run_scoped3A : memref<!tpu.dma_semaphore, #tpu.memory_space<semaphore_mem>>)
      %dma_wait3A_158 = arith.constant 0 : i32
      %dma_wait3A_159 = arith.constant 0 : i32
      %dma_wait3A_160 = tpu.memref_slice %arg3[%add3A, %dma_wait3A_158, %dma_wait3A_159] : memref<32x200x128xi32, #tpu.memory_space<hbm>> -> memref<1x200x128xi32, #tpu.memory_space<hbm>>
      %dma_wait3A_161 = tpu.memref_squeeze %dma_wait3A_160 : memref<1x200x128xi32, #tpu.memory_space<hbm>> -> memref<200x128xi32, #tpu.memory_space<hbm>>
      %dma_wait3A_162 = arith.constant 0 : i32
      %dma_wait3A_163 = arith.constant 0 : i32
      %dma_wait3A_164 = tpu.memref_slice %arg3[%add3A, %dma_wait3A_162, %dma_wait3A_163] : memref<32x200x128xi32, #tpu.memory_space<hbm>> -> memref<1x200x128xi32, #tpu.memory_space<hbm>>
      %dma_wait3A_165 = tpu.memref_squeeze %dma_wait3A_164 : memref<1x200x128xi32, #tpu.memory_space<hbm>> -> memref<200x128xi32, #tpu.memory_space<hbm>>
      tpu.wait_dma2 semaphore(%run_scoped3A : memref<!tpu.dma_semaphore, #tpu.memory_space<semaphore_mem>>) src(%dma_wait3A_165 : memref<200x128xi32, #tpu.memory_space<hbm>>) dst(%arg5 : memref<200x128xi32, #tpu.memory_space<vmem>>)
      tpu.yield
    }) : () -> ()
    %scan3A = arith.constant 0 : i32
    %scan3A_3 = arith.constant 0 : i32
    %scan3A_4 = arith.constant 33 : i32
    %scan3A_5 = arith.addi %scan3A_3, %scan3A_4 : i32
    %scan3A_6 = arith.constant 1 : i32
    scf.for %scan3A_150 = %scan3A_3 to %scan3A_5 step %scan3A_6  : i32 {
      %mul3A_151 = arith.constant 6 : i32
      %mul3A_152 = arith.muli %scan3A_150, %mul3A_151 : i32
      %gt3A = arith.constant 0 : i32
      %gt3A_153 = arith.cmpi sgt, %scan3A_150, %gt3A : i32
      %convert_element_type3A = arith.extui %gt3A_153 : i1 to i32
      %cond3A = arith.constant 0 : i32
      %cond3A_154 = arith.cmpi ne, %convert_element_type3A, %cond3A : i32
      scf.if %cond3A_154 {
        %dma_wait3A_479 = arith.constant 0 : i32
        %dma_wait3A_480 = arith.constant 0 : i32
        %dma_wait3A_481 = tpu.memref_slice %arg6[%dma_wait3A_479, %dma_wait3A_480] : memref<768x128xf32, #tpu.memory_space<vmem>> -> memref<256x128xf32, #tpu.memory_space<vmem>>
        %dma_wait3A_482 = arith.constant 0 : i32
        %dma_wait3A_483 = tpu.memref_slice %arg4[%mul3A_2, %dma_wait3A_482] : memref<819200x128xf32, #tpu.memory_space<hbm>> -> memref<256x128xf32, #tpu.memory_space<hbm>>
        %dma_wait3A_484 = arith.constant 0 : i32
        %dma_wait3A_485 = tpu.memref_slice %arg4[%mul3A_2, %dma_wait3A_484] : memref<819200x128xf32, #tpu.memory_space<hbm>> -> memref<256x128xf32, #tpu.memory_space<hbm>>
        %dma_wait3A_486 = arith.constant 0 : i32
        %dma_wait3A_487 = arith.constant 0 : i32
        %dma_wait3A_488 = tpu.memref_slice %arg6[%dma_wait3A_486, %dma_wait3A_487] : memref<768x128xf32, #tpu.memory_space<vmem>> -> memref<256x128xf32, #tpu.memory_space<vmem>>
        tpu.wait_dma2 semaphore(%arg19 : memref<!tpu.dma_semaphore, #tpu.memory_space<semaphore_mem>>) src(%dma_wait3A_488 : memref<256x128xf32, #tpu.memory_space<vmem>>) dst(%dma_wait3A_485 : memref<256x128xf32, #tpu.memory_space<hbm>>)
      } else {
      }
      %add3A_155 = arith.constant 0 : i32
      %add3A_156 = arith.addi %mul3A_152, %add3A_155 : i32
      %dma_start3A_157 = arith.constant 0 : i32
      %dma_start3A_158 = arith.constant 0 : i32
      %dma_start3A_159 = tpu.memref_slice %arg6[%dma_start3A_157, %dma_start3A_158] : memref<768x128xf32, #tpu.memory_space<vmem>> -> memref<64x128xf32, #tpu.memory_space<vmem>>
      %dma_start3A_160 = arith.constant 0 : i32
      %dma_start3A_161 = tpu.memref_slice %arg5[%add3A_156, %dma_start3A_160] : memref<200x128xi32, #tpu.memory_space<vmem>> -> memref<1x64xi32, #tpu.memory_space<vmem>>
      %dma_start3A_162 = tpu.memref_squeeze %dma_start3A_161 : memref<1x64xi32, #tpu.memory_space<vmem>> -> memref<64xi32, #tpu.memory_space<vmem>>
      %dma_start3A_163 = arith.constant 0 : i32
      %dma_start3A_164 = arith.constant 0 : i32
      %dma_start3A_165 = tpu.memref_slice %arg2[%dma_start3A_163, %dma_start3A_164] : memref<100000x128xf32, #tpu.memory_space<hbm>> -> memref<100000x128xf32, #tpu.memory_space<hbm>>
      tpu.enqueue_indirect_dma source(%dma_start3A_165 : memref<100000x128xf32, #tpu.memory_space<hbm>>) target(%dma_start3A_159 : memref<64x128xf32, #tpu.memory_space<vmem>>) offsets(%dma_start3A_162 : memref<64xi32, #tpu.memory_space<vmem>>) semaphore(%arg7 : memref<!tpu.dma_semaphore, #tpu.memory_space<semaphore_mem>>)
      %dma_start3A_166 = arith.constant 64 : i32
      %dma_start3A_167 = arith.constant 0 : i32
      %dma_start3A_168 = tpu.memref_slice %arg6[%dma_start3A_166, %dma_start3A_167] : memref<768x128xf32, #tpu.memory_space<vmem>> -> memref<64x128xf32, #tpu.memory_space<vmem>>
      %dma_start3A_169 = arith.constant 64 : i32
      %dma_start3A_170 = tpu.memref_slice %arg5[%add3A_156, %dma_start3A_169] : memref<200x128xi32, #tpu.memory_space<vmem>> -> memref<1x64xi32, #tpu.memory_space<vmem>>
      %dma_start3A_171 = tpu.memref_squeeze %dma_start3A_170 : memref<1x64xi32, #tpu.memory_space<vmem>> -> memref<64xi32, #tpu.memory_space<vmem>>
      %dma_start3A_172 = arith.constant 0 : i32
      %dma_start3A_173 = arith.constant 0 : i32
      %dma_start3A_174 = tpu.memref_slice %arg2[%dma_start3A_172, %dma_start3A_173] : memref<100000x128xf32, #tpu.memory_space<hbm>> -> memref<100000x128xf32, #tpu.memory_space<hbm>>
      tpu.enqueue_indirect_dma source(%dma_start3A_174 : memref<100000x128xf32, #tpu.memory_space<hbm>>) target(%dma_start3A_168 : memref<64x128xf32, #tpu.memory_space<vmem>>) offsets(%dma_start3A_171 : memref<64xi32, #tpu.memory_space<vmem>>) semaphore(%arg8 : memref<!tpu.dma_semaphore, #tpu.memory_space<semaphore_mem>>)
      %add3A_175 = arith.constant 1 : i32
      %add3A_176 = arith.addi %mul3A_152, %add3A_175 : i32
      %dma_start3A_177 = arith.constant 128 : i32
      %dma_start3A_178 = arith.constant 0 : i32
      %dma_start3A_179 = tpu.memref_slice %arg6[%dma_start3A_177, %dma_start3A_178] : memref<768x128xf32, #tpu.memory_space<vmem>> -> memref<64x128xf32, #tpu.memory_space<vmem>>
      %dma_start3A_180 = arith.constant 0 : i32
      %dma_start3A_181 = tpu.memref_slice %arg5[%add3A_176, %dma_start3A_180] : memref<200x128xi32, #tpu.memory_space<vmem>> -> memref<1x64xi32, #tpu.memory_space<vmem>>
      %dma_start3A_182 = tpu.memref_squeeze %dma_start3A_181 : memref<1x64xi32, #tpu.memory_space<vmem>> -> memref<64xi32, #tpu.memory_space<vmem>>
      %dma_start3A_183 = arith.constant 0 : i32
      %dma_start3A_184 = arith.constant 0 : i32
      %dma_start3A_185 = tpu.memref_slice %arg2[%dma_start3A_183, %dma_start3A_184] : memref<100000x128xf32, #tpu.memory_space<hbm>> -> memref<100000x128xf32, #tpu.memory_space<hbm>>
      tpu.enqueue_indirect_dma source(%dma_start3A_185 : memref<100000x128xf32, #tpu.memory_space<hbm>>) target(%dma_start3A_179 : memref<64x128xf32, #tpu.memory_space<vmem>>) offsets(%dma_start3A_182 : memref<64xi32, #tpu.memory_space<vmem>>) semaphore(%arg9 : memref<!tpu.dma_semaphore, #tpu.memory_space<semaphore_mem>>)
      %dma_start3A_186 = arith.constant 192 : i32
      %dma_start3A_187 = arith.constant 0 : i32
      %dma_start3A_188 = tpu.memref_slice %arg6[%dma_start3A_186, %dma_start3A_187] : memref<768x128xf32, #tpu.memory_space<vmem>> -> memref<64x128xf32, #tpu.memory_space<vmem>>
      %dma_start3A_189 = arith.constant 64 : i32
      %dma_start3A_190 = tpu.memref_slice %arg5[%add3A_176, %dma_start3A_189] : memref<200x128xi32, #tpu.memory_space<vmem>> -> memref<1x64xi32, #tpu.memory_space<vmem>>
      %dma_start3A_191 = tpu.memref_squeeze %dma_start3A_190 : memref<1x64xi32, #tpu.memory_space<vmem>> -> memref<64xi32, #tpu.memory_space<vmem>>
      %dma_start3A_192 = arith.constant 0 : i32
      %dma_start3A_193 = arith.constant 0 : i32
      %dma_start3A_194 = tpu.memref_slice %arg2[%dma_start3A_192, %dma_start3A_193] : memref<100000x128xf32, #tpu.memory_space<hbm>> -> memref<100000x128xf32, #tpu.memory_space<hbm>>
      tpu.enqueue_indirect_dma source(%dma_start3A_194 : memref<100000x128xf32, #tpu.memory_space<hbm>>) target(%dma_start3A_188 : memref<64x128xf32, #tpu.memory_space<vmem>>) offsets(%dma_start3A_191 : memref<64xi32, #tpu.memory_space<vmem>>) semaphore(%arg10 : memref<!tpu.dma_semaphore, #tpu.memory_space<semaphore_mem>>)
      %gt3A_195 = arith.constant 0 : i32
      %gt3A_196 = arith.cmpi sgt, %scan3A_150, %gt3A_195 : i32
      %convert_element_type3A_197 = arith.extui %gt3A_196 : i1 to i32
      %cond3A_198 = arith.constant 0 : i32
      %cond3A_199 = arith.cmpi ne, %convert_element_type3A_197, %cond3A_198 : i32
      scf.if %cond3A_199 {
        %dma_wait3A_479 = arith.constant 256 : i32
        %dma_wait3A_480 = arith.constant 0 : i32
        %dma_wait3A_481 = tpu.memref_slice %arg6[%dma_wait3A_479, %dma_wait3A_480] : memref<768x128xf32, #tpu.memory_space<vmem>> -> memref<256x128xf32, #tpu.memory_space<vmem>>
        %dma_wait3A_482 = arith.constant 0 : i32
        %dma_wait3A_483 = tpu.memref_slice %arg4[%mul3A_2, %dma_wait3A_482] : memref<819200x128xf32, #tpu.memory_space<hbm>> -> memref<256x128xf32, #tpu.memory_space<hbm>>
        %dma_wait3A_484 = arith.constant 0 : i32
        %dma_wait3A_485 = tpu.memref_slice %arg4[%mul3A_2, %dma_wait3A_484] : memref<819200x128xf32, #tpu.memory_space<hbm>> -> memref<256x128xf32, #tpu.memory_space<hbm>>
        %dma_wait3A_486 = arith.constant 256 : i32
        %dma_wait3A_487 = arith.constant 0 : i32
        %dma_wait3A_488 = tpu.memref_slice %arg6[%dma_wait3A_486, %dma_wait3A_487] : memref<768x128xf32, #tpu.memory_space<vmem>> -> memref<256x128xf32, #tpu.memory_space<vmem>>
        tpu.wait_dma2 semaphore(%arg20 : memref<!tpu.dma_semaphore, #tpu.memory_space<semaphore_mem>>) src(%dma_wait3A_488 : memref<256x128xf32, #tpu.memory_space<vmem>>) dst(%dma_wait3A_485 : memref<256x128xf32, #tpu.memory_space<hbm>>)
      } else {
      }
      %add3A_200 = arith.constant 2 : i32
      %add3A_201 = arith.addi %mul3A_152, %add3A_200 : i32
      %dma_start3A_202 = arith.constant 256 : i32
      %dma_start3A_203 = arith.constant 0 : i32
      %dma_start3A_204 = tpu.memref_slice %arg6[%dma_start3A_202, %dma_start3A_203] : memref<768x128xf32, #tpu.memory_space<vmem>> -> memref<64x128xf32, #tpu.memory_space<vmem>>
      %dma_start3A_205 = arith.constant 0 : i32
      %dma_start3A_206 = tpu.memref_slice %arg5[%add3A_201, %dma_start3A_205] : memref<200x128xi32, #tpu.memory_space<vmem>> -> memref<1x64xi32, #tpu.memory_space<vmem>>
      %dma_start3A_207 = tpu.memref_squeeze %dma_start3A_206 : memref<1x64xi32, #tpu.memory_space<vmem>> -> memref<64xi32, #tpu.memory_space<vmem>>
      %dma_start3A_208 = arith.constant 0 : i32
      %dma_start3A_209 = arith.constant 0 : i32
      %dma_start3A_210 = tpu.memref_slice %arg2[%dma_start3A_208, %dma_start3A_209] : memref<100000x128xf32, #tpu.memory_space<hbm>> -> memref<100000x128xf32, #tpu.memory_space<hbm>>
      tpu.enqueue_indirect_dma source(%dma_start3A_210 : memref<100000x128xf32, #tpu.memory_space<hbm>>) target(%dma_start3A_204 : memref<64x128xf32, #tpu.memory_space<vmem>>) offsets(%dma_start3A_207 : memref<64xi32, #tpu.memory_space<vmem>>) semaphore(%arg11 : memref<!tpu.dma_semaphore, #tpu.memory_space<semaphore_mem>>)
      %dma_start3A_211 = arith.constant 320 : i32
      %dma_start3A_212 = arith.constant 0 : i32
      %dma_start3A_213 = tpu.memref_slice %arg6[%dma_start3A_211, %dma_start3A_212] : memref<768x128xf32, #tpu.memory_space<vmem>> -> memref<64x128xf32, #tpu.memory_space<vmem>>
      %dma_start3A_214 = arith.constant 64 : i32
      %dma_start3A_215 = tpu.memref_slice %arg5[%add3A_201, %dma_start3A_214] : memref<200x128xi32, #tpu.memory_space<vmem>> -> memref<1x64xi32, #tpu.memory_space<vmem>>
      %dma_start3A_216 = tpu.memref_squeeze %dma_start3A_215 : memref<1x64xi32, #tpu.memory_space<vmem>> -> memref<64xi32, #tpu.memory_space<vmem>>
      %dma_start3A_217 = arith.constant 0 : i32
      %dma_start3A_218 = arith.constant 0 : i32
      %dma_start3A_219 = tpu.memref_slice %arg2[%dma_start3A_217, %dma_start3A_218] : memref<100000x128xf32, #tpu.memory_space<hbm>> -> memref<100000x128xf32, #tpu.memory_space<hbm>>
      tpu.enqueue_indirect_dma source(%dma_start3A_219 : memref<100000x128xf32, #tpu.memory_space<hbm>>) target(%dma_start3A_213 : memref<64x128xf32, #tpu.memory_space<vmem>>) offsets(%dma_start3A_216 : memref<64xi32, #tpu.memory_space<vmem>>) semaphore(%arg12 : memref<!tpu.dma_semaphore, #tpu.memory_space<semaphore_mem>>)
      %add3A_220 = arith.constant 3 : i32
      %add3A_221 = arith.addi %mul3A_152, %add3A_220 : i32
      %dma_start3A_222 = arith.constant 384 : i32
      %dma_start3A_223 = arith.constant 0 : i32
      %dma_start3A_224 = tpu.memref_slice %arg6[%dma_start3A_222, %dma_start3A_223] : memref<768x128xf32, #tpu.memory_space<vmem>> -> memref<64x128xf32, #tpu.memory_space<vmem>>
      %dma_start3A_225 = arith.constant 0 : i32
      %dma_start3A_226 = tpu.memref_slice %arg5[%add3A_221, %dma_start3A_225] : memref<200x128xi32, #tpu.memory_space<vmem>> -> memref<1x64xi32, #tpu.memory_space<vmem>>
      %dma_start3A_227 = tpu.memref_squeeze %dma_start3A_226 : memref<1x64xi32, #tpu.memory_space<vmem>> -> memref<64xi32, #tpu.memory_space<vmem>>
      %dma_start3A_228 = arith.constant 0 : i32
      %dma_start3A_229 = arith.constant 0 : i32
      %dma_start3A_230 = tpu.memref_slice %arg2[%dma_start3A_228, %dma_start3A_229] : memref<100000x128xf32, #tpu.memory_space<hbm>> -> memref<100000x128xf32, #tpu.memory_space<hbm>>
      tpu.enqueue_indirect_dma source(%dma_start3A_230 : memref<100000x128xf32, #tpu.memory_space<hbm>>) target(%dma_start3A_224 : memref<64x128xf32, #tpu.memory_space<vmem>>) offsets(%dma_start3A_227 : memref<64xi32, #tpu.memory_space<vmem>>) semaphore(%arg13 : memref<!tpu.dma_semaphore, #tpu.memory_space<semaphore_mem>>)
      %dma_start3A_231 = arith.constant 448 : i32
      %dma_start3A_232 = arith.constant 0 : i32
      %dma_start3A_233 = tpu.memref_slice %arg6[%dma_start3A_231, %dma_start3A_232] : memref<768x128xf32, #tpu.memory_space<vmem>> -> memref<64x128xf32, #tpu.memory_space<vmem>>
      %dma_start3A_234 = arith.constant 64 : i32
      %dma_start3A_235 = tpu.memref_slice %arg5[%add3A_221, %dma_start3A_234] : memref<200x128xi32, #tpu.memory_space<vmem>> -> memref<1x64xi32, #tpu.memory_space<vmem>>
      %dma_start3A_236 = tpu.memref_squeeze %dma_start3A_235 : memref<1x64xi32, #tpu.memory_space<vmem>> -> memref<64xi32, #tpu.memory_space<vmem>>
      %dma_start3A_237 = arith.constant 0 : i32
      %dma_start3A_238 = arith.constant 0 : i32
      %dma_start3A_239 = tpu.memref_slice %arg2[%dma_start3A_237, %dma_start3A_238] : memref<100000x128xf32, #tpu.memory_space<hbm>> -> memref<100000x128xf32, #tpu.memory_space<hbm>>
      tpu.enqueue_indirect_dma source(%dma_start3A_239 : memref<100000x128xf32, #tpu.memory_space<hbm>>) target(%dma_start3A_233 : memref<64x128xf32, #tpu.memory_space<vmem>>) offsets(%dma_start3A_236 : memref<64xi32, #tpu.memory_space<vmem>>) semaphore(%arg14 : memref<!tpu.dma_semaphore, #tpu.memory_space<semaphore_mem>>)
      %gt3A_240 = arith.constant 0 : i32
      %gt3A_241 = arith.cmpi sgt, %scan3A_150, %gt3A_240 : i32
      %convert_element_type3A_242 = arith.extui %gt3A_241 : i1 to i32
      %cond3A_243 = arith.constant 0 : i32
      %cond3A_244 = arith.cmpi ne, %convert_element_type3A_242, %cond3A_243 : i32
      scf.if %cond3A_244 {
        %dma_wait3A_479 = arith.constant 512 : i32
        %dma_wait3A_480 = arith.constant 0 : i32
        %dma_wait3A_481 = tpu.memref_slice %arg6[%dma_wait3A_479, %dma_wait3A_480] : memref<768x128xf32, #tpu.memory_space<vmem>> -> memref<256x128xf32, #tpu.memory_space<vmem>>
        %dma_wait3A_482 = arith.constant 0 : i32
        %dma_wait3A_483 = tpu.memref_slice %arg4[%mul3A_2, %dma_wait3A_482] : memref<819200x128xf32, #tpu.memory_space<hbm>> -> memref<256x128xf32, #tpu.memory_space<hbm>>
        %dma_wait3A_484 = arith.constant 0 : i32
        %dma_wait3A_485 = tpu.memref_slice %arg4[%mul3A_2, %dma_wait3A_484] : memref<819200x128xf32, #tpu.memory_space<hbm>> -> memref<256x128xf32, #tpu.memory_space<hbm>>
        %dma_wait3A_486 = arith.constant 512 : i32
        %dma_wait3A_487 = arith.constant 0 : i32
        %dma_wait3A_488 = tpu.memref_slice %arg6[%dma_wait3A_486, %dma_wait3A_487] : memref<768x128xf32, #tpu.memory_space<vmem>> -> memref<256x128xf32, #tpu.memory_space<vmem>>
        tpu.wait_dma2 semaphore(%arg21 : memref<!tpu.dma_semaphore, #tpu.memory_space<semaphore_mem>>) src(%dma_wait3A_488 : memref<256x128xf32, #tpu.memory_space<vmem>>) dst(%dma_wait3A_485 : memref<256x128xf32, #tpu.memory_space<hbm>>)
      } else {
      }
      %add3A_245 = arith.constant 4 : i32
      %add3A_246 = arith.addi %mul3A_152, %add3A_245 : i32
      %dma_start3A_247 = arith.constant 512 : i32
      %dma_start3A_248 = arith.constant 0 : i32
      %dma_start3A_249 = tpu.memref_slice %arg6[%dma_start3A_247, %dma_start3A_248] : memref<768x128xf32, #tpu.memory_space<vmem>> -> memref<64x128xf32, #tpu.memory_space<vmem>>
      %dma_start3A_250 = arith.constant 0 : i32
      %dma_start3A_251 = tpu.memref_slice %arg5[%add3A_246, %dma_start3A_250] : memref<200x128xi32, #tpu.memory_space<vmem>> -> memref<1x64xi32, #tpu.memory_space<vmem>>
      %dma_start3A_252 = tpu.memref_squeeze %dma_start3A_251 : memref<1x64xi32, #tpu.memory_space<vmem>> -> memref<64xi32, #tpu.memory_space<vmem>>
      %dma_start3A_253 = arith.constant 0 : i32
      %dma_start3A_254 = arith.constant 0 : i32
      %dma_start3A_255 = tpu.memref_slice %arg2[%dma_start3A_253, %dma_start3A_254] : memref<100000x128xf32, #tpu.memory_space<hbm>> -> memref<100000x128xf32, #tpu.memory_space<hbm>>
      tpu.enqueue_indirect_dma source(%dma_start3A_255 : memref<100000x128xf32, #tpu.memory_space<hbm>>) target(%dma_start3A_249 : memref<64x128xf32, #tpu.memory_space<vmem>>) offsets(%dma_start3A_252 : memref<64xi32, #tpu.memory_space<vmem>>) semaphore(%arg15 : memref<!tpu.dma_semaphore, #tpu.memory_space<semaphore_mem>>)
      %dma_start3A_256 = arith.constant 576 : i32
      %dma_start3A_257 = arith.constant 0 : i32
      %dma_start3A_258 = tpu.memref_slice %arg6[%dma_start3A_256, %dma_start3A_257] : memref<768x128xf32, #tpu.memory_space<vmem>> -> memref<64x128xf32, #tpu.memory_space<vmem>>
      %dma_start3A_259 = arith.constant 64 : i32
      %dma_start3A_260 = tpu.memref_slice %arg5[%add3A_246, %dma_start3A_259] : memref<200x128xi32, #tpu.memory_space<vmem>> -> memref<1x64xi32, #tpu.memory_space<vmem>>
      %dma_start3A_261 = tpu.memref_squeeze %dma_start3A_260 : memref<1x64xi32, #tpu.memory_space<vmem>> -> memref<64xi32, #tpu.memory_space<vmem>>
      %dma_start3A_262 = arith.constant 0 : i32
      %dma_start3A_263 = arith.constant 0 : i32
      %dma_start3A_264 = tpu.memref_slice %arg2[%dma_start3A_262, %dma_start3A_263] : memref<100000x128xf32, #tpu.memory_space<hbm>> -> memref<100000x128xf32, #tpu.memory_space<hbm>>
      tpu.enqueue_indirect_dma source(%dma_start3A_264 : memref<100000x128xf32, #tpu.memory_space<hbm>>) target(%dma_start3A_258 : memref<64x128xf32, #tpu.memory_space<vmem>>) offsets(%dma_start3A_261 : memref<64xi32, #tpu.memory_space<vmem>>) semaphore(%arg16 : memref<!tpu.dma_semaphore, #tpu.memory_space<semaphore_mem>>)
      %add3A_265 = arith.constant 5 : i32
      %add3A_266 = arith.addi %mul3A_152, %add3A_265 : i32
      %dma_start3A_267 = arith.constant 640 : i32
      %dma_start3A_268 = arith.constant 0 : i32
      %dma_start3A_269 = tpu.memref_slice %arg6[%dma_start3A_267, %dma_start3A_268] : memref<768x128xf32, #tpu.memory_space<vmem>> -> memref<64x128xf32, #tpu.memory_space<vmem>>
      %dma_start3A_270 = arith.constant 0 : i32
      %dma_start3A_271 = tpu.memref_slice %arg5[%add3A_266, %dma_start3A_270] : memref<200x128xi32, #tpu.memory_space<vmem>> -> memref<1x64xi32, #tpu.memory_space<vmem>>
      %dma_start3A_272 = tpu.memref_squeeze %dma_start3A_271 : memref<1x64xi32, #tpu.memory_space<vmem>> -> memref<64xi32, #tpu.memory_space<vmem>>
      %dma_start3A_273 = arith.constant 0 : i32
      %dma_start3A_274 = arith.constant 0 : i32
      %dma_start3A_275 = tpu.memref_slice %arg2[%dma_start3A_273, %dma_start3A_274] : memref<100000x128xf32, #tpu.memory_space<hbm>> -> memref<100000x128xf32, #tpu.memory_space<hbm>>
      tpu.enqueue_indirect_dma source(%dma_start3A_275 : memref<100000x128xf32, #tpu.memory_space<hbm>>) target(%dma_start3A_269 : memref<64x128xf32, #tpu.memory_space<vmem>>) offsets(%dma_start3A_272 : memref<64xi32, #tpu.memory_space<vmem>>) semaphore(%arg17 : memref<!tpu.dma_semaphore, #tpu.memory_space<semaphore_mem>>)
      %dma_start3A_276 = arith.constant 704 : i32
      %dma_start3A_277 = arith.constant 0 : i32
      %dma_start3A_278 = tpu.memref_slice %arg6[%dma_start3A_276, %dma_start3A_277] : memref<768x128xf32, #tpu.memory_space<vmem>> -> memref<64x128xf32, #tpu.memory_space<vmem>>
      %dma_start3A_279 = arith.constant 64 : i32
      %dma_start3A_280 = tpu.memref_slice %arg5[%add3A_266, %dma_start3A_279] : memref<200x128xi32, #tpu.memory_space<vmem>> -> memref<1x64xi32, #tpu.memory_space<vmem>>
      %dma_start3A_281 = tpu.memref_squeeze %dma_start3A_280 : memref<1x64xi32, #tpu.memory_space<vmem>> -> memref<64xi32, #tpu.memory_space<vmem>>
      %dma_start3A_282 = arith.constant 0 : i32
      %dma_start3A_283 = arith.constant 0 : i32
      %dma_start3A_284 = tpu.memref_slice %arg2[%dma_start3A_282, %dma_start3A_283] : memref<100000x128xf32, #tpu.memory_space<hbm>> -> memref<100000x128xf32, #tpu.memory_space<hbm>>
      tpu.enqueue_indirect_dma source(%dma_start3A_284 : memref<100000x128xf32, #tpu.memory_space<hbm>>) target(%dma_start3A_278 : memref<64x128xf32, #tpu.memory_space<vmem>>) offsets(%dma_start3A_281 : memref<64xi32, #tpu.memory_space<vmem>>) semaphore(%arg18 : memref<!tpu.dma_semaphore, #tpu.memory_space<semaphore_mem>>)
      %dma_wait3A_285 = arith.constant 0 : i32
      %dma_wait3A_286 = arith.constant 0 : i32
      %dma_wait3A_287 = tpu.memref_slice %arg6[%dma_wait3A_285, %dma_wait3A_286] : memref<768x128xf32, #tpu.memory_space<vmem>> -> memref<64x128xf32, #tpu.memory_space<vmem>>
      %dma_wait3A_288 = arith.constant 0 : i32
      %dma_wait3A_289 = tpu.memref_slice %arg5[%add3A_156, %dma_wait3A_288] : memref<200x128xi32, #tpu.memory_space<vmem>> -> memref<1x64xi32, #tpu.memory_space<vmem>>
      %dma_wait3A_290 = tpu.memref_squeeze %dma_wait3A_289 : memref<1x64xi32, #tpu.memory_space<vmem>> -> memref<64xi32, #tpu.memory_space<vmem>>
      %dma_wait3A_291 = arith.constant 0 : i32
      %dma_wait3A_292 = arith.constant 0 : i32
      %dma_wait3A_293 = tpu.memref_slice %arg2[%dma_wait3A_291, %dma_wait3A_292] : memref<100000x128xf32, #tpu.memory_space<hbm>> -> memref<100000x128xf32, #tpu.memory_space<hbm>>
      tpu.wait_indirect_dma semaphore(%arg7 : memref<!tpu.dma_semaphore, #tpu.memory_space<semaphore_mem>>) src(%dma_wait3A_293 : memref<100000x128xf32, #tpu.memory_space<hbm>>) dst(%dma_wait3A_287 : memref<64x128xf32, #tpu.memory_space<vmem>>)
      %dma_wait3A_294 = arith.constant 64 : i32
      %dma_wait3A_295 = arith.constant 0 : i32
      %dma_wait3A_296 = tpu.memref_slice %arg6[%dma_wait3A_294, %dma_wait3A_295] : memref<768x128xf32, #tpu.memory_space<vmem>> -> memref<64x128xf32, #tpu.memory_space<vmem>>
      %dma_wait3A_297 = arith.constant 64 : i32
      %dma_wait3A_298 = tpu.memref_slice %arg5[%add3A_156, %dma_wait3A_297] : memref<200x128xi32, #tpu.memory_space<vmem>> -> memref<1x64xi32, #tpu.memory_space<vmem>>
      %dma_wait3A_299 = tpu.memref_squeeze %dma_wait3A_298 : memref<1x64xi32, #tpu.memory_space<vmem>> -> memref<64xi32, #tpu.memory_space<vmem>>
      %dma_wait3A_300 = arith.constant 0 : i32
      %dma_wait3A_301 = arith.constant 0 : i32
      %dma_wait3A_302 = tpu.memref_slice %arg2[%dma_wait3A_300, %dma_wait3A_301] : memref<100000x128xf32, #tpu.memory_space<hbm>> -> memref<100000x128xf32, #tpu.memory_space<hbm>>
      tpu.wait_indirect_dma semaphore(%arg8 : memref<!tpu.dma_semaphore, #tpu.memory_space<semaphore_mem>>) src(%dma_wait3A_302 : memref<100000x128xf32, #tpu.memory_space<hbm>>) dst(%dma_wait3A_296 : memref<64x128xf32, #tpu.memory_space<vmem>>)
      %scan3A_303 = arith.constant 0 : i32
      %scan3A_304 = arith.constant 0 : i32
      %scan3A_305 = arith.constant 64 : i32
      %scan3A_306 = arith.addi %scan3A_304, %scan3A_305 : i32
      %scan3A_307 = arith.constant 1 : i32
      scf.for %scan3A_479 = %scan3A_304 to %scan3A_306 step %scan3A_307  : i32 {
        %mul3A_480 = arith.constant 2 : i32
        %mul3A_481 = arith.muli %mul3A_480, %scan3A_479 : i32
        %add3A_482 = arith.constant 0 : i32
        %add3A_483 = arith.addi %add3A_482, %mul3A_481 : i32
        %add3A_484 = arith.constant 0 : i32
        %add3A_485 = arith.addi %add3A_483, %add3A_484 : i32
        %get3A = arith.index_cast %add3A_485 : i32 to index
        %get3A_486 = arith.constant 0 : index
        %get3A_487 = tpu.vector_load %arg6[%get3A, %get3A_486] {strides = array<i32>} : memref<768x128xf32, #tpu.memory_space<vmem>>, vector<1x16xf32>,
        %get3A_488 = vector.shape_cast %get3A_487 : vector<1x16xf32> to vector<16xf32>
        %mul3A_489 = arith.constant 11.3137083 : f32
        %mul3A_490 = vector.broadcast %mul3A_489 : f32 to vector<16xf32>
        %mul3A_491 = arith.mulf %get3A_488, %mul3A_490 : vector<16xf32>
        %swap3A = arith.index_cast %add3A_485 : i32 to index
        %swap3A_492 = arith.constant 0 : index
        %swap3A_493 = tpu.vector_load %arg6[%swap3A, %swap3A_492] {strides = array<i32>} : memref<768x128xf32, #tpu.memory_space<vmem>>, vector<1x16xf32>,
        %swap3A_494 = vector.shape_cast %swap3A_493 : vector<1x16xf32> to vector<16xf32>
        %swap3A_495 = vector.shape_cast %mul3A_491 : vector<16xf32> to vector<1x16xf32>
        tpu.vector_store %arg6[%swap3A, %swap3A_492], %swap3A_495 {strides = array<i32>} : memref<768x128xf32, #tpu.memory_space<vmem>>, vector<1x16xf32>,
        %mul3A_496 = arith.constant 2 : i32
        %mul3A_497 = arith.muli %mul3A_496, %scan3A_479 : i32
        %add3A_498 = arith.constant 0 : i32
        %add3A_499 = arith.addi %add3A_498, %mul3A_497 : i32
        %add3A_500 = arith.constant 0 : i32
        %add3A_501 = arith.addi %add3A_499, %add3A_500 : i32
        %get3A_502 = arith.index_cast %add3A_501 : i32 to index
        %get3A_503 = arith.constant 16 : index
        %get3A_504 = tpu.vector_load %arg6[%get3A_502, %get3A_503] {strides = array<i32>} : memref<768x128xf32, #tpu.memory_space<vmem>>, vector<1x16xf32>,
        %get3A_505 = vector.shape_cast %get3A_504 : vector<1x16xf32> to vector<16xf32>
        %mul3A_506 = arith.constant 11.3137083 : f32
        %mul3A_507 = vector.broadcast %mul3A_506 : f32 to vector<16xf32>
        %mul3A_508 = arith.mulf %get3A_505, %mul3A_507 : vector<16xf32>
        %swap3A_509 = arith.index_cast %add3A_501 : i32 to index
        %swap3A_510 = arith.constant 16 : index
        %swap3A_511 = tpu.vector_load %arg6[%swap3A_509, %swap3A_510] {strides = array<i32>} : memref<768x128xf32, #tpu.memory_space<vmem>>, vector<1x16xf32>,
        %swap3A_512 = vector.shape_cast %swap3A_511 : vector<1x16xf32> to vector<16xf32>
        %swap3A_513 = vector.shape_cast %mul3A_508 : vector<16xf32> to vector<1x16xf32>
        tpu.vector_store %arg6[%swap3A_509, %swap3A_510], %swap3A_513 {strides = array<i32>} : memref<768x128xf32, #tpu.memory_space<vmem>>, vector<1x16xf32>,
        %mul3A_514 = arith.constant 2 : i32
        %mul3A_515 = arith.muli %mul3A_514, %scan3A_479 : i32
        %add3A_516 = arith.constant 0 : i32
        %add3A_517 = arith.addi %add3A_516, %mul3A_515 : i32
        %add3A_518 = arith.constant 0 : i32
        %add3A_519 = arith.addi %add3A_517, %add3A_518 : i32
        %get3A_520 = arith.index_cast %add3A_519 : i32 to index
        %get3A_521 = arith.constant 32 : index
        %get3A_522 = tpu.vector_load %arg6[%get3A_520, %get3A_521] {strides = array<i32>} : memref<768x128xf32, #tpu.memory_space<vmem>>, vector<1x16xf32>,
        %get3A_523 = vector.shape_cast %get3A_522 : vector<1x16xf32> to vector<16xf32>
        %mul3A_524 = arith.constant 11.3137083 : f32
        %mul3A_525 = vector.broadcast %mul3A_524 : f32 to vector<16xf32>
        %mul3A_526 = arith.mulf %get3A_523, %mul3A_525 : vector<16xf32>
        %swap3A_527 = arith.index_cast %add3A_519 : i32 to index
        %swap3A_528 = arith.constant 32 : index
        %swap3A_529 = tpu.vector_load %arg6[%swap3A_527, %swap3A_528] {strides = array<i32>} : memref<768x128xf32, #tpu.memory_space<vmem>>, vector<1x16xf32>,
        %swap3A_530 = vector.shape_cast %swap3A_529 : vector<1x16xf32> to vector<16xf32>
        %swap3A_531 = vector.shape_cast %mul3A_526 : vector<16xf32> to vector<1x16xf32>
        tpu.vector_store %arg6[%swap3A_527, %swap3A_528], %swap3A_531 {strides = array<i32>} : memref<768x128xf32, #tpu.memory_space<vmem>>, vector<1x16xf32>,
        %mul3A_532 = arith.constant 2 : i32
        %mul3A_533 = arith.muli %mul3A_532, %scan3A_479 : i32
        %add3A_534 = arith.constant 0 : i32
        %add3A_535 = arith.addi %add3A_534, %mul3A_533 : i32
        %add3A_536 = arith.constant 0 : i32
        %add3A_537 = arith.addi %add3A_535, %add3A_536 : i32
        %get3A_538 = arith.index_cast %add3A_537 : i32 to index
        %get3A_539 = arith.constant 48 : index
        %get3A_540 = tpu.vector_load %arg6[%get3A_538, %get3A_539] {strides = array<i32>} : memref<768x128xf32, #tpu.memory_space<vmem>>, vector<1x16xf32>,
        %get3A_541 = vector.shape_cast %get3A_540 : vector<1x16xf32> to vector<16xf32>
        %mul3A_542 = arith.constant 11.3137083 : f32
        %mul3A_543 = vector.broadcast %mul3A_542 : f32 to vector<16xf32>
        %mul3A_544 = arith.mulf %get3A_541, %mul3A_543 : vector<16xf32>
        %swap3A_545 = arith.index_cast %add3A_537 : i32 to index
        %swap3A_546 = arith.constant 48 : index
        %swap3A_547 = tpu.vector_load %arg6[%swap3A_545, %swap3A_546] {strides = array<i32>} : memref<768x128xf32, #tpu.memory_space<vmem>>, vector<1x16xf32>,
        %swap3A_548 = vector.shape_cast %swap3A_547 : vector<1x16xf32> to vector<16xf32>
        %swap3A_549 = vector.shape_cast %mul3A_544 : vector<16xf32> to vector<1x16xf32>
        tpu.vector_store %arg6[%swap3A_545, %swap3A_546], %swap3A_549 {strides = array<i32>} : memref<768x128xf32, #tpu.memory_space<vmem>>, vector<1x16xf32>,
        %mul3A_550 = arith.constant 2 : i32
        %mul3A_551 = arith.muli %mul3A_550, %scan3A_479 : i32
        %add3A_552 = arith.constant 0 : i32
        %add3A_553 = arith.addi %add3A_552, %mul3A_551 : i32
        %add3A_554 = arith.constant 0 : i32
        %add3A_555 = arith.addi %add3A_553, %add3A_554 : i32
        %get3A_556 = arith.index_cast %add3A_555 : i32 to index
        %get3A_557 = arith.constant 64 : index
        %get3A_558 = tpu.vector_load %arg6[%get3A_556, %get3A_557] {strides = array<i32>} : memref<768x128xf32, #tpu.memory_space<vmem>>, vector<1x16xf32>,
        %get3A_559 = vector.shape_cast %get3A_558 : vector<1x16xf32> to vector<16xf32>
        %mul3A_560 = arith.constant 11.3137083 : f32
        %mul3A_561 = vector.broadcast %mul3A_560 : f32 to vector<16xf32>
        %mul3A_562 = arith.mulf %get3A_559, %mul3A_561 : vector<16xf32>
        %swap3A_563 = arith.index_cast %add3A_555 : i32 to index
        %swap3A_564 = arith.constant 64 : index
        %swap3A_565 = tpu.vector_load %arg6[%swap3A_563, %swap3A_564] {strides = array<i32>} : memref<768x128xf32, #tpu.memory_space<vmem>>, vector<1x16xf32>,
        %swap3A_566 = vector.shape_cast %swap3A_565 : vector<1x16xf32> to vector<16xf32>
        %swap3A_567 = vector.shape_cast %mul3A_562 : vector<16xf32> to vector<1x16xf32>
        tpu.vector_store %arg6[%swap3A_563, %swap3A_564], %swap3A_567 {strides = array<i32>} : memref<768x128xf32, #tpu.memory_space<vmem>>, vector<1x16xf32>,
        %mul3A_568 = arith.constant 2 : i32
        %mul3A_569 = arith.muli %mul3A_568, %scan3A_479 : i32
        %add3A_570 = arith.constant 0 : i32
        %add3A_571 = arith.addi %add3A_570, %mul3A_569 : i32
        %add3A_572 = arith.constant 0 : i32
        %add3A_573 = arith.addi %add3A_571, %add3A_572 : i32
        %get3A_574 = arith.index_cast %add3A_573 : i32 to index
        %get3A_575 = arith.constant 80 : index
        %get3A_576 = tpu.vector_load %arg6[%get3A_574, %get3A_575] {strides = array<i32>} : memref<768x128xf32, #tpu.memory_space<vmem>>, vector<1x16xf32>,
        %get3A_577 = vector.shape_cast %get3A_576 : vector<1x16xf32> to vector<16xf32>
        %mul3A_578 = arith.constant 11.3137083 : f32
        %mul3A_579 = vector.broadcast %mul3A_578 : f32 to vector<16xf32>
        %mul3A_580 = arith.mulf %get3A_577, %mul3A_579 : vector<16xf32>
        %swap3A_581 = arith.index_cast %add3A_573 : i32 to index
        %swap3A_582 = arith.constant 80 : index
        %swap3A_583 = tpu.vector_load %arg6[%swap3A_581, %swap3A_582] {strides = array<i32>} : memref<768x128xf32, #tpu.memory_space<vmem>>, vector<1x16xf32>,
        %swap3A_584 = vector.shape_cast %swap3A_583 : vector<1x16xf32> to vector<16xf32>
        %swap3A_585 = vector.shape_cast %mul3A_580 : vector<16xf32> to vector<1x16xf32>
        tpu.vector_store %arg6[%swap3A_581, %swap3A_582], %swap3A_585 {strides = array<i32>} : memref<768x128xf32, #tpu.memory_space<vmem>>, vector<1x16xf32>,
        %mul3A_586 = arith.constant 2 : i32
        %mul3A_587 = arith.muli %mul3A_586, %scan3A_479 : i32
        %add3A_588 = arith.constant 0 : i32
        %add3A_589 = arith.addi %add3A_588, %mul3A_587 : i32
        %add3A_590 = arith.constant 0 : i32
        %add3A_591 = arith.addi %add3A_589, %add3A_590 : i32
        %get3A_592 = arith.index_cast %add3A_591 : i32 to index
        %get3A_593 = arith.constant 96 : index
        %get3A_594 = tpu.vector_load %arg6[%get3A_592, %get3A_593] {strides = array<i32>} : memref<768x128xf32, #tpu.memory_space<vmem>>, vector<1x16xf32>,
        %get3A_595 = vector.shape_cast %get3A_594 : vector<1x16xf32> to vector<16xf32>
        %mul3A_596 = arith.constant 11.3137083 : f32
        %mul3A_597 = vector.broadcast %mul3A_596 : f32 to vector<16xf32>
        %mul3A_598 = arith.mulf %get3A_595, %mul3A_597 : vector<16xf32>
        %swap3A_599 = arith.index_cast %add3A_591 : i32 to index
        %swap3A_600 = arith.constant 96 : index
        %swap3A_601 = tpu.vector_load %arg6[%swap3A_599, %swap3A_600] {strides = array<i32>} : memref<768x128xf32, #tpu.memory_space<vmem>>, vector<1x16xf32>,
        %swap3A_602 = vector.shape_cast %swap3A_601 : vector<1x16xf32> to vector<16xf32>
        %swap3A_603 = vector.shape_cast %mul3A_598 : vector<16xf32> to vector<1x16xf32>
        tpu.vector_store %arg6[%swap3A_599, %swap3A_600], %swap3A_603 {strides = array<i32>} : memref<768x128xf32, #tpu.memory_space<vmem>>, vector<1x16xf32>,
        %mul3A_604 = arith.constant 2 : i32
        %mul3A_605 = arith.muli %mul3A_604, %scan3A_479 : i32
        %add3A_606 = arith.constant 0 : i32
        %add3A_607 = arith.addi %add3A_606, %mul3A_605 : i32
        %add3A_608 = arith.constant 0 : i32
        %add3A_609 = arith.addi %add3A_607, %add3A_608 : i32
        %get3A_610 = arith.index_cast %add3A_609 : i32 to index
        %get3A_611 = arith.constant 112 : index
        %get3A_612 = tpu.vector_load %arg6[%get3A_610, %get3A_611] {strides = array<i32>} : memref<768x128xf32, #tpu.memory_space<vmem>>, vector<1x16xf32>,
        %get3A_613 = vector.shape_cast %get3A_612 : vector<1x16xf32> to vector<16xf32>
        %mul3A_614 = arith.constant 11.3137083 : f32
        %mul3A_615 = vector.broadcast %mul3A_614 : f32 to vector<16xf32>
        %mul3A_616 = arith.mulf %get3A_613, %mul3A_615 : vector<16xf32>
        %swap3A_617 = arith.index_cast %add3A_609 : i32 to index
        %swap3A_618 = arith.constant 112 : index
        %swap3A_619 = tpu.vector_load %arg6[%swap3A_617, %swap3A_618] {strides = array<i32>} : memref<768x128xf32, #tpu.memory_space<vmem>>, vector<1x16xf32>,
        %swap3A_620 = vector.shape_cast %swap3A_619 : vector<1x16xf32> to vector<16xf32>
        %swap3A_621 = vector.shape_cast %mul3A_616 : vector<16xf32> to vector<1x16xf32>
        tpu.vector_store %arg6[%swap3A_617, %swap3A_618], %swap3A_621 {strides = array<i32>} : memref<768x128xf32, #tpu.memory_space<vmem>>, vector<1x16xf32>,
        %mul3A_622 = arith.constant 2 : i32
        %mul3A_623 = arith.muli %mul3A_622, %scan3A_479 : i32
        %add3A_624 = arith.constant 0 : i32
        %add3A_625 = arith.addi %add3A_624, %mul3A_623 : i32
        %add3A_626 = arith.constant 1 : i32
        %add3A_627 = arith.addi %add3A_625, %add3A_626 : i32
        %get3A_628 = arith.index_cast %add3A_627 : i32 to index
        %get3A_629 = arith.constant 0 : index
        %get3A_630 = tpu.vector_load %arg6[%get3A_628, %get3A_629] {strides = array<i32>} : memref<768x128xf32, #tpu.memory_space<vmem>>, vector<1x16xf32>,
        %get3A_631 = vector.shape_cast %get3A_630 : vector<1x16xf32> to vector<16xf32>
        %mul3A_632 = arith.constant 11.3137083 : f32
        %mul3A_633 = vector.broadcast %mul3A_632 : f32 to vector<16xf32>
        %mul3A_634 = arith.mulf %get3A_631, %mul3A_633 : vector<16xf32>
        %swap3A_635 = arith.index_cast %add3A_627 : i32 to index
        %swap3A_636 = arith.constant 0 : index
        %swap3A_637 = tpu.vector_load %arg6[%swap3A_635, %swap3A_636] {strides = array<i32>} : memref<768x128xf32, #tpu.memory_space<vmem>>, vector<1x16xf32>,
        %swap3A_638 = vector.shape_cast %swap3A_637 : vector<1x16xf32> to vector<16xf32>
        %swap3A_639 = vector.shape_cast %mul3A_634 : vector<16xf32> to vector<1x16xf32>
        tpu.vector_store %arg6[%swap3A_635, %swap3A_636], %swap3A_639 {strides = array<i32>} : memref<768x128xf32, #tpu.memory_space<vmem>>, vector<1x16xf32>,
        %mul3A_640 = arith.constant 2 : i32
        %mul3A_641 = arith.muli %mul3A_640, %scan3A_479 : i32
        %add3A_642 = arith.constant 0 : i32
        %add3A_643 = arith.addi %add3A_642, %mul3A_641 : i32
        %add3A_644 = arith.constant 1 : i32
        %add3A_645 = arith.addi %add3A_643, %add3A_644 : i32
        %get3A_646 = arith.index_cast %add3A_645 : i32 to index
        %get3A_647 = arith.constant 16 : index
        %get3A_648 = tpu.vector_load %arg6[%get3A_646, %get3A_647] {strides = array<i32>} : memref<768x128xf32, #tpu.memory_space<vmem>>, vector<1x16xf32>,
        %get3A_649 = vector.shape_cast %get3A_648 : vector<1x16xf32> to vector<16xf32>
        %mul3A_650 = arith.constant 11.3137083 : f32
        %mul3A_651 = vector.broadcast %mul3A_650 : f32 to vector<16xf32>
        %mul3A_652 = arith.mulf %get3A_649, %mul3A_651 : vector<16xf32>
        %swap3A_653 = arith.index_cast %add3A_645 : i32 to index
        %swap3A_654 = arith.constant 16 : index
        %swap3A_655 = tpu.vector_load %arg6[%swap3A_653, %swap3A_654] {strides = array<i32>} : memref<768x128xf32, #tpu.memory_space<vmem>>, vector<1x16xf32>,
        %swap3A_656 = vector.shape_cast %swap3A_655 : vector<1x16xf32> to vector<16xf32>
        %swap3A_657 = vector.shape_cast %mul3A_652 : vector<16xf32> to vector<1x16xf32>
        tpu.vector_store %arg6[%swap3A_653, %swap3A_654], %swap3A_657 {strides = array<i32>} : memref<768x128xf32, #tpu.memory_space<vmem>>, vector<1x16xf32>,
        %mul3A_658 = arith.constant 2 : i32
        %mul3A_659 = arith.muli %mul3A_658, %scan3A_479 : i32
        %add3A_660 = arith.constant 0 : i32
        %add3A_661 = arith.addi %add3A_660, %mul3A_659 : i32
        %add3A_662 = arith.constant 1 : i32
        %add3A_663 = arith.addi %add3A_661, %add3A_662 : i32
        %get3A_664 = arith.index_cast %add3A_663 : i32 to index
        %get3A_665 = arith.constant 32 : index
        %get3A_666 = tpu.vector_load %arg6[%get3A_664, %get3A_665] {strides = array<i32>} : memref<768x128xf32, #tpu.memory_space<vmem>>, vector<1x16xf32>,
        %get3A_667 = vector.shape_cast %get3A_666 : vector<1x16xf32> to vector<16xf32>
        %mul3A_668 = arith.constant 11.3137083 : f32
        %mul3A_669 = vector.broadcast %mul3A_668 : f32 to vector<16xf32>
        %mul3A_670 = arith.mulf %get3A_667, %mul3A_669 : vector<16xf32>
        %swap3A_671 = arith.index_cast %add3A_663 : i32 to index
        %swap3A_672 = arith.constant 32 : index
        %swap3A_673 = tpu.vector_load %arg6[%swap3A_671, %swap3A_672] {strides = array<i32>} : memref<768x128xf32, #tpu.memory_space<vmem>>, vector<1x16xf32>,
        %swap3A_674 = vector.shape_cast %swap3A_673 : vector<1x16xf32> to vector<16xf32>
        %swap3A_675 = vector.shape_cast %mul3A_670 : vector<16xf32> to vector<1x16xf32>
        tpu.vector_store %arg6[%swap3A_671, %swap3A_672], %swap3A_675 {strides = array<i32>} : memref<768x128xf32, #tpu.memory_space<vmem>>, vector<1x16xf32>,
        %mul3A_676 = arith.constant 2 : i32
        %mul3A_677 = arith.muli %mul3A_676, %scan3A_479 : i32
        %add3A_678 = arith.constant 0 : i32
        %add3A_679 = arith.addi %add3A_678, %mul3A_677 : i32
        %add3A_680 = arith.constant 1 : i32
        %add3A_681 = arith.addi %add3A_679, %add3A_680 : i32
        %get3A_682 = arith.index_cast %add3A_681 : i32 to index
        %get3A_683 = arith.constant 48 : index
        %get3A_684 = tpu.vector_load %arg6[%get3A_682, %get3A_683] {strides = array<i32>} : memref<768x128xf32, #tpu.memory_space<vmem>>, vector<1x16xf32>,
        %get3A_685 = vector.shape_cast %get3A_684 : vector<1x16xf32> to vector<16xf32>
        %mul3A_686 = arith.constant 11.3137083 : f32
        %mul3A_687 = vector.broadcast %mul3A_686 : f32 to vector<16xf32>
        %mul3A_688 = arith.mulf %get3A_685, %mul3A_687 : vector<16xf32>
        %swap3A_689 = arith.index_cast %add3A_681 : i32 to index
        %swap3A_690 = arith.constant 48 : index
        %swap3A_691 = tpu.vector_load %arg6[%swap3A_689, %swap3A_690] {strides = array<i32>} : memref<768x128xf32, #tpu.memory_space<vmem>>, vector<1x16xf32>,
        %swap3A_692 = vector.shape_cast %swap3A_691 : vector<1x16xf32> to vector<16xf32>
        %swap3A_693 = vector.shape_cast %mul3A_688 : vector<16xf32> to vector<1x16xf32>
        tpu.vector_store %arg6[%swap3A_689, %swap3A_690], %swap3A_693 {strides = array<i32>} : memref<768x128xf32, #tpu.memory_space<vmem>>, vector<1x16xf32>,
        %mul3A_694 = arith.constant 2 : i32
        %mul3A_695 = arith.muli %mul3A_694, %scan3A_479 : i32
        %add3A_696 = arith.constant 0 : i32
        %add3A_697 = arith.addi %add3A_696, %mul3A_695 : i32
        %add3A_698 = arith.constant 1 : i32
        %add3A_699 = arith.addi %add3A_697, %add3A_698 : i32
        %get3A_700 = arith.index_cast %add3A_699 : i32 to index
        %get3A_701 = arith.constant 64 : index
        %get3A_702 = tpu.vector_load %arg6[%get3A_700, %get3A_701] {strides = array<i32>} : memref<768x128xf32, #tpu.memory_space<vmem>>, vector<1x16xf32>,
        %get3A_703 = vector.shape_cast %get3A_702 : vector<1x16xf32> to vector<16xf32>
        %mul3A_704 = arith.constant 11.3137083 : f32
        %mul3A_705 = vector.broadcast %mul3A_704 : f32 to vector<16xf32>
        %mul3A_706 = arith.mulf %get3A_703, %mul3A_705 : vector<16xf32>
        %swap3A_707 = arith.index_cast %add3A_699 : i32 to index
        %swap3A_708 = arith.constant 64 : index
        %swap3A_709 = tpu.vector_load %arg6[%swap3A_707, %swap3A_708] {strides = array<i32>} : memref<768x128xf32, #tpu.memory_space<vmem>>, vector<1x16xf32>,
        %swap3A_710 = vector.shape_cast %swap3A_709 : vector<1x16xf32> to vector<16xf32>
        %swap3A_711 = vector.shape_cast %mul3A_706 : vector<16xf32> to vector<1x16xf32>
        tpu.vector_store %arg6[%swap3A_707, %swap3A_708], %swap3A_711 {strides = array<i32>} : memref<768x128xf32, #tpu.memory_space<vmem>>, vector<1x16xf32>,
        %mul3A_712 = arith.constant 2 : i32
        %mul3A_713 = arith.muli %mul3A_712, %scan3A_479 : i32
        %add3A_714 = arith.constant 0 : i32
        %add3A_715 = arith.addi %add3A_714, %mul3A_713 : i32
        %add3A_716 = arith.constant 1 : i32
        %add3A_717 = arith.addi %add3A_715, %add3A_716 : i32
        %get3A_718 = arith.index_cast %add3A_717 : i32 to index
        %get3A_719 = arith.constant 80 : index
        %get3A_720 = tpu.vector_load %arg6[%get3A_718, %get3A_719] {strides = array<i32>} : memref<768x128xf32, #tpu.memory_space<vmem>>, vector<1x16xf32>,
        %get3A_721 = vector.shape_cast %get3A_720 : vector<1x16xf32> to vector<16xf32>
        %mul3A_722 = arith.constant 11.3137083 : f32
        %mul3A_723 = vector.broadcast %mul3A_722 : f32 to vector<16xf32>
        %mul3A_724 = arith.mulf %get3A_721, %mul3A_723 : vector<16xf32>
        %swap3A_725 = arith.index_cast %add3A_717 : i32 to index
        %swap3A_726 = arith.constant 80 : index
        %swap3A_727 = tpu.vector_load %arg6[%swap3A_725, %swap3A_726] {strides = array<i32>} : memref<768x128xf32, #tpu.memory_space<vmem>>, vector<1x16xf32>,
        %swap3A_728 = vector.shape_cast %swap3A_727 : vector<1x16xf32> to vector<16xf32>
        %swap3A_729 = vector.shape_cast %mul3A_724 : vector<16xf32> to vector<1x16xf32>
        tpu.vector_store %arg6[%swap3A_725, %swap3A_726], %swap3A_729 {strides = array<i32>} : memref<768x128xf32, #tpu.memory_space<vmem>>, vector<1x16xf32>,
        %mul3A_730 = arith.constant 2 : i32
        %mul3A_731 = arith.muli %mul3A_730, %scan3A_479 : i32
        %add3A_732 = arith.constant 0 : i32
        %add3A_733 = arith.addi %add3A_732, %mul3A_731 : i32
        %add3A_734 = arith.constant 1 : i32
        %add3A_735 = arith.addi %add3A_733, %add3A_734 : i32
        %get3A_736 = arith.index_cast %add3A_735 : i32 to index
        %get3A_737 = arith.constant 96 : index
        %get3A_738 = tpu.vector_load %arg6[%get3A_736, %get3A_737] {strides = array<i32>} : memref<768x128xf32, #tpu.memory_space<vmem>>, vector<1x16xf32>,
        %get3A_739 = vector.shape_cast %get3A_738 : vector<1x16xf32> to vector<16xf32>
        %mul3A_740 = arith.constant 11.3137083 : f32
        %mul3A_741 = vector.broadcast %mul3A_740 : f32 to vector<16xf32>
        %mul3A_742 = arith.mulf %get3A_739, %mul3A_741 : vector<16xf32>
        %swap3A_743 = arith.index_cast %add3A_735 : i32 to index
        %swap3A_744 = arith.constant 96 : index
        %swap3A_745 = tpu.vector_load %arg6[%swap3A_743, %swap3A_744] {strides = array<i32>} : memref<768x128xf32, #tpu.memory_space<vmem>>, vector<1x16xf32>,
        %swap3A_746 = vector.shape_cast %swap3A_745 : vector<1x16xf32> to vector<16xf32>
        %swap3A_747 = vector.shape_cast %mul3A_742 : vector<16xf32> to vector<1x16xf32>
        tpu.vector_store %arg6[%swap3A_743, %swap3A_744], %swap3A_747 {strides = array<i32>} : memref<768x128xf32, #tpu.memory_space<vmem>>, vector<1x16xf32>,
        %mul3A_748 = arith.constant 2 : i32
        %mul3A_749 = arith.muli %mul3A_748, %scan3A_479 : i32
        %add3A_750 = arith.constant 0 : i32
        %add3A_751 = arith.addi %add3A_750, %mul3A_749 : i32
        %add3A_752 = arith.constant 1 : i32
        %add3A_753 = arith.addi %add3A_751, %add3A_752 : i32
        %get3A_754 = arith.index_cast %add3A_753 : i32 to index
        %get3A_755 = arith.constant 112 : index
        %get3A_756 = tpu.vector_load %arg6[%get3A_754, %get3A_755] {strides = array<i32>} : memref<768x128xf32, #tpu.memory_space<vmem>>, vector<1x16xf32>,
        %get3A_757 = vector.shape_cast %get3A_756 : vector<1x16xf32> to vector<16xf32>
        %mul3A_758 = arith.constant 11.3137083 : f32
        %mul3A_759 = vector.broadcast %mul3A_758 : f32 to vector<16xf32>
        %mul3A_760 = arith.mulf %get3A_757, %mul3A_759 : vector<16xf32>
        %swap3A_761 = arith.index_cast %add3A_753 : i32 to index
        %swap3A_762 = arith.constant 112 : index
        %swap3A_763 = tpu.vector_load %arg6[%swap3A_761, %swap3A_762] {strides = array<i32>} : memref<768x128xf32, #tpu.memory_space<vmem>>, vector<1x16xf32>,
        %swap3A_764 = vector.shape_cast %swap3A_763 : vector<1x16xf32> to vector<16xf32>
        %swap3A_765 = vector.shape_cast %mul3A_760 : vector<16xf32> to vector<1x16xf32>
        tpu.vector_store %arg6[%swap3A_761, %swap3A_762], %swap3A_765 {strides = array<i32>} : memref<768x128xf32, #tpu.memory_space<vmem>>, vector<1x16xf32>,
      }
      %scan3A_308 = arith.constant 64 : i32
      %dma_wait3A_309 = arith.constant 128 : i32
      %dma_wait3A_310 = arith.constant 0 : i32
      %dma_wait3A_311 = tpu.memref_slice %arg6[%dma_wait3A_309, %dma_wait3A_310] : memref<768x128xf32, #tpu.memory_space<vmem>> -> memref<64x128xf32, #tpu.memory_space<vmem>>
      %dma_wait3A_312 = arith.constant 0 : i32
      %dma_wait3A_313 = tpu.memref_slice %arg5[%add3A_176, %dma_wait3A_312] : memref<200x128xi32, #tpu.memory_space<vmem>> -> memref<1x64xi32, #tpu.memory_space<vmem>>
      %dma_wait3A_314 = tpu.memref_squeeze %dma_wait3A_313 : memref<1x64xi32, #tpu.memory_space<vmem>> -> memref<64xi32, #tpu.memory_space<vmem>>
      %dma_wait3A_315 = arith.constant 0 : i32
      %dma_wait3A_316 = arith.constant 0 : i32
      %dma_wait3A_317 = tpu.memref_slice %arg2[%dma_wait3A_315, %dma_wait3A_316] : memref<100000x128xf32, #tpu.memory_space<hbm>> -> memref<100000x128xf32, #tpu.memory_space<hbm>>
      tpu.wait_indirect_dma semaphore(%arg9 : memref<!tpu.dma_semaphore, #tpu.memory_space<semaphore_mem>>) src(%dma_wait3A_317 : memref<100000x128xf32, #tpu.memory_space<hbm>>) dst(%dma_wait3A_311 : memref<64x128xf32, #tpu.memory_space<vmem>>)
      %dma_wait3A_318 = arith.constant 192 : i32
      %dma_wait3A_319 = arith.constant 0 : i32
      %dma_wait3A_320 = tpu.memref_slice %arg6[%dma_wait3A_318, %dma_wait3A_319] : memref<768x128xf32, #tpu.memory_space<vmem>> -> memref<64x128xf32, #tpu.memory_space<vmem>>
      %dma_wait3A_321 = arith.constant 64 : i32
      %dma_wait3A_322 = tpu.memref_slice %arg5[%add3A_176, %dma_wait3A_321] : memref<200x128xi32, #tpu.memory_space<vmem>> -> memref<1x64xi32, #tpu.memory_space<vmem>>
      %dma_wait3A_323 = tpu.memref_squeeze %dma_wait3A_322 : memref<1x64xi32, #tpu.memory_space<vmem>> -> memref<64xi32, #tpu.memory_space<vmem>>
      %dma_wait3A_324 = arith.constant 0 : i32
      %dma_wait3A_325 = arith.constant 0 : i32
      %dma_wait3A_326 = tpu.memref_slice %arg2[%dma_wait3A_324, %dma_wait3A_325] : memref<100000x128xf32, #tpu.memory_space<hbm>> -> memref<100000x128xf32, #tpu.memory_space<hbm>>
      tpu.wait_indirect_dma semaphore(%arg10 : memref<!tpu.dma_semaphore, #tpu.memory_space<semaphore_mem>>) src(%dma_wait3A_326 : memref<100000x128xf32, #tpu.memory_space<hbm>>) dst(%dma_wait3A_320 : memref<64x128xf32, #tpu.memory_space<vmem>>)
      %scan3A_327 = arith.constant 0 : i32
      %scan3A_328 = arith.constant 0 : i32
      %scan3A_329 = arith.constant 64 : i32
      %scan3A_330 = arith.addi %scan3A_328, %scan3A_329 : i32
      %scan3A_331 = arith.constant 1 : i32
      scf.for %scan3A_479 = %scan3A_328 to %scan3A_330 step %scan3A_331  : i32 {
        %mul3A_480 = arith.constant 2 : i32
        %mul3A_481 = arith.muli %mul3A_480, %scan3A_479 : i32
        %add3A_482 = arith.constant 128 : i32
        %add3A_483 = arith.addi %add3A_482, %mul3A_481 : i32
        %add3A_484 = arith.constant 0 : i32
        %add3A_485 = arith.addi %add3A_483, %add3A_484 : i32
        %get3A = arith.index_cast %add3A_485 : i32 to index
        %get3A_486 = arith.constant 0 : index
        %get3A_487 = tpu.vector_load %arg6[%get3A, %get3A_486] {strides = array<i32>} : memref<768x128xf32, #tpu.memory_space<vmem>>, vector<1x16xf32>,
        %get3A_488 = vector.shape_cast %get3A_487 : vector<1x16xf32> to vector<16xf32>
        %mul3A_489 = arith.constant 11.3137083 : f32
        %mul3A_490 = vector.broadcast %mul3A_489 : f32 to vector<16xf32>
        %mul3A_491 = arith.mulf %get3A_488, %mul3A_490 : vector<16xf32>
        %swap3A = arith.index_cast %add3A_485 : i32 to index
        %swap3A_492 = arith.constant 0 : index
        %swap3A_493 = tpu.vector_load %arg6[%swap3A, %swap3A_492] {strides = array<i32>} : memref<768x128xf32, #tpu.memory_space<vmem>>, vector<1x16xf32>,
        %swap3A_494 = vector.shape_cast %swap3A_493 : vector<1x16xf32> to vector<16xf32>
        %swap3A_495 = vector.shape_cast %mul3A_491 : vector<16xf32> to vector<1x16xf32>
        tpu.vector_store %arg6[%swap3A, %swap3A_492], %swap3A_495 {strides = array<i32>} : memref<768x128xf32, #tpu.memory_space<vmem>>, vector<1x16xf32>,
        %mul3A_496 = arith.constant 2 : i32
        %mul3A_497 = arith.muli %mul3A_496, %scan3A_479 : i32
        %add3A_498 = arith.constant 128 : i32
        %add3A_499 = arith.addi %add3A_498, %mul3A_497 : i32
        %add3A_500 = arith.constant 0 : i32
        %add3A_501 = arith.addi %add3A_499, %add3A_500 : i32
        %get3A_502 = arith.index_cast %add3A_501 : i32 to index
        %get3A_503 = arith.constant 16 : index
        %get3A_504 = tpu.vector_load %arg6[%get3A_502, %get3A_503] {strides = array<i32>} : memref<768x128xf32, #tpu.memory_space<vmem>>, vector<1x16xf32>,
        %get3A_505 = vector.shape_cast %get3A_504 : vector<1x16xf32> to vector<16xf32>
        %mul3A_506 = arith.constant 11.3137083 : f32
        %mul3A_507 = vector.broadcast %mul3A_506 : f32 to vector<16xf32>
        %mul3A_508 = arith.mulf %get3A_505, %mul3A_507 : vector<16xf32>
        %swap3A_509 = arith.index_cast %add3A_501 : i32 to index
        %swap3A_510 = arith.constant 16 : index
        %swap3A_511 = tpu.vector_load %arg6[%swap3A_509, %swap3A_510] {strides = array<i32>} : memref<768x128xf32, #tpu.memory_space<vmem>>, vector<1x16xf32>,
        %swap3A_512 = vector.shape_cast %swap3A_511 : vector<1x16xf32> to vector<16xf32>
        %swap3A_513 = vector.shape_cast %mul3A_508 : vector<16xf32> to vector<1x16xf32>
        tpu.vector_store %arg6[%swap3A_509, %swap3A_510], %swap3A_513 {strides = array<i32>} : memref<768x128xf32, #tpu.memory_space<vmem>>, vector<1x16xf32>,
        %mul3A_514 = arith.constant 2 : i32
        %mul3A_515 = arith.muli %mul3A_514, %scan3A_479 : i32
        %add3A_516 = arith.constant 128 : i32
        %add3A_517 = arith.addi %add3A_516, %mul3A_515 : i32
        %add3A_518 = arith.constant 0 : i32
        %add3A_519 = arith.addi %add3A_517, %add3A_518 : i32
        %get3A_520 = arith.index_cast %add3A_519 : i32 to index
        %get3A_521 = arith.constant 32 : index
        %get3A_522 = tpu.vector_load %arg6[%get3A_520, %get3A_521] {strides = array<i32>} : memref<768x128xf32, #tpu.memory_space<vmem>>, vector<1x16xf32>,
        %get3A_523 = vector.shape_cast %get3A_522 : vector<1x16xf32> to vector<16xf32>
        %mul3A_524 = arith.constant 11.3137083 : f32
        %mul3A_525 = vector.broadcast %mul3A_524 : f32 to vector<16xf32>
        %mul3A_526 = arith.mulf %get3A_523, %mul3A_525 : vector<16xf32>
        %swap3A_527 = arith.index_cast %add3A_519 : i32 to index
        %swap3A_528 = arith.constant 32 : index
        %swap3A_529 = tpu.vector_load %arg6[%swap3A_527, %swap3A_528] {strides = array<i32>} : memref<768x128xf32, #tpu.memory_space<vmem>>, vector<1x16xf32>,
        %swap3A_530 = vector.shape_cast %swap3A_529 : vector<1x16xf32> to vector<16xf32>
        %swap3A_531 = vector.shape_cast %mul3A_526 : vector<16xf32> to vector<1x16xf32>
        tpu.vector_store %arg6[%swap3A_527, %swap3A_528], %swap3A_531 {strides = array<i32>} : memref<768x128xf32, #tpu.memory_space<vmem>>, vector<1x16xf32>,
        %mul3A_532 = arith.constant 2 : i32
        %mul3A_533 = arith.muli %mul3A_532, %scan3A_479 : i32
        %add3A_534 = arith.constant 128 : i32
        %add3A_535 = arith.addi %add3A_534, %mul3A_533 : i32
        %add3A_536 = arith.constant 0 : i32
        %add3A_537 = arith.addi %add3A_535, %add3A_536 : i32
        %get3A_538 = arith.index_cast %add3A_537 : i32 to index
        %get3A_539 = arith.constant 48 : index
        %get3A_540 = tpu.vector_load %arg6[%get3A_538, %get3A_539] {strides = array<i32>} : memref<768x128xf32, #tpu.memory_space<vmem>>, vector<1x16xf32>,
        %get3A_541 = vector.shape_cast %get3A_540 : vector<1x16xf32> to vector<16xf32>
        %mul3A_542 = arith.constant 11.3137083 : f32
        %mul3A_543 = vector.broadcast %mul3A_542 : f32 to vector<16xf32>
        %mul3A_544 = arith.mulf %get3A_541, %mul3A_543 : vector<16xf32>
        %swap3A_545 = arith.index_cast %add3A_537 : i32 to index
        %swap3A_546 = arith.constant 48 : index
        %swap3A_547 = tpu.vector_load %arg6[%swap3A_545, %swap3A_546] {strides = array<i32>} : memref<768x128xf32, #tpu.memory_space<vmem>>, vector<1x16xf32>,
        %swap3A_548 = vector.shape_cast %swap3A_547 : vector<1x16xf32> to vector<16xf32>
        %swap3A_549 = vector.shape_cast %mul3A_544 : vector<16xf32> to vector<1x16xf32>
        tpu.vector_store %arg6[%swap3A_545, %swap3A_546], %swap3A_549 {strides = array<i32>} : memref<768x128xf32, #tpu.memory_space<vmem>>, vector<1x16xf32>,
        %mul3A_550 = arith.constant 2 : i32
        %mul3A_551 = arith.muli %mul3A_550, %scan3A_479 : i32
        %add3A_552 = arith.constant 128 : i32
        %add3A_553 = arith.addi %add3A_552, %mul3A_551 : i32
        %add3A_554 = arith.constant 0 : i32
        %add3A_555 = arith.addi %add3A_553, %add3A_554 : i32
        %get3A_556 = arith.index_cast %add3A_555 : i32 to index
        %get3A_557 = arith.constant 64 : index
        %get3A_558 = tpu.vector_load %arg6[%get3A_556, %get3A_557] {strides = array<i32>} : memref<768x128xf32, #tpu.memory_space<vmem>>, vector<1x16xf32>,
        %get3A_559 = vector.shape_cast %get3A_558 : vector<1x16xf32> to vector<16xf32>
        %mul3A_560 = arith.constant 11.3137083 : f32
        %mul3A_561 = vector.broadcast %mul3A_560 : f32 to vector<16xf32>
        %mul3A_562 = arith.mulf %get3A_559, %mul3A_561 : vector<16xf32>
        %swap3A_563 = arith.index_cast %add3A_555 : i32 to index
        %swap3A_564 = arith.constant 64 : index
        %swap3A_565 = tpu.vector_load %arg6[%swap3A_563, %swap3A_564] {strides = array<i32>} : memref<768x128xf32, #tpu.memory_space<vmem>>, vector<1x16xf32>,
        %swap3A_566 = vector.shape_cast %swap3A_565 : vector<1x16xf32> to vector<16xf32>
        %swap3A_567 = vector.shape_cast %mul3A_562 : vector<16xf32> to vector<1x16xf32>
        tpu.vector_store %arg6[%swap3A_563, %swap3A_564], %swap3A_567 {strides = array<i32>} : memref<768x128xf32, #tpu.memory_space<vmem>>, vector<1x16xf32>,
        %mul3A_568 = arith.constant 2 : i32
        %mul3A_569 = arith.muli %mul3A_568, %scan3A_479 : i32
        %add3A_570 = arith.constant 128 : i32
        %add3A_571 = arith.addi %add3A_570, %mul3A_569 : i32
        %add3A_572 = arith.constant 0 : i32
        %add3A_573 = arith.addi %add3A_571, %add3A_572 : i32
        %get3A_574 = arith.index_cast %add3A_573 : i32 to index
        %get3A_575 = arith.constant 80 : index
        %get3A_576 = tpu.vector_load %arg6[%get3A_574, %get3A_575] {strides = array<i32>} : memref<768x128xf32, #tpu.memory_space<vmem>>, vector<1x16xf32>,
        %get3A_577 = vector.shape_cast %get3A_576 : vector<1x16xf32> to vector<16xf32>
        %mul3A_578 = arith.constant 11.3137083 : f32
        %mul3A_579 = vector.broadcast %mul3A_578 : f32 to vector<16xf32>
        %mul3A_580 = arith.mulf %get3A_577, %mul3A_579 : vector<16xf32>
        %swap3A_581 = arith.index_cast %add3A_573 : i32 to index
        %swap3A_582 = arith.constant 80 : index
        %swap3A_583 = tpu.vector_load %arg6[%swap3A_581, %swap3A_582] {strides = array<i32>} : memref<768x128xf32, #tpu.memory_space<vmem>>, vector<1x16xf32>,
        %swap3A_584 = vector.shape_cast %swap3A_583 : vector<1x16xf32> to vector<16xf32>
        %swap3A_585 = vector.shape_cast %mul3A_580 : vector<16xf32> to vector<1x16xf32>
        tpu.vector_store %arg6[%swap3A_581, %swap3A_582], %swap3A_585 {strides = array<i32>} : memref<768x128xf32, #tpu.memory_space<vmem>>, vector<1x16xf32>,
        %mul3A_586 = arith.constant 2 : i32
        %mul3A_587 = arith.muli %mul3A_586, %scan3A_479 : i32
        %add3A_588 = arith.constant 128 : i32
        %add3A_589 = arith.addi %add3A_588, %mul3A_587 : i32
        %add3A_590 = arith.constant 0 : i32
        %add3A_591 = arith.addi %add3A_589, %add3A_590 : i32
        %get3A_592 = arith.index_cast %add3A_591 : i32 to index
        %get3A_593 = arith.constant 96 : index
        %get3A_594 = tpu.vector_load %arg6[%get3A_592, %get3A_593] {strides = array<i32>} : memref<768x128xf32, #tpu.memory_space<vmem>>, vector<1x16xf32>,
        %get3A_595 = vector.shape_cast %get3A_594 : vector<1x16xf32> to vector<16xf32>
        %mul3A_596 = arith.constant 11.3137083 : f32
        %mul3A_597 = vector.broadcast %mul3A_596 : f32 to vector<16xf32>
        %mul3A_598 = arith.mulf %get3A_595, %mul3A_597 : vector<16xf32>
        %swap3A_599 = arith.index_cast %add3A_591 : i32 to index
        %swap3A_600 = arith.constant 96 : index
        %swap3A_601 = tpu.vector_load %arg6[%swap3A_599, %swap3A_600] {strides = array<i32>} : memref<768x128xf32, #tpu.memory_space<vmem>>, vector<1x16xf32>,
        %swap3A_602 = vector.shape_cast %swap3A_601 : vector<1x16xf32> to vector<16xf32>
        %swap3A_603 = vector.shape_cast %mul3A_598 : vector<16xf32> to vector<1x16xf32>
        tpu.vector_store %arg6[%swap3A_599, %swap3A_600], %swap3A_603 {strides = array<i32>} : memref<768x128xf32, #tpu.memory_space<vmem>>, vector<1x16xf32>,
        %mul3A_604 = arith.constant 2 : i32
        %mul3A_605 = arith.muli %mul3A_604, %scan3A_479 : i32
        %add3A_606 = arith.constant 128 : i32
        %add3A_607 = arith.addi %add3A_606, %mul3A_605 : i32
        %add3A_608 = arith.constant 0 : i32
        %add3A_609 = arith.addi %add3A_607, %add3A_608 : i32
        %get3A_610 = arith.index_cast %add3A_609 : i32 to index
        %get3A_611 = arith.constant 112 : index
        %get3A_612 = tpu.vector_load %arg6[%get3A_610, %get3A_611] {strides = array<i32>} : memref<768x128xf32, #tpu.memory_space<vmem>>, vector<1x16xf32>,
        %get3A_613 = vector.shape_cast %get3A_612 : vector<1x16xf32> to vector<16xf32>
        %mul3A_614 = arith.constant 11.3137083 : f32
        %mul3A_615 = vector.broadcast %mul3A_614 : f32 to vector<16xf32>
        %mul3A_616 = arith.mulf %get3A_613, %mul3A_615 : vector<16xf32>
        %swap3A_617 = arith.index_cast %add3A_609 : i32 to index
        %swap3A_618 = arith.constant 112 : index
        %swap3A_619 = tpu.vector_load %arg6[%swap3A_617, %swap3A_618] {strides = array<i32>} : memref<768x128xf32, #tpu.memory_space<vmem>>, vector<1x16xf32>,
        %swap3A_620 = vector.shape_cast %swap3A_619 : vector<1x16xf32> to vector<16xf32>
        %swap3A_621 = vector.shape_cast %mul3A_616 : vector<16xf32> to vector<1x16xf32>
        tpu.vector_store %arg6[%swap3A_617, %swap3A_618], %swap3A_621 {strides = array<i32>} : memref<768x128xf32, #tpu.memory_space<vmem>>, vector<1x16xf32>,
        %mul3A_622 = arith.constant 2 : i32
        %mul3A_623 = arith.muli %mul3A_622, %scan3A_479 : i32
        %add3A_624 = arith.constant 128 : i32
        %add3A_625 = arith.addi %add3A_624, %mul3A_623 : i32
        %add3A_626 = arith.constant 1 : i32
        %add3A_627 = arith.addi %add3A_625, %add3A_626 : i32
        %get3A_628 = arith.index_cast %add3A_627 : i32 to index
        %get3A_629 = arith.constant 0 : index
        %get3A_630 = tpu.vector_load %arg6[%get3A_628, %get3A_629] {strides = array<i32>} : memref<768x128xf32, #tpu.memory_space<vmem>>, vector<1x16xf32>,
        %get3A_631 = vector.shape_cast %get3A_630 : vector<1x16xf32> to vector<16xf32>
        %mul3A_632 = arith.constant 11.3137083 : f32
        %mul3A_633 = vector.broadcast %mul3A_632 : f32 to vector<16xf32>
        %mul3A_634 = arith.mulf %get3A_631, %mul3A_633 : vector<16xf32>
        %swap3A_635 = arith.index_cast %add3A_627 : i32 to index
        %swap3A_636 = arith.constant 0 : index
        %swap3A_637 = tpu.vector_load %arg6[%swap3A_635, %swap3A_636] {strides = array<i32>} : memref<768x128xf32, #tpu.memory_space<vmem>>, vector<1x16xf32>,
        %swap3A_638 = vector.shape_cast %swap3A_637 : vector<1x16xf32> to vector<16xf32>
        %swap3A_639 = vector.shape_cast %mul3A_634 : vector<16xf32> to vector<1x16xf32>
        tpu.vector_store %arg6[%swap3A_635, %swap3A_636], %swap3A_639 {strides = array<i32>} : memref<768x128xf32, #tpu.memory_space<vmem>>, vector<1x16xf32>,
        %mul3A_640 = arith.constant 2 : i32
        %mul3A_641 = arith.muli %mul3A_640, %scan3A_479 : i32
        %add3A_642 = arith.constant 128 : i32
        %add3A_643 = arith.addi %add3A_642, %mul3A_641 : i32
        %add3A_644 = arith.constant 1 : i32
        %add3A_645 = arith.addi %add3A_643, %add3A_644 : i32
        %get3A_646 = arith.index_cast %add3A_645 : i32 to index
        %get3A_647 = arith.constant 16 : index
        %get3A_648 = tpu.vector_load %arg6[%get3A_646, %get3A_647] {strides = array<i32>} : memref<768x128xf32, #tpu.memory_space<vmem>>, vector<1x16xf32>,
        %get3A_649 = vector.shape_cast %get3A_648 : vector<1x16xf32> to vector<16xf32>
        %mul3A_650 = arith.constant 11.3137083 : f32
        %mul3A_651 = vector.broadcast %mul3A_650 : f32 to vector<16xf32>
        %mul3A_652 = arith.mulf %get3A_649, %mul3A_651 : vector<16xf32>
        %swap3A_653 = arith.index_cast %add3A_645 : i32 to index
        %swap3A_654 = arith.constant 16 : index
        %swap3A_655 = tpu.vector_load %arg6[%swap3A_653, %swap3A_654] {strides = array<i32>} : memref<768x128xf32, #tpu.memory_space<vmem>>, vector<1x16xf32>,
        %swap3A_656 = vector.shape_cast %swap3A_655 : vector<1x16xf32> to vector<16xf32>
        %swap3A_657 = vector.shape_cast %mul3A_652 : vector<16xf32> to vector<1x16xf32>
        tpu.vector_store %arg6[%swap3A_653, %swap3A_654], %swap3A_657 {strides = array<i32>} : memref<768x128xf32, #tpu.memory_space<vmem>>, vector<1x16xf32>,
        %mul3A_658 = arith.constant 2 : i32
        %mul3A_659 = arith.muli %mul3A_658, %scan3A_479 : i32
        %add3A_660 = arith.constant 128 : i32
        %add3A_661 = arith.addi %add3A_660, %mul3A_659 : i32
        %add3A_662 = arith.constant 1 : i32
        %add3A_663 = arith.addi %add3A_661, %add3A_662 : i32
        %get3A_664 = arith.index_cast %add3A_663 : i32 to index
        %get3A_665 = arith.constant 32 : index
        %get3A_666 = tpu.vector_load %arg6[%get3A_664, %get3A_665] {strides = array<i32>} : memref<768x128xf32, #tpu.memory_space<vmem>>, vector<1x16xf32>,
        %get3A_667 = vector.shape_cast %get3A_666 : vector<1x16xf32> to vector<16xf32>
        %mul3A_668 = arith.constant 11.3137083 : f32
        %mul3A_669 = vector.broadcast %mul3A_668 : f32 to vector<16xf32>
        %mul3A_670 = arith.mulf %get3A_667, %mul3A_669 : vector<16xf32>
        %swap3A_671 = arith.index_cast %add3A_663 : i32 to index
        %swap3A_672 = arith.constant 32 : index
        %swap3A_673 = tpu.vector_load %arg6[%swap3A_671, %swap3A_672] {strides = array<i32>} : memref<768x128xf32, #tpu.memory_space<vmem>>, vector<1x16xf32>,
        %swap3A_674 = vector.shape_cast %swap3A_673 : vector<1x16xf32> to vector<16xf32>
        %swap3A_675 = vector.shape_cast %mul3A_670 : vector<16xf32> to vector<1x16xf32>
        tpu.vector_store %arg6[%swap3A_671, %swap3A_672], %swap3A_675 {strides = array<i32>} : memref<768x128xf32, #tpu.memory_space<vmem>>, vector<1x16xf32>,
        %mul3A_676 = arith.constant 2 : i32
        %mul3A_677 = arith.muli %mul3A_676, %scan3A_479 : i32
        %add3A_678 = arith.constant 128 : i32
        %add3A_679 = arith.addi %add3A_678, %mul3A_677 : i32
        %add3A_680 = arith.constant 1 : i32
        %add3A_681 = arith.addi %add3A_679, %add3A_680 : i32
        %get3A_682 = arith.index_cast %add3A_681 : i32 to index
        %get3A_683 = arith.constant 48 : index
        %get3A_684 = tpu.vector_load %arg6[%get3A_682, %get3A_683] {strides = array<i32>} : memref<768x128xf32, #tpu.memory_space<vmem>>, vector<1x16xf32>,
        %get3A_685 = vector.shape_cast %get3A_684 : vector<1x16xf32> to vector<16xf32>
        %mul3A_686 = arith.constant 11.3137083 : f32
        %mul3A_687 = vector.broadcast %mul3A_686 : f32 to vector<16xf32>
        %mul3A_688 = arith.mulf %get3A_685, %mul3A_687 : vector<16xf32>
        %swap3A_689 = arith.index_cast %add3A_681 : i32 to index
        %swap3A_690 = arith.constant 48 : index
        %swap3A_691 = tpu.vector_load %arg6[%swap3A_689, %swap3A_690] {strides = array<i32>} : memref<768x128xf32, #tpu.memory_space<vmem>>, vector<1x16xf32>,
        %swap3A_692 = vector.shape_cast %swap3A_691 : vector<1x16xf32> to vector<16xf32>
        %swap3A_693 = vector.shape_cast %mul3A_688 : vector<16xf32> to vector<1x16xf32>
        tpu.vector_store %arg6[%swap3A_689, %swap3A_690], %swap3A_693 {strides = array<i32>} : memref<768x128xf32, #tpu.memory_space<vmem>>, vector<1x16xf32>,
        %mul3A_694 = arith.constant 2 : i32
        %mul3A_695 = arith.muli %mul3A_694, %scan3A_479 : i32
        %add3A_696 = arith.constant 128 : i32
        %add3A_697 = arith.addi %add3A_696, %mul3A_695 : i32
        %add3A_698 = arith.constant 1 : i32
        %add3A_699 = arith.addi %add3A_697, %add3A_698 : i32
        %get3A_700 = arith.index_cast %add3A_699 : i32 to index
        %get3A_701 = arith.constant 64 : index
        %get3A_702 = tpu.vector_load %arg6[%get3A_700, %get3A_701] {strides = array<i32>} : memref<768x128xf32, #tpu.memory_space<vmem>>, vector<1x16xf32>,
        %get3A_703 = vector.shape_cast %get3A_702 : vector<1x16xf32> to vector<16xf32>
        %mul3A_704 = arith.constant 11.3137083 : f32
        %mul3A_705 = vector.broadcast %mul3A_704 : f32 to vector<16xf32>
        %mul3A_706 = arith.mulf %get3A_703, %mul3A_705 : vector<16xf32>
        %swap3A_707 = arith.index_cast %add3A_699 : i32 to index
        %swap3A_708 = arith.constant 64 : index
        %swap3A_709 = tpu.vector_load %arg6[%swap3A_707, %swap3A_708] {strides = array<i32>} : memref<768x128xf32, #tpu.memory_space<vmem>>, vector<1x16xf32>,
        %swap3A_710 = vector.shape_cast %swap3A_709 : vector<1x16xf32> to vector<16xf32>
        %swap3A_711 = vector.shape_cast %mul3A_706 : vector<16xf32> to vector<1x16xf32>
        tpu.vector_store %arg6[%swap3A_707, %swap3A_708], %swap3A_711 {strides = array<i32>} : memref<768x128xf32, #tpu.memory_space<vmem>>, vector<1x16xf32>,
        %mul3A_712 = arith.constant 2 : i32
        %mul3A_713 = arith.muli %mul3A_712, %scan3A_479 : i32
        %add3A_714 = arith.constant 128 : i32
        %add3A_715 = arith.addi %add3A_714, %mul3A_713 : i32
        %add3A_716 = arith.constant 1 : i32
        %add3A_717 = arith.addi %add3A_715, %add3A_716 : i32
        %get3A_718 = arith.index_cast %add3A_717 : i32 to index
        %get3A_719 = arith.constant 80 : index
        %get3A_720 = tpu.vector_load %arg6[%get3A_718, %get3A_719] {strides = array<i32>} : memref<768x128xf32, #tpu.memory_space<vmem>>, vector<1x16xf32>,
        %get3A_721 = vector.shape_cast %get3A_720 : vector<1x16xf32> to vector<16xf32>
        %mul3A_722 = arith.constant 11.3137083 : f32
        %mul3A_723 = vector.broadcast %mul3A_722 : f32 to vector<16xf32>
        %mul3A_724 = arith.mulf %get3A_721, %mul3A_723 : vector<16xf32>
        %swap3A_725 = arith.index_cast %add3A_717 : i32 to index
        %swap3A_726 = arith.constant 80 : index
        %swap3A_727 = tpu.vector_load %arg6[%swap3A_725, %swap3A_726] {strides = array<i32>} : memref<768x128xf32, #tpu.memory_space<vmem>>, vector<1x16xf32>,
        %swap3A_728 = vector.shape_cast %swap3A_727 : vector<1x16xf32> to vector<16xf32>
        %swap3A_729 = vector.shape_cast %mul3A_724 : vector<16xf32> to vector<1x16xf32>
        tpu.vector_store %arg6[%swap3A_725, %swap3A_726], %swap3A_729 {strides = array<i32>} : memref<768x128xf32, #tpu.memory_space<vmem>>, vector<1x16xf32>,
        %mul3A_730 = arith.constant 2 : i32
        %mul3A_731 = arith.muli %mul3A_730, %scan3A_479 : i32
        %add3A_732 = arith.constant 128 : i32
        %add3A_733 = arith.addi %add3A_732, %mul3A_731 : i32
        %add3A_734 = arith.constant 1 : i32
        %add3A_735 = arith.addi %add3A_733, %add3A_734 : i32
        %get3A_736 = arith.index_cast %add3A_735 : i32 to index
        %get3A_737 = arith.constant 96 : index
        %get3A_738 = tpu.vector_load %arg6[%get3A_736, %get3A_737] {strides = array<i32>} : memref<768x128xf32, #tpu.memory_space<vmem>>, vector<1x16xf32>,
        %get3A_739 = vector.shape_cast %get3A_738 : vector<1x16xf32> to vector<16xf32>
        %mul3A_740 = arith.constant 11.3137083 : f32
        %mul3A_741 = vector.broadcast %mul3A_740 : f32 to vector<16xf32>
        %mul3A_742 = arith.mulf %get3A_739, %mul3A_741 : vector<16xf32>
        %swap3A_743 = arith.index_cast %add3A_735 : i32 to index
        %swap3A_744 = arith.constant 96 : index
        %swap3A_745 = tpu.vector_load %arg6[%swap3A_743, %swap3A_744] {strides = array<i32>} : memref<768x128xf32, #tpu.memory_space<vmem>>, vector<1x16xf32>,
        %swap3A_746 = vector.shape_cast %swap3A_745 : vector<1x16xf32> to vector<16xf32>
        %swap3A_747 = vector.shape_cast %mul3A_742 : vector<16xf32> to vector<1x16xf32>
        tpu.vector_store %arg6[%swap3A_743, %swap3A_744], %swap3A_747 {strides = array<i32>} : memref<768x128xf32, #tpu.memory_space<vmem>>, vector<1x16xf32>,
        %mul3A_748 = arith.constant 2 : i32
        %mul3A_749 = arith.muli %mul3A_748, %scan3A_479 : i32
        %add3A_750 = arith.constant 128 : i32
        %add3A_751 = arith.addi %add3A_750, %mul3A_749 : i32
        %add3A_752 = arith.constant 1 : i32
        %add3A_753 = arith.addi %add3A_751, %add3A_752 : i32
        %get3A_754 = arith.index_cast %add3A_753 : i32 to index
        %get3A_755 = arith.constant 112 : index
        %get3A_756 = tpu.vector_load %arg6[%get3A_754, %get3A_755] {strides = array<i32>} : memref<768x128xf32, #tpu.memory_space<vmem>>, vector<1x16xf32>,
        %get3A_757 = vector.shape_cast %get3A_756 : vector<1x16xf32> to vector<16xf32>
        %mul3A_758 = arith.constant 11.3137083 : f32
        %mul3A_759 = vector.broadcast %mul3A_758 : f32 to vector<16xf32>
        %mul3A_760 = arith.mulf %get3A_757, %mul3A_759 : vector<16xf32>
        %swap3A_761 = arith.index_cast %add3A_753 : i32 to index
        %swap3A_762 = arith.constant 112 : index
        %swap3A_763 = tpu.vector_load %arg6[%swap3A_761, %swap3A_762] {strides = array<i32>} : memref<768x128xf32, #tpu.memory_space<vmem>>, vector<1x16xf32>,
        %swap3A_764 = vector.shape_cast %swap3A_763 : vector<1x16xf32> to vector<16xf32>
        %swap3A_765 = vector.shape_cast %mul3A_760 : vector<16xf32> to vector<1x16xf32>
        tpu.vector_store %arg6[%swap3A_761, %swap3A_762], %swap3A_765 {strides = array<i32>} : memref<768x128xf32, #tpu.memory_space<vmem>>, vector<1x16xf32>,
      }
      %scan3A_332 = arith.constant 64 : i32
      %add3A_333 = arith.constant 1 : i32
      %add3A_334 = arith.addi %mul3A_152, %add3A_333 : i32
      %sub3A = arith.constant 1 : i32
      %sub3A_335 = arith.subi %add3A_334, %sub3A : i32
      %mul3A_336 = arith.constant 128 : i32
      %mul3A_337 = arith.muli %sub3A_335, %mul3A_336 : i32
      %add3A_338 = arith.addi %mul3A_2, %mul3A_337 : i32
      %dma_start3A_339 = arith.constant 0 : i32
      %dma_start3A_340 = arith.constant 0 : i32
      %dma_start3A_341 = tpu.memref_slice %arg6[%dma_start3A_339, %dma_start3A_340] : memref<768x128xf32, #tpu.memory_space<vmem>> -> memref<256x128xf32, #tpu.memory_space<vmem>>
      %dma_start3A_342 = arith.constant 0 : i32
      %dma_start3A_343 = tpu.memref_slice %arg4[%add3A_338, %dma_start3A_342] : memref<819200x128xf32, #tpu.memory_space<hbm>> -> memref<256x128xf32, #tpu.memory_space<hbm>>
      %dma_start3A_344 = arith.constant 0 : i32
      %dma_start3A_345 = tpu.memref_slice %arg4[%add3A_338, %dma_start3A_344] : memref<819200x128xf32, #tpu.memory_space<hbm>> -> memref<256x128xf32, #tpu.memory_space<hbm>>
      %dma_start3A_346 = arith.constant 0 : i32
      %dma_start3A_347 = arith.constant 0 : i32
      %dma_start3A_348 = tpu.memref_slice %arg6[%dma_start3A_346, %dma_start3A_347] : memref<768x128xf32, #tpu.memory_space<vmem>> -> memref<256x128xf32, #tpu.memory_space<vmem>>
      tpu.enqueue_dma source(%dma_start3A_348 : memref<256x128xf32, #tpu.memory_space<vmem>>) target(%dma_start3A_345 : memref<256x128xf32, #tpu.memory_space<hbm>>) target_semaphore(%arg19 : memref<!tpu.dma_semaphore, #tpu.memory_space<semaphore_mem>>)
      %dma_wait3A_349 = arith.constant 256 : i32
      %dma_wait3A_350 = arith.constant 0 : i32
      %dma_wait3A_351 = tpu.memref_slice %arg6[%dma_wait3A_349, %dma_wait3A_350] : memref<768x128xf32, #tpu.memory_space<vmem>> -> memref<64x128xf32, #tpu.memory_space<vmem>>
      %dma_wait3A_352 = arith.constant 0 : i32
      %dma_wait3A_353 = tpu.memref_slice %arg5[%add3A_201, %dma_wait3A_352] : memref<200x128xi32, #tpu.memory_space<vmem>> -> memref<1x64xi32, #tpu.memory_space<vmem>>
      %dma_wait3A_354 = tpu.memref_squeeze %dma_wait3A_353 : memref<1x64xi32, #tpu.memory_space<vmem>> -> memref<64xi32, #tpu.memory_space<vmem>>
      %dma_wait3A_355 = arith.constant 0 : i32
      %dma_wait3A_356 = arith.constant 0 : i32
      %dma_wait3A_357 = tpu.memref_slice %arg2[%dma_wait3A_355, %dma_wait3A_356] : memref<100000x128xf32, #tpu.memory_space<hbm>> -> memref<100000x128xf32, #tpu.memory_space<hbm>>
      tpu.wait_indirect_dma semaphore(%arg11 : memref<!tpu.dma_semaphore, #tpu.memory_space<semaphore_mem>>) src(%dma_wait3A_357 : memref<100000x128xf32, #tpu.memory_space<hbm>>) dst(%dma_wait3A_351 : memref<64x128xf32, #tpu.memory_space<vmem>>)
      %dma_wait3A_358 = arith.constant 320 : i32
      %dma_wait3A_359 = arith.constant 0 : i32
      %dma_wait3A_360 = tpu.memref_slice %arg6[%dma_wait3A_358, %dma_wait3A_359] : memref<768x128xf32, #tpu.memory_space<vmem>> -> memref<64x128xf32, #tpu.memory_space<vmem>>
      %dma_wait3A_361 = arith.constant 64 : i32
      %dma_wait3A_362 = tpu.memref_slice %arg5[%add3A_201, %dma_wait3A_361] : memref<200x128xi32, #tpu.memory_space<vmem>> -> memref<1x64xi32, #tpu.memory_space<vmem>>
      %dma_wait3A_363 = tpu.memref_squeeze %dma_wait3A_362 : memref<1x64xi32, #tpu.memory_space<vmem>> -> memref<64xi32, #tpu.memory_space<vmem>>
      %dma_wait3A_364 = arith.constant 0 : i32
      %dma_wait3A_365 = arith.constant 0 : i32
      %dma_wait3A_366 = tpu.memref_slice %arg2[%dma_wait3A_364, %dma_wait3A_365] : memref<100000x128xf32, #tpu.memory_space<hbm>> -> memref<100000x128xf32, #tpu.memory_space<hbm>>
      tpu.wait_indirect_dma semaphore(%arg12 : memref<!tpu.dma_semaphore, #tpu.memory_space<semaphore_mem>>) src(%dma_wait3A_366 : memref<100000x128xf32, #tpu.memory_space<hbm>>) dst(%dma_wait3A_360 : memref<64x128xf32, #tpu.memory_space<vmem>>)
      %scan3A_367 = arith.constant 0 : i32
      %scan3A_368 = arith.constant 0 : i32
      %scan3A_369 = arith.constant 64 : i32
      %scan3A_370 = arith.addi %scan3A_368, %scan3A_369 : i32
      %scan3A_371 = arith.constant 1 : i32
      scf.for %scan3A_479 = %scan3A_368 to %scan3A_370 step %scan3A_371  : i32 {
        %mul3A_480 = arith.constant 2 : i32
        %mul3A_481 = arith.muli %mul3A_480, %scan3A_479 : i32
        %add3A_482 = arith.constant 256 : i32
        %add3A_483 = arith.addi %add3A_482, %mul3A_481 : i32
        %add3A_484 = arith.constant 0 : i32
        %add3A_485 = arith.addi %add3A_483, %add3A_484 : i32
        %get3A = arith.index_cast %add3A_485 : i32 to index
        %get3A_486 = arith.constant 0 : index
        %get3A_487 = tpu.vector_load %arg6[%get3A, %get3A_486] {strides = array<i32>} : memref<768x128xf32, #tpu.memory_space<vmem>>, vector<1x16xf32>,
        %get3A_488 = vector.shape_cast %get3A_487 : vector<1x16xf32> to vector<16xf32>
        %mul3A_489 = arith.constant 11.3137083 : f32
        %mul3A_490 = vector.broadcast %mul3A_489 : f32 to vector<16xf32>
        %mul3A_491 = arith.mulf %get3A_488, %mul3A_490 : vector<16xf32>
        %swap3A = arith.index_cast %add3A_485 : i32 to index
        %swap3A_492 = arith.constant 0 : index
        %swap3A_493 = tpu.vector_load %arg6[%swap3A, %swap3A_492] {strides = array<i32>} : memref<768x128xf32, #tpu.memory_space<vmem>>, vector<1x16xf32>,
        %swap3A_494 = vector.shape_cast %swap3A_493 : vector<1x16xf32> to vector<16xf32>
        %swap3A_495 = vector.shape_cast %mul3A_491 : vector<16xf32> to vector<1x16xf32>
        tpu.vector_store %arg6[%swap3A, %swap3A_492], %swap3A_495 {strides = array<i32>} : memref<768x128xf32, #tpu.memory_space<vmem>>, vector<1x16xf32>,
        %mul3A_496 = arith.constant 2 : i32
        %mul3A_497 = arith.muli %mul3A_496, %scan3A_479 : i32
        %add3A_498 = arith.constant 256 : i32
        %add3A_499 = arith.addi %add3A_498, %mul3A_497 : i32
        %add3A_500 = arith.constant 0 : i32
        %add3A_501 = arith.addi %add3A_499, %add3A_500 : i32
        %get3A_502 = arith.index_cast %add3A_501 : i32 to index
        %get3A_503 = arith.constant 16 : index
        %get3A_504 = tpu.vector_load %arg6[%get3A_502, %get3A_503] {strides = array<i32>} : memref<768x128xf32, #tpu.memory_space<vmem>>, vector<1x16xf32>,
        %get3A_505 = vector.shape_cast %get3A_504 : vector<1x16xf32> to vector<16xf32>
        %mul3A_506 = arith.constant 11.3137083 : f32
        %mul3A_507 = vector.broadcast %mul3A_506 : f32 to vector<16xf32>
        %mul3A_508 = arith.mulf %get3A_505, %mul3A_507 : vector<16xf32>
        %swap3A_509 = arith.index_cast %add3A_501 : i32 to index
        %swap3A_510 = arith.constant 16 : index
        %swap3A_511 = tpu.vector_load %arg6[%swap3A_509, %swap3A_510] {strides = array<i32>} : memref<768x128xf32, #tpu.memory_space<vmem>>, vector<1x16xf32>,
        %swap3A_512 = vector.shape_cast %swap3A_511 : vector<1x16xf32> to vector<16xf32>
        %swap3A_513 = vector.shape_cast %mul3A_508 : vector<16xf32> to vector<1x16xf32>
        tpu.vector_store %arg6[%swap3A_509, %swap3A_510], %swap3A_513 {strides = array<i32>} : memref<768x128xf32, #tpu.memory_space<vmem>>, vector<1x16xf32>,
        %mul3A_514 = arith.constant 2 : i32
        %mul3A_515 = arith.muli %mul3A_514, %scan3A_479 : i32
        %add3A_516 = arith.constant 256 : i32
        %add3A_517 = arith.addi %add3A_516, %mul3A_515 : i32
        %add3A_518 = arith.constant 0 : i32
        %add3A_519 = arith.addi %add3A_517, %add3A_518 : i32
        %get3A_520 = arith.index_cast %add3A_519 : i32 to index
        %get3A_521 = arith.constant 32 : index
        %get3A_522 = tpu.vector_load %arg6[%get3A_520, %get3A_521] {strides = array<i32>} : memref<768x128xf32, #tpu.memory_space<vmem>>, vector<1x16xf32>,
        %get3A_523 = vector.shape_cast %get3A_522 : vector<1x16xf32> to vector<16xf32>
        %mul3A_524 = arith.constant 11.3137083 : f32
        %mul3A_525 = vector.broadcast %mul3A_524 : f32 to vector<16xf32>
        %mul3A_526 = arith.mulf %get3A_523, %mul3A_525 : vector<16xf32>
        %swap3A_527 = arith.index_cast %add3A_519 : i32 to index
        %swap3A_528 = arith.constant 32 : index
        %swap3A_529 = tpu.vector_load %arg6[%swap3A_527, %swap3A_528] {strides = array<i32>} : memref<768x128xf32, #tpu.memory_space<vmem>>, vector<1x16xf32>,
        %swap3A_530 = vector.shape_cast %swap3A_529 : vector<1x16xf32> to vector<16xf32>
        %swap3A_531 = vector.shape_cast %mul3A_526 : vector<16xf32> to vector<1x16xf32>
        tpu.vector_store %arg6[%swap3A_527, %swap3A_528], %swap3A_531 {strides = array<i32>} : memref<768x128xf32, #tpu.memory_space<vmem>>, vector<1x16xf32>,
        %mul3A_532 = arith.constant 2 : i32
        %mul3A_533 = arith.muli %mul3A_532, %scan3A_479 : i32
        %add3A_534 = arith.constant 256 : i32
        %add3A_535 = arith.addi %add3A_534, %mul3A_533 : i32
        %add3A_536 = arith.constant 0 : i32
        %add3A_537 = arith.addi %add3A_535, %add3A_536 : i32
        %get3A_538 = arith.index_cast %add3A_537 : i32 to index
        %get3A_539 = arith.constant 48 : index
        %get3A_540 = tpu.vector_load %arg6[%get3A_538, %get3A_539] {strides = array<i32>} : memref<768x128xf32, #tpu.memory_space<vmem>>, vector<1x16xf32>,
        %get3A_541 = vector.shape_cast %get3A_540 : vector<1x16xf32> to vector<16xf32>
        %mul3A_542 = arith.constant 11.3137083 : f32
        %mul3A_543 = vector.broadcast %mul3A_542 : f32 to vector<16xf32>
        %mul3A_544 = arith.mulf %get3A_541, %mul3A_543 : vector<16xf32>
        %swap3A_545 = arith.index_cast %add3A_537 : i32 to index
        %swap3A_546 = arith.constant 48 : index
        %swap3A_547 = tpu.vector_load %arg6[%swap3A_545, %swap3A_546] {strides = array<i32>} : memref<768x128xf32, #tpu.memory_space<vmem>>, vector<1x16xf32>,
        %swap3A_548 = vector.shape_cast %swap3A_547 : vector<1x16xf32> to vector<16xf32>
        %swap3A_549 = vector.shape_cast %mul3A_544 : vector<16xf32> to vector<1x16xf32>
        tpu.vector_store %arg6[%swap3A_545, %swap3A_546], %swap3A_549 {strides = array<i32>} : memref<768x128xf32, #tpu.memory_space<vmem>>, vector<1x16xf32>,
        %mul3A_550 = arith.constant 2 : i32
        %mul3A_551 = arith.muli %mul3A_550, %scan3A_479 : i32
        %add3A_552 = arith.constant 256 : i32
        %add3A_553 = arith.addi %add3A_552, %mul3A_551 : i32
        %add3A_554 = arith.constant 0 : i32
        %add3A_555 = arith.addi %add3A_553, %add3A_554 : i32
        %get3A_556 = arith.index_cast %add3A_555 : i32 to index
        %get3A_557 = arith.constant 64 : index
        %get3A_558 = tpu.vector_load %arg6[%get3A_556, %get3A_557] {strides = array<i32>} : memref<768x128xf32, #tpu.memory_space<vmem>>, vector<1x16xf32>,
        %get3A_559 = vector.shape_cast %get3A_558 : vector<1x16xf32> to vector<16xf32>
        %mul3A_560 = arith.constant 11.3137083 : f32
        %mul3A_561 = vector.broadcast %mul3A_560 : f32 to vector<16xf32>
        %mul3A_562 = arith.mulf %get3A_559, %mul3A_561 : vector<16xf32>
        %swap3A_563 = arith.index_cast %add3A_555 : i32 to index
        %swap3A_564 = arith.constant 64 : index
        %swap3A_565 = tpu.vector_load %arg6[%swap3A_563, %swap3A_564] {strides = array<i32>} : memref<768x128xf32, #tpu.memory_space<vmem>>, vector<1x16xf32>,
        %swap3A_566 = vector.shape_cast %swap3A_565 : vector<1x16xf32> to vector<16xf32>
        %swap3A_567 = vector.shape_cast %mul3A_562 : vector<16xf32> to vector<1x16xf32>
        tpu.vector_store %arg6[%swap3A_563, %swap3A_564], %swap3A_567 {strides = array<i32>} : memref<768x128xf32, #tpu.memory_space<vmem>>, vector<1x16xf32>,
        %mul3A_568 = arith.constant 2 : i32
        %mul3A_569 = arith.muli %mul3A_568, %scan3A_479 : i32
        %add3A_570 = arith.constant 256 : i32
        %add3A_571 = arith.addi %add3A_570, %mul3A_569 : i32
        %add3A_572 = arith.constant 0 : i32
        %add3A_573 = arith.addi %add3A_571, %add3A_572 : i32
        %get3A_574 = arith.index_cast %add3A_573 : i32 to index
        %get3A_575 = arith.constant 80 : index
        %get3A_576 = tpu.vector_load %arg6[%get3A_574, %get3A_575] {strides = array<i32>} : memref<768x128xf32, #tpu.memory_space<vmem>>, vector<1x16xf32>,
        %get3A_577 = vector.shape_cast %get3A_576 : vector<1x16xf32> to vector<16xf32>
        %mul3A_578 = arith.constant 11.3137083 : f32
        %mul3A_579 = vector.broadcast %mul3A_578 : f32 to vector<16xf32>
        %mul3A_580 = arith.mulf %get3A_577, %mul3A_579 : vector<16xf32>
        %swap3A_581 = arith.index_cast %add3A_573 : i32 to index
        %swap3A_582 = arith.constant 80 : index
        %swap3A_583 = tpu.vector_load %arg6[%swap3A_581, %swap3A_582] {strides = array<i32>} : memref<768x128xf32, #tpu.memory_space<vmem>>, vector<1x16xf32>,
        %swap3A_584 = vector.shape_cast %swap3A_583 : vector<1x16xf32> to vector<16xf32>
        %swap3A_585 = vector.shape_cast %mul3A_580 : vector<16xf32> to vector<1x16xf32>
        tpu.vector_store %arg6[%swap3A_581, %swap3A_582], %swap3A_585 {strides = array<i32>} : memref<768x128xf32, #tpu.memory_space<vmem>>, vector<1x16xf32>,
        %mul3A_586 = arith.constant 2 : i32
        %mul3A_587 = arith.muli %mul3A_586, %scan3A_479 : i32
        %add3A_588 = arith.constant 256 : i32
        %add3A_589 = arith.addi %add3A_588, %mul3A_587 : i32
        %add3A_590 = arith.constant 0 : i32
        %add3A_591 = arith.addi %add3A_589, %add3A_590 : i32
        %get3A_592 = arith.index_cast %add3A_591 : i32 to index
        %get3A_593 = arith.constant 96 : index
        %get3A_594 = tpu.vector_load %arg6[%get3A_592, %get3A_593] {strides = array<i32>} : memref<768x128xf32, #tpu.memory_space<vmem>>, vector<1x16xf32>,
        %get3A_595 = vector.shape_cast %get3A_594 : vector<1x16xf32> to vector<16xf32>
        %mul3A_596 = arith.constant 11.3137083 : f32
        %mul3A_597 = vector.broadcast %mul3A_596 : f32 to vector<16xf32>
        %mul3A_598 = arith.mulf %get3A_595, %mul3A_597 : vector<16xf32>
        %swap3A_599 = arith.index_cast %add3A_591 : i32 to index
        %swap3A_600 = arith.constant 96 : index
        %swap3A_601 = tpu.vector_load %arg6[%swap3A_599, %swap3A_600] {strides = array<i32>} : memref<768x128xf32, #tpu.memory_space<vmem>>, vector<1x16xf32>,
        %swap3A_602 = vector.shape_cast %swap3A_601 : vector<1x16xf32> to vector<16xf32>
        %swap3A_603 = vector.shape_cast %mul3A_598 : vector<16xf32> to vector<1x16xf32>
        tpu.vector_store %arg6[%swap3A_599, %swap3A_600], %swap3A_603 {strides = array<i32>} : memref<768x128xf32, #tpu.memory_space<vmem>>, vector<1x16xf32>,
        %mul3A_604 = arith.constant 2 : i32
        %mul3A_605 = arith.muli %mul3A_604, %scan3A_479 : i32
        %add3A_606 = arith.constant 256 : i32
        %add3A_607 = arith.addi %add3A_606, %mul3A_605 : i32
        %add3A_608 = arith.constant 0 : i32
        %add3A_609 = arith.addi %add3A_607, %add3A_608 : i32
        %get3A_610 = arith.index_cast %add3A_609 : i32 to index
        %get3A_611 = arith.constant 112 : index
        %get3A_612 = tpu.vector_load %arg6[%get3A_610, %get3A_611] {strides = array<i32>} : memref<768x128xf32, #tpu.memory_space<vmem>>, vector<1x16xf32>,
        %get3A_613 = vector.shape_cast %get3A_612 : vector<1x16xf32> to vector<16xf32>
        %mul3A_614 = arith.constant 11.3137083 : f32
        %mul3A_615 = vector.broadcast %mul3A_614 : f32 to vector<16xf32>
        %mul3A_616 = arith.mulf %get3A_613, %mul3A_615 : vector<16xf32>
        %swap3A_617 = arith.index_cast %add3A_609 : i32 to index
        %swap3A_618 = arith.constant 112 : index
        %swap3A_619 = tpu.vector_load %arg6[%swap3A_617, %swap3A_618] {strides = array<i32>} : memref<768x128xf32, #tpu.memory_space<vmem>>, vector<1x16xf32>,
        %swap3A_620 = vector.shape_cast %swap3A_619 : vector<1x16xf32> to vector<16xf32>
        %swap3A_621 = vector.shape_cast %mul3A_616 : vector<16xf32> to vector<1x16xf32>
        tpu.vector_store %arg6[%swap3A_617, %swap3A_618], %swap3A_621 {strides = array<i32>} : memref<768x128xf32, #tpu.memory_space<vmem>>, vector<1x16xf32>,
        %mul3A_622 = arith.constant 2 : i32
        %mul3A_623 = arith.muli %mul3A_622, %scan3A_479 : i32
        %add3A_624 = arith.constant 256 : i32
        %add3A_625 = arith.addi %add3A_624, %mul3A_623 : i32
        %add3A_626 = arith.constant 1 : i32
        %add3A_627 = arith.addi %add3A_625, %add3A_626 : i32
        %get3A_628 = arith.index_cast %add3A_627 : i32 to index
        %get3A_629 = arith.constant 0 : index
        %get3A_630 = tpu.vector_load %arg6[%get3A_628, %get3A_629] {strides = array<i32>} : memref<768x128xf32, #tpu.memory_space<vmem>>, vector<1x16xf32>,
        %get3A_631 = vector.shape_cast %get3A_630 : vector<1x16xf32> to vector<16xf32>
        %mul3A_632 = arith.constant 11.3137083 : f32
        %mul3A_633 = vector.broadcast %mul3A_632 : f32 to vector<16xf32>
        %mul3A_634 = arith.mulf %get3A_631, %mul3A_633 : vector<16xf32>
        %swap3A_635 = arith.index_cast %add3A_627 : i32 to index
        %swap3A_636 = arith.constant 0 : index
        %swap3A_637 = tpu.vector_load %arg6[%swap3A_635, %swap3A_636] {strides = array<i32>} : memref<768x128xf32, #tpu.memory_space<vmem>>, vector<1x16xf32>,
        %swap3A_638 = vector.shape_cast %swap3A_637 : vector<1x16xf32> to vector<16xf32>
        %swap3A_639 = vector.shape_cast %mul3A_634 : vector<16xf32> to vector<1x16xf32>
        tpu.vector_store %arg6[%swap3A_635, %swap3A_636], %swap3A_639 {strides = array<i32>} : memref<768x128xf32, #tpu.memory_space<vmem>>, vector<1x16xf32>,
        %mul3A_640 = arith.constant 2 : i32
        %mul3A_641 = arith.muli %mul3A_640, %scan3A_479 : i32
        %add3A_642 = arith.constant 256 : i32
        %add3A_643 = arith.addi %add3A_642, %mul3A_641 : i32
        %add3A_644 = arith.constant 1 : i32
        %add3A_645 = arith.addi %add3A_643, %add3A_644 : i32
        %get3A_646 = arith.index_cast %add3A_645 : i32 to index
        %get3A_647 = arith.constant 16 : index
        %get3A_648 = tpu.vector_load %arg6[%get3A_646, %get3A_647] {strides = array<i32>} : memref<768x128xf32, #tpu.memory_space<vmem>>, vector<1x16xf32>,
        %get3A_649 = vector.shape_cast %get3A_648 : vector<1x16xf32> to vector<16xf32>
        %mul3A_650 = arith.constant 11.3137083 : f32
        %mul3A_651 = vector.broadcast %mul3A_650 : f32 to vector<16xf32>
        %mul3A_652 = arith.mulf %get3A_649, %mul3A_651 : vector<16xf32>
        %swap3A_653 = arith.index_cast %add3A_645 : i32 to index
        %swap3A_654 = arith.constant 16 : index
        %swap3A_655 = tpu.vector_load %arg6[%swap3A_653, %swap3A_654] {strides = array<i32>} : memref<768x128xf32, #tpu.memory_space<vmem>>, vector<1x16xf32>,
        %swap3A_656 = vector.shape_cast %swap3A_655 : vector<1x16xf32> to vector<16xf32>
        %swap3A_657 = vector.shape_cast %mul3A_652 : vector<16xf32> to vector<1x16xf32>
        tpu.vector_store %arg6[%swap3A_653, %swap3A_654], %swap3A_657 {strides = array<i32>} : memref<768x128xf32, #tpu.memory_space<vmem>>, vector<1x16xf32>,
        %mul3A_658 = arith.constant 2 : i32
        %mul3A_659 = arith.muli %mul3A_658, %scan3A_479 : i32
        %add3A_660 = arith.constant 256 : i32
        %add3A_661 = arith.addi %add3A_660, %mul3A_659 : i32
        %add3A_662 = arith.constant 1 : i32
        %add3A_663 = arith.addi %add3A_661, %add3A_662 : i32
        %get3A_664 = arith.index_cast %add3A_663 : i32 to index
        %get3A_665 = arith.constant 32 : index
        %get3A_666 = tpu.vector_load %arg6[%get3A_664, %get3A_665] {strides = array<i32>} : memref<768x128xf32, #tpu.memory_space<vmem>>, vector<1x16xf32>,
        %get3A_667 = vector.shape_cast %get3A_666 : vector<1x16xf32> to vector<16xf32>
        %mul3A_668 = arith.constant 11.3137083 : f32
        %mul3A_669 = vector.broadcast %mul3A_668 : f32 to vector<16xf32>
        %mul3A_670 = arith.mulf %get3A_667, %mul3A_669 : vector<16xf32>
        %swap3A_671 = arith.index_cast %add3A_663 : i32 to index
        %swap3A_672 = arith.constant 32 : index
        %swap3A_673 = tpu.vector_load %arg6[%swap3A_671, %swap3A_672] {strides = array<i32>} : memref<768x128xf32, #tpu.memory_space<vmem>>, vector<1x16xf32>,
        %swap3A_674 = vector.shape_cast %swap3A_673 : vector<1x16xf32> to vector<16xf32>
        %swap3A_675 = vector.shape_cast %mul3A_670 : vector<16xf32> to vector<1x16xf32>
        tpu.vector_store %arg6[%swap3A_671, %swap3A_672], %swap3A_675 {strides = array<i32>} : memref<768x128xf32, #tpu.memory_space<vmem>>, vector<1x16xf32>,
        %mul3A_676 = arith.constant 2 : i32
        %mul3A_677 = arith.muli %mul3A_676, %scan3A_479 : i32
        %add3A_678 = arith.constant 256 : i32
        %add3A_679 = arith.addi %add3A_678, %mul3A_677 : i32
        %add3A_680 = arith.constant 1 : i32
        %add3A_681 = arith.addi %add3A_679, %add3A_680 : i32
        %get3A_682 = arith.index_cast %add3A_681 : i32 to index
        %get3A_683 = arith.constant 48 : index
        %get3A_684 = tpu.vector_load %arg6[%get3A_682, %get3A_683] {strides = array<i32>} : memref<768x128xf32, #tpu.memory_space<vmem>>, vector<1x16xf32>,
        %get3A_685 = vector.shape_cast %get3A_684 : vector<1x16xf32> to vector<16xf32>
        %mul3A_686 = arith.constant 11.3137083 : f32
        %mul3A_687 = vector.broadcast %mul3A_686 : f32 to vector<16xf32>
        %mul3A_688 = arith.mulf %get3A_685, %mul3A_687 : vector<16xf32>
        %swap3A_689 = arith.index_cast %add3A_681 : i32 to index
        %swap3A_690 = arith.constant 48 : index
        %swap3A_691 = tpu.vector_load %arg6[%swap3A_689, %swap3A_690] {strides = array<i32>} : memref<768x128xf32, #tpu.memory_space<vmem>>, vector<1x16xf32>,
        %swap3A_692 = vector.shape_cast %swap3A_691 : vector<1x16xf32> to vector<16xf32>
        %swap3A_693 = vector.shape_cast %mul3A_688 : vector<16xf32> to vector<1x16xf32>
        tpu.vector_store %arg6[%swap3A_689, %swap3A_690], %swap3A_693 {strides = array<i32>} : memref<768x128xf32, #tpu.memory_space<vmem>>, vector<1x16xf32>,
        %mul3A_694 = arith.constant 2 : i32
        %mul3A_695 = arith.muli %mul3A_694, %scan3A_479 : i32
        %add3A_696 = arith.constant 256 : i32
        %add3A_697 = arith.addi %add3A_696, %mul3A_695 : i32
        %add3A_698 = arith.constant 1 : i32
        %add3A_699 = arith.addi %add3A_697, %add3A_698 : i32
        %get3A_700 = arith.index_cast %add3A_699 : i32 to index
        %get3A_701 = arith.constant 64 : index
        %get3A_702 = tpu.vector_load %arg6[%get3A_700, %get3A_701] {strides = array<i32>} : memref<768x128xf32, #tpu.memory_space<vmem>>, vector<1x16xf32>,
        %get3A_703 = vector.shape_cast %get3A_702 : vector<1x16xf32> to vector<16xf32>
        %mul3A_704 = arith.constant 11.3137083 : f32
        %mul3A_705 = vector.broadcast %mul3A_704 : f32 to vector<16xf32>
        %mul3A_706 = arith.mulf %get3A_703, %mul3A_705 : vector<16xf32>
        %swap3A_707 = arith.index_cast %add3A_699 : i32 to index
        %swap3A_708 = arith.constant 64 : index
        %swap3A_709 = tpu.vector_load %arg6[%swap3A_707, %swap3A_708] {strides = array<i32>} : memref<768x128xf32, #tpu.memory_space<vmem>>, vector<1x16xf32>,
        %swap3A_710 = vector.shape_cast %swap3A_709 : vector<1x16xf32> to vector<16xf32>
        %swap3A_711 = vector.shape_cast %mul3A_706 : vector<16xf32> to vector<1x16xf32>
        tpu.vector_store %arg6[%swap3A_707, %swap3A_708], %swap3A_711 {strides = array<i32>} : memref<768x128xf32, #tpu.memory_space<vmem>>, vector<1x16xf32>,
        %mul3A_712 = arith.constant 2 : i32
        %mul3A_713 = arith.muli %mul3A_712, %scan3A_479 : i32
        %add3A_714 = arith.constant 256 : i32
        %add3A_715 = arith.addi %add3A_714, %mul3A_713 : i32
        %add3A_716 = arith.constant 1 : i32
        %add3A_717 = arith.addi %add3A_715, %add3A_716 : i32
        %get3A_718 = arith.index_cast %add3A_717 : i32 to index
        %get3A_719 = arith.constant 80 : index
        %get3A_720 = tpu.vector_load %arg6[%get3A_718, %get3A_719] {strides = array<i32>} : memref<768x128xf32, #tpu.memory_space<vmem>>, vector<1x16xf32>,
        %get3A_721 = vector.shape_cast %get3A_720 : vector<1x16xf32> to vector<16xf32>
        %mul3A_722 = arith.constant 11.3137083 : f32
        %mul3A_723 = vector.broadcast %mul3A_722 : f32 to vector<16xf32>
        %mul3A_724 = arith.mulf %get3A_721, %mul3A_723 : vector<16xf32>
        %swap3A_725 = arith.index_cast %add3A_717 : i32 to index
        %swap3A_726 = arith.constant 80 : index
        %swap3A_727 = tpu.vector_load %arg6[%swap3A_725, %swap3A_726] {strides = array<i32>} : memref<768x128xf32, #tpu.memory_space<vmem>>, vector<1x16xf32>,
        %swap3A_728 = vector.shape_cast %swap3A_727 : vector<1x16xf32> to vector<16xf32>
        %swap3A_729 = vector.shape_cast %mul3A_724 : vector<16xf32> to vector<1x16xf32>
        tpu.vector_store %arg6[%swap3A_725, %swap3A_726], %swap3A_729 {strides = array<i32>} : memref<768x128xf32, #tpu.memory_space<vmem>>, vector<1x16xf32>,
        %mul3A_730 = arith.constant 2 : i32
        %mul3A_731 = arith.muli %mul3A_730, %scan3A_479 : i32
        %add3A_732 = arith.constant 256 : i32
        %add3A_733 = arith.addi %add3A_732, %mul3A_731 : i32
        %add3A_734 = arith.constant 1 : i32
        %add3A_735 = arith.addi %add3A_733, %add3A_734 : i32
        %get3A_736 = arith.index_cast %add3A_735 : i32 to index
        %get3A_737 = arith.constant 96 : index
        %get3A_738 = tpu.vector_load %arg6[%get3A_736, %get3A_737] {strides = array<i32>} : memref<768x128xf32, #tpu.memory_space<vmem>>, vector<1x16xf32>,
        %get3A_739 = vector.shape_cast %get3A_738 : vector<1x16xf32> to vector<16xf32>
        %mul3A_740 = arith.constant 11.3137083 : f32
        %mul3A_741 = vector.broadcast %mul3A_740 : f32 to vector<16xf32>
        %mul3A_742 = arith.mulf %get3A_739, %mul3A_741 : vector<16xf32>
        %swap3A_743 = arith.index_cast %add3A_735 : i32 to index
        %swap3A_744 = arith.constant 96 : index
        %swap3A_745 = tpu.vector_load %arg6[%swap3A_743, %swap3A_744] {strides = array<i32>} : memref<768x128xf32, #tpu.memory_space<vmem>>, vector<1x16xf32>,
        %swap3A_746 = vector.shape_cast %swap3A_745 : vector<1x16xf32> to vector<16xf32>
        %swap3A_747 = vector.shape_cast %mul3A_742 : vector<16xf32> to vector<1x16xf32>
        tpu.vector_store %arg6[%swap3A_743, %swap3A_744], %swap3A_747 {strides = array<i32>} : memref<768x128xf32, #tpu.memory_space<vmem>>, vector<1x16xf32>,
        %mul3A_748 = arith.constant 2 : i32
        %mul3A_749 = arith.muli %mul3A_748, %scan3A_479 : i32
        %add3A_750 = arith.constant 256 : i32
        %add3A_751 = arith.addi %add3A_750, %mul3A_749 : i32
        %add3A_752 = arith.constant 1 : i32
        %add3A_753 = arith.addi %add3A_751, %add3A_752 : i32
        %get3A_754 = arith.index_cast %add3A_753 : i32 to index
        %get3A_755 = arith.constant 112 : index
        %get3A_756 = tpu.vector_load %arg6[%get3A_754, %get3A_755] {strides = array<i32>} : memref<768x128xf32, #tpu.memory_space<vmem>>, vector<1x16xf32>,
        %get3A_757 = vector.shape_cast %get3A_756 : vector<1x16xf32> to vector<16xf32>
        %mul3A_758 = arith.constant 11.3137083 : f32
        %mul3A_759 = vector.broadcast %mul3A_758 : f32 to vector<16xf32>
        %mul3A_760 = arith.mulf %get3A_757, %mul3A_759 : vector<16xf32>
        %swap3A_761 = arith.index_cast %add3A_753 : i32 to index
        %swap3A_762 = arith.constant 112 : index
        %swap3A_763 = tpu.vector_load %arg6[%swap3A_761, %swap3A_762] {strides = array<i32>} : memref<768x128xf32, #tpu.memory_space<vmem>>, vector<1x16xf32>,
        %swap3A_764 = vector.shape_cast %swap3A_763 : vector<1x16xf32> to vector<16xf32>
        %swap3A_765 = vector.shape_cast %mul3A_760 : vector<16xf32> to vector<1x16xf32>
        tpu.vector_store %arg6[%swap3A_761, %swap3A_762], %swap3A_765 {strides = array<i32>} : memref<768x128xf32, #tpu.memory_space<vmem>>, vector<1x16xf32>,
      }
      %scan3A_372 = arith.constant 64 : i32
      %dma_wait3A_373 = arith.constant 384 : i32
      %dma_wait3A_374 = arith.constant 0 : i32
      %dma_wait3A_375 = tpu.memref_slice %arg6[%dma_wait3A_373, %dma_wait3A_374] : memref<768x128xf32, #tpu.memory_space<vmem>> -> memref<64x128xf32, #tpu.memory_space<vmem>>
      %dma_wait3A_376 = arith.constant 0 : i32
      %dma_wait3A_377 = tpu.memref_slice %arg5[%add3A_221, %dma_wait3A_376] : memref<200x128xi32, #tpu.memory_space<vmem>> -> memref<1x64xi32, #tpu.memory_space<vmem>>
      %dma_wait3A_378 = tpu.memref_squeeze %dma_wait3A_377 : memref<1x64xi32, #tpu.memory_space<vmem>> -> memref<64xi32, #tpu.memory_space<vmem>>
      %dma_wait3A_379 = arith.constant 0 : i32
      %dma_wait3A_380 = arith.constant 0 : i32
      %dma_wait3A_381 = tpu.memref_slice %arg2[%dma_wait3A_379, %dma_wait3A_380] : memref<100000x128xf32, #tpu.memory_space<hbm>> -> memref<100000x128xf32, #tpu.memory_space<hbm>>
      tpu.wait_indirect_dma semaphore(%arg13 : memref<!tpu.dma_semaphore, #tpu.memory_space<semaphore_mem>>) src(%dma_wait3A_381 : memref<100000x128xf32, #tpu.memory_space<hbm>>) dst(%dma_wait3A_375 : memref<64x128xf32, #tpu.memory_space<vmem>>)
      %dma_wait3A_382 = arith.constant 448 : i32
      %dma_wait3A_383 = arith.constant 0 : i32
      %dma_wait3A_384 = tpu.memref_slice %arg6[%dma_wait3A_382, %dma_wait3A_383] : memref<768x128xf32, #tpu.memory_space<vmem>> -> memref<64x128xf32, #tpu.memory_space<vmem>>
      %dma_wait3A_385 = arith.constant 64 : i32
      %dma_wait3A_386 = tpu.memref_slice %arg5[%add3A_221, %dma_wait3A_385] : memref<200x128xi32, #tpu.memory_space<vmem>> -> memref<1x64xi32, #tpu.memory_space<vmem>>
      %dma_wait3A_387 = tpu.memref_squeeze %dma_wait3A_386 : memref<1x64xi32, #tpu.memory_space<vmem>> -> memref<64xi32, #tpu.memory_space<vmem>>
      %dma_wait3A_388 = arith.constant 0 : i32
      %dma_wait3A_389 = arith.constant 0 : i32
      %dma_wait3A_390 = tpu.memref_slice %arg2[%dma_wait3A_388, %dma_wait3A_389] : memref<100000x128xf32, #tpu.memory_space<hbm>> -> memref<100000x128xf32, #tpu.memory_space<hbm>>
      tpu.wait_indirect_dma semaphore(%arg14 : memref<!tpu.dma_semaphore, #tpu.memory_space<semaphore_mem>>) src(%dma_wait3A_390 : memref<100000x128xf32, #tpu.memory_space<hbm>>) dst(%dma_wait3A_384 : memref<64x128xf32, #tpu.memory_space<vmem>>)
      %scan3A_391 = arith.constant 0 : i32
      %scan3A_392 = arith.constant 0 : i32
      %scan3A_393 = arith.constant 64 : i32
      %scan3A_394 = arith.addi %scan3A_392, %scan3A_393 : i32
      %scan3A_395 = arith.constant 1 : i32
      scf.for %scan3A_479 = %scan3A_392 to %scan3A_394 step %scan3A_395  : i32 {
        %mul3A_480 = arith.constant 2 : i32
        %mul3A_481 = arith.muli %mul3A_480, %scan3A_479 : i32
        %add3A_482 = arith.constant 384 : i32
        %add3A_483 = arith.addi %add3A_482, %mul3A_481 : i32
        %add3A_484 = arith.constant 0 : i32
        %add3A_485 = arith.addi %add3A_483, %add3A_484 : i32
        %get3A = arith.index_cast %add3A_485 : i32 to index
        %get3A_486 = arith.constant 0 : index
        %get3A_487 = tpu.vector_load %arg6[%get3A, %get3A_486] {strides = array<i32>} : memref<768x128xf32, #tpu.memory_space<vmem>>, vector<1x16xf32>,
        %get3A_488 = vector.shape_cast %get3A_487 : vector<1x16xf32> to vector<16xf32>
        %mul3A_489 = arith.constant 11.3137083 : f32
        %mul3A_490 = vector.broadcast %mul3A_489 : f32 to vector<16xf32>
        %mul3A_491 = arith.mulf %get3A_488, %mul3A_490 : vector<16xf32>
        %swap3A = arith.index_cast %add3A_485 : i32 to index
        %swap3A_492 = arith.constant 0 : index
        %swap3A_493 = tpu.vector_load %arg6[%swap3A, %swap3A_492] {strides = array<i32>} : memref<768x128xf32, #tpu.memory_space<vmem>>, vector<1x16xf32>,
        %swap3A_494 = vector.shape_cast %swap3A_493 : vector<1x16xf32> to vector<16xf32>
        %swap3A_495 = vector.shape_cast %mul3A_491 : vector<16xf32> to vector<1x16xf32>
        tpu.vector_store %arg6[%swap3A, %swap3A_492], %swap3A_495 {strides = array<i32>} : memref<768x128xf32, #tpu.memory_space<vmem>>, vector<1x16xf32>,
        %mul3A_496 = arith.constant 2 : i32
        %mul3A_497 = arith.muli %mul3A_496, %scan3A_479 : i32
        %add3A_498 = arith.constant 384 : i32
        %add3A_499 = arith.addi %add3A_498, %mul3A_497 : i32
        %add3A_500 = arith.constant 0 : i32
        %add3A_501 = arith.addi %add3A_499, %add3A_500 : i32
        %get3A_502 = arith.index_cast %add3A_501 : i32 to index
        %get3A_503 = arith.constant 16 : index
        %get3A_504 = tpu.vector_load %arg6[%get3A_502, %get3A_503] {strides = array<i32>} : memref<768x128xf32, #tpu.memory_space<vmem>>, vector<1x16xf32>,
        %get3A_505 = vector.shape_cast %get3A_504 : vector<1x16xf32> to vector<16xf32>
        %mul3A_506 = arith.constant 11.3137083 : f32
        %mul3A_507 = vector.broadcast %mul3A_506 : f32 to vector<16xf32>
        %mul3A_508 = arith.mulf %get3A_505, %mul3A_507 : vector<16xf32>
        %swap3A_509 = arith.index_cast %add3A_501 : i32 to index
        %swap3A_510 = arith.constant 16 : index
        %swap3A_511 = tpu.vector_load %arg6[%swap3A_509, %swap3A_510] {strides = array<i32>} : memref<768x128xf32, #tpu.memory_space<vmem>>, vector<1x16xf32>,
        %swap3A_512 = vector.shape_cast %swap3A_511 : vector<1x16xf32> to vector<16xf32>
        %swap3A_513 = vector.shape_cast %mul3A_508 : vector<16xf32> to vector<1x16xf32>
        tpu.vector_store %arg6[%swap3A_509, %swap3A_510], %swap3A_513 {strides = array<i32>} : memref<768x128xf32, #tpu.memory_space<vmem>>, vector<1x16xf32>,
        %mul3A_514 = arith.constant 2 : i32
        %mul3A_515 = arith.muli %mul3A_514, %scan3A_479 : i32
        %add3A_516 = arith.constant 384 : i32
        %add3A_517 = arith.addi %add3A_516, %mul3A_515 : i32
        %add3A_518 = arith.constant 0 : i32
        %add3A_519 = arith.addi %add3A_517, %add3A_518 : i32
        %get3A_520 = arith.index_cast %add3A_519 : i32 to index
        %get3A_521 = arith.constant 32 : index
        %get3A_522 = tpu.vector_load %arg6[%get3A_520, %get3A_521] {strides = array<i32>} : memref<768x128xf32, #tpu.memory_space<vmem>>, vector<1x16xf32>,
        %get3A_523 = vector.shape_cast %get3A_522 : vector<1x16xf32> to vector<16xf32>
        %mul3A_524 = arith.constant 11.3137083 : f32
        %mul3A_525 = vector.broadcast %mul3A_524 : f32 to vector<16xf32>
        %mul3A_526 = arith.mulf %get3A_523, %mul3A_525 : vector<16xf32>
        %swap3A_527 = arith.index_cast %add3A_519 : i32 to index
        %swap3A_528 = arith.constant 32 : index
        %swap3A_529 = tpu.vector_load %arg6[%swap3A_527, %swap3A_528] {strides = array<i32>} : memref<768x128xf32, #tpu.memory_space<vmem>>, vector<1x16xf32>,
        %swap3A_530 = vector.shape_cast %swap3A_529 : vector<1x16xf32> to vector<16xf32>
        %swap3A_531 = vector.shape_cast %mul3A_526 : vector<16xf32> to vector<1x16xf32>
        tpu.vector_store %arg6[%swap3A_527, %swap3A_528], %swap3A_531 {strides = array<i32>} : memref<768x128xf32, #tpu.memory_space<vmem>>, vector<1x16xf32>,
        %mul3A_532 = arith.constant 2 : i32
        %mul3A_533 = arith.muli %mul3A_532, %scan3A_479 : i32
        %add3A_534 = arith.constant 384 : i32
        %add3A_535 = arith.addi %add3A_534, %mul3A_533 : i32
        %add3A_536 = arith.constant 0 : i32
        %add3A_537 = arith.addi %add3A_535, %add3A_536 : i32
        %get3A_538 = arith.index_cast %add3A_537 : i32 to index
        %get3A_539 = arith.constant 48 : index
        %get3A_540 = tpu.vector_load %arg6[%get3A_538, %get3A_539] {strides = array<i32>} : memref<768x128xf32, #tpu.memory_space<vmem>>, vector<1x16xf32>,
        %get3A_541 = vector.shape_cast %get3A_540 : vector<1x16xf32> to vector<16xf32>
        %mul3A_542 = arith.constant 11.3137083 : f32
        %mul3A_543 = vector.broadcast %mul3A_542 : f32 to vector<16xf32>
        %mul3A_544 = arith.mulf %get3A_541, %mul3A_543 : vector<16xf32>
        %swap3A_545 = arith.index_cast %add3A_537 : i32 to index
        %swap3A_546 = arith.constant 48 : index
        %swap3A_547 = tpu.vector_load %arg6[%swap3A_545, %swap3A_546] {strides = array<i32>} : memref<768x128xf32, #tpu.memory_space<vmem>>, vector<1x16xf32>,
        %swap3A_548 = vector.shape_cast %swap3A_547 : vector<1x16xf32> to vector<16xf32>
        %swap3A_549 = vector.shape_cast %mul3A_544 : vector<16xf32> to vector<1x16xf32>
        tpu.vector_store %arg6[%swap3A_545, %swap3A_546], %swap3A_549 {strides = array<i32>} : memref<768x128xf32, #tpu.memory_space<vmem>>, vector<1x16xf32>,
        %mul3A_550 = arith.constant 2 : i32
        %mul3A_551 = arith.muli %mul3A_550, %scan3A_479 : i32
        %add3A_552 = arith.constant 384 : i32
        %add3A_553 = arith.addi %add3A_552, %mul3A_551 : i32
        %add3A_554 = arith.constant 0 : i32
        %add3A_555 = arith.addi %add3A_553, %add3A_554 : i32
        %get3A_556 = arith.index_cast %add3A_555 : i32 to index
        %get3A_557 = arith.constant 64 : index
        %get3A_558 = tpu.vector_load %arg6[%get3A_556, %get3A_557] {strides = array<i32>} : memref<768x128xf32, #tpu.memory_space<vmem>>, vector<1x16xf32>,
        %get3A_559 = vector.shape_cast %get3A_558 : vector<1x16xf32> to vector<16xf32>
        %mul3A_560 = arith.constant 11.3137083 : f32
        %mul3A_561 = vector.broadcast %mul3A_560 : f32 to vector<16xf32>
        %mul3A_562 = arith.mulf %get3A_559, %mul3A_561 : vector<16xf32>
        %swap3A_563 = arith.index_cast %add3A_555 : i32 to index
        %swap3A_564 = arith.constant 64 : index
        %swap3A_565 = tpu.vector_load %arg6[%swap3A_563, %swap3A_564] {strides = array<i32>} : memref<768x128xf32, #tpu.memory_space<vmem>>, vector<1x16xf32>,
        %swap3A_566 = vector.shape_cast %swap3A_565 : vector<1x16xf32> to vector<16xf32>
        %swap3A_567 = vector.shape_cast %mul3A_562 : vector<16xf32> to vector<1x16xf32>
        tpu.vector_store %arg6[%swap3A_563, %swap3A_564], %swap3A_567 {strides = array<i32>} : memref<768x128xf32, #tpu.memory_space<vmem>>, vector<1x16xf32>,
        %mul3A_568 = arith.constant 2 : i32
        %mul3A_569 = arith.muli %mul3A_568, %scan3A_479 : i32
        %add3A_570 = arith.constant 384 : i32
        %add3A_571 = arith.addi %add3A_570, %mul3A_569 : i32
        %add3A_572 = arith.constant 0 : i32
        %add3A_573 = arith.addi %add3A_571, %add3A_572 : i32
        %get3A_574 = arith.index_cast %add3A_573 : i32 to index
        %get3A_575 = arith.constant 80 : index
        %get3A_576 = tpu.vector_load %arg6[%get3A_574, %get3A_575] {strides = array<i32>} : memref<768x128xf32, #tpu.memory_space<vmem>>, vector<1x16xf32>,
        %get3A_577 = vector.shape_cast %get3A_576 : vector<1x16xf32> to vector<16xf32>
        %mul3A_578 = arith.constant 11.3137083 : f32
        %mul3A_579 = vector.broadcast %mul3A_578 : f32 to vector<16xf32>
        %mul3A_580 = arith.mulf %get3A_577, %mul3A_579 : vector<16xf32>
        %swap3A_581 = arith.index_cast %add3A_573 : i32 to index
        %swap3A_582 = arith.constant 80 : index
        %swap3A_583 = tpu.vector_load %arg6[%swap3A_581, %swap3A_582] {strides = array<i32>} : memref<768x128xf32, #tpu.memory_space<vmem>>, vector<1x16xf32>,
        %swap3A_584 = vector.shape_cast %swap3A_583 : vector<1x16xf32> to vector<16xf32>
        %swap3A_585 = vector.shape_cast %mul3A_580 : vector<16xf32> to vector<1x16xf32>
        tpu.vector_store %arg6[%swap3A_581, %swap3A_582], %swap3A_585 {strides = array<i32>} : memref<768x128xf32, #tpu.memory_space<vmem>>, vector<1x16xf32>,
        %mul3A_586 = arith.constant 2 : i32
        %mul3A_587 = arith.muli %mul3A_586, %scan3A_479 : i32
        %add3A_588 = arith.constant 384 : i32
        %add3A_589 = arith.addi %add3A_588, %mul3A_587 : i32
        %add3A_590 = arith.constant 0 : i32
        %add3A_591 = arith.addi %add3A_589, %add3A_590 : i32
        %get3A_592 = arith.index_cast %add3A_591 : i32 to index
        %get3A_593 = arith.constant 96 : index
        %get3A_594 = tpu.vector_load %arg6[%get3A_592, %get3A_593] {strides = array<i32>} : memref<768x128xf32, #tpu.memory_space<vmem>>, vector<1x16xf32>,
        %get3A_595 = vector.shape_cast %get3A_594 : vector<1x16xf32> to vector<16xf32>
        %mul3A_596 = arith.constant 11.3137083 : f32
        %mul3A_597 = vector.broadcast %mul3A_596 : f32 to vector<16xf32>
        %mul3A_598 = arith.mulf %get3A_595, %mul3A_597 : vector<16xf32>
        %swap3A_599 = arith.index_cast %add3A_591 : i32 to index
        %swap3A_600 = arith.constant 96 : index
        %swap3A_601 = tpu.vector_load %arg6[%swap3A_599, %swap3A_600] {strides = array<i32>} : memref<768x128xf32, #tpu.memory_space<vmem>>, vector<1x16xf32>,
        %swap3A_602 = vector.shape_cast %swap3A_601 : vector<1x16xf32> to vector<16xf32>
        %swap3A_603 = vector.shape_cast %mul3A_598 : vector<16xf32> to vector<1x16xf32>
        tpu.vector_store %arg6[%swap3A_599, %swap3A_600], %swap3A_603 {strides = array<i32>} : memref<768x128xf32, #tpu.memory_space<vmem>>, vector<1x16xf32>,
        %mul3A_604 = arith.constant 2 : i32
        %mul3A_605 = arith.muli %mul3A_604, %scan3A_479 : i32
        %add3A_606 = arith.constant 384 : i32
        %add3A_607 = arith.addi %add3A_606, %mul3A_605 : i32
        %add3A_608 = arith.constant 0 : i32
        %add3A_609 = arith.addi %add3A_607, %add3A_608 : i32
        %get3A_610 = arith.index_cast %add3A_609 : i32 to index
        %get3A_611 = arith.constant 112 : index
        %get3A_612 = tpu.vector_load %arg6[%get3A_610, %get3A_611] {strides = array<i32>} : memref<768x128xf32, #tpu.memory_space<vmem>>, vector<1x16xf32>,
        %get3A_613 = vector.shape_cast %get3A_612 : vector<1x16xf32> to vector<16xf32>
        %mul3A_614 = arith.constant 11.3137083 : f32
        %mul3A_615 = vector.broadcast %mul3A_614 : f32 to vector<16xf32>
        %mul3A_616 = arith.mulf %get3A_613, %mul3A_615 : vector<16xf32>
        %swap3A_617 = arith.index_cast %add3A_609 : i32 to index
        %swap3A_618 = arith.constant 112 : index
        %swap3A_619 = tpu.vector_load %arg6[%swap3A_617, %swap3A_618] {strides = array<i32>} : memref<768x128xf32, #tpu.memory_space<vmem>>, vector<1x16xf32>,
        %swap3A_620 = vector.shape_cast %swap3A_619 : vector<1x16xf32> to vector<16xf32>
        %swap3A_621 = vector.shape_cast %mul3A_616 : vector<16xf32> to vector<1x16xf32>
        tpu.vector_store %arg6[%swap3A_617, %swap3A_618], %swap3A_621 {strides = array<i32>} : memref<768x128xf32, #tpu.memory_space<vmem>>, vector<1x16xf32>,
        %mul3A_622 = arith.constant 2 : i32
        %mul3A_623 = arith.muli %mul3A_622, %scan3A_479 : i32
        %add3A_624 = arith.constant 384 : i32
        %add3A_625 = arith.addi %add3A_624, %mul3A_623 : i32
        %add3A_626 = arith.constant 1 : i32
        %add3A_627 = arith.addi %add3A_625, %add3A_626 : i32
        %get3A_628 = arith.index_cast %add3A_627 : i32 to index
        %get3A_629 = arith.constant 0 : index
        %get3A_630 = tpu.vector_load %arg6[%get3A_628, %get3A_629] {strides = array<i32>} : memref<768x128xf32, #tpu.memory_space<vmem>>, vector<1x16xf32>,
        %get3A_631 = vector.shape_cast %get3A_630 : vector<1x16xf32> to vector<16xf32>
        %mul3A_632 = arith.constant 11.3137083 : f32
        %mul3A_633 = vector.broadcast %mul3A_632 : f32 to vector<16xf32>
        %mul3A_634 = arith.mulf %get3A_631, %mul3A_633 : vector<16xf32>
        %swap3A_635 = arith.index_cast %add3A_627 : i32 to index
        %swap3A_636 = arith.constant 0 : index
        %swap3A_637 = tpu.vector_load %arg6[%swap3A_635, %swap3A_636] {strides = array<i32>} : memref<768x128xf32, #tpu.memory_space<vmem>>, vector<1x16xf32>,
        %swap3A_638 = vector.shape_cast %swap3A_637 : vector<1x16xf32> to vector<16xf32>
        %swap3A_639 = vector.shape_cast %mul3A_634 : vector<16xf32> to vector<1x16xf32>
        tpu.vector_store %arg6[%swap3A_635, %swap3A_636], %swap3A_639 {strides = array<i32>} : memref<768x128xf32, #tpu.memory_space<vmem>>, vector<1x16xf32>,
        %mul3A_640 = arith.constant 2 : i32
        %mul3A_641 = arith.muli %mul3A_640, %scan3A_479 : i32
        %add3A_642 = arith.constant 384 : i32
        %add3A_643 = arith.addi %add3A_642, %mul3A_641 : i32
        %add3A_644 = arith.constant 1 : i32
        %add3A_645 = arith.addi %add3A_643, %add3A_644 : i32
        %get3A_646 = arith.index_cast %add3A_645 : i32 to index
        %get3A_647 = arith.constant 16 : index
        %get3A_648 = tpu.vector_load %arg6[%get3A_646, %get3A_647] {strides = array<i32>} : memref<768x128xf32, #tpu.memory_space<vmem>>, vector<1x16xf32>,
        %get3A_649 = vector.shape_cast %get3A_648 : vector<1x16xf32> to vector<16xf32>
        %mul3A_650 = arith.constant 11.3137083 : f32
        %mul3A_651 = vector.broadcast %mul3A_650 : f32 to vector<16xf32>
        %mul3A_652 = arith.mulf %get3A_649, %mul3A_651 : vector<16xf32>
        %swap3A_653 = arith.index_cast %add3A_645 : i32 to index
        %swap3A_654 = arith.constant 16 : index
        %swap3A_655 = tpu.vector_load %arg6[%swap3A_653, %swap3A_654] {strides = array<i32>} : memref<768x128xf32, #tpu.memory_space<vmem>>, vector<1x16xf32>,
        %swap3A_656 = vector.shape_cast %swap3A_655 : vector<1x16xf32> to vector<16xf32>
        %swap3A_657 = vector.shape_cast %mul3A_652 : vector<16xf32> to vector<1x16xf32>
        tpu.vector_store %arg6[%swap3A_653, %swap3A_654], %swap3A_657 {strides = array<i32>} : memref<768x128xf32, #tpu.memory_space<vmem>>, vector<1x16xf32>,
        %mul3A_658 = arith.constant 2 : i32
        %mul3A_659 = arith.muli %mul3A_658, %scan3A_479 : i32
        %add3A_660 = arith.constant 384 : i32
        %add3A_661 = arith.addi %add3A_660, %mul3A_659 : i32
        %add3A_662 = arith.constant 1 : i32
        %add3A_663 = arith.addi %add3A_661, %add3A_662 : i32
        %get3A_664 = arith.index_cast %add3A_663 : i32 to index
        %get3A_665 = arith.constant 32 : index
        %get3A_666 = tpu.vector_load %arg6[%get3A_664, %get3A_665] {strides = array<i32>} : memref<768x128xf32, #tpu.memory_space<vmem>>, vector<1x16xf32>,
        %get3A_667 = vector.shape_cast %get3A_666 : vector<1x16xf32> to vector<16xf32>
        %mul3A_668 = arith.constant 11.3137083 : f32
        %mul3A_669 = vector.broadcast %mul3A_668 : f32 to vector<16xf32>
        %mul3A_670 = arith.mulf %get3A_667, %mul3A_669 : vector<16xf32>
        %swap3A_671 = arith.index_cast %add3A_663 : i32 to index
        %swap3A_672 = arith.constant 32 : index
        %swap3A_673 = tpu.vector_load %arg6[%swap3A_671, %swap3A_672] {strides = array<i32>} : memref<768x128xf32, #tpu.memory_space<vmem>>, vector<1x16xf32>,
        %swap3A_674 = vector.shape_cast %swap3A_673 : vector<1x16xf32> to vector<16xf32>
        %swap3A_675 = vector.shape_cast %mul3A_670 : vector<16xf32> to vector<1x16xf32>
        tpu.vector_store %arg6[%swap3A_671, %swap3A_672], %swap3A_675 {strides = array<i32>} : memref<768x128xf32, #tpu.memory_space<vmem>>, vector<1x16xf32>,
        %mul3A_676 = arith.constant 2 : i32
        %mul3A_677 = arith.muli %mul3A_676, %scan3A_479 : i32
        %add3A_678 = arith.constant 384 : i32
        %add3A_679 = arith.addi %add3A_678, %mul3A_677 : i32
        %add3A_680 = arith.constant 1 : i32
        %add3A_681 = arith.addi %add3A_679, %add3A_680 : i32
        %get3A_682 = arith.index_cast %add3A_681 : i32 to index
        %get3A_683 = arith.constant 48 : index
        %get3A_684 = tpu.vector_load %arg6[%get3A_682, %get3A_683] {strides = array<i32>} : memref<768x128xf32, #tpu.memory_space<vmem>>, vector<1x16xf32>,
        %get3A_685 = vector.shape_cast %get3A_684 : vector<1x16xf32> to vector<16xf32>
        %mul3A_686 = arith.constant 11.3137083 : f32
        %mul3A_687 = vector.broadcast %mul3A_686 : f32 to vector<16xf32>
        %mul3A_688 = arith.mulf %get3A_685, %mul3A_687 : vector<16xf32>
        %swap3A_689 = arith.index_cast %add3A_681 : i32 to index
        %swap3A_690 = arith.constant 48 : index
        %swap3A_691 = tpu.vector_load %arg6[%swap3A_689, %swap3A_690] {strides = array<i32>} : memref<768x128xf32, #tpu.memory_space<vmem>>, vector<1x16xf32>,
        %swap3A_692 = vector.shape_cast %swap3A_691 : vector<1x16xf32> to vector<16xf32>
        %swap3A_693 = vector.shape_cast %mul3A_688 : vector<16xf32> to vector<1x16xf32>
        tpu.vector_store %arg6[%swap3A_689, %swap3A_690], %swap3A_693 {strides = array<i32>} : memref<768x128xf32, #tpu.memory_space<vmem>>, vector<1x16xf32>,
        %mul3A_694 = arith.constant 2 : i32
        %mul3A_695 = arith.muli %mul3A_694, %scan3A_479 : i32
        %add3A_696 = arith.constant 384 : i32
        %add3A_697 = arith.addi %add3A_696, %mul3A_695 : i32
        %add3A_698 = arith.constant 1 : i32
        %add3A_699 = arith.addi %add3A_697, %add3A_698 : i32
        %get3A_700 = arith.index_cast %add3A_699 : i32 to index
        %get3A_701 = arith.constant 64 : index
        %get3A_702 = tpu.vector_load %arg6[%get3A_700, %get3A_701] {strides = array<i32>} : memref<768x128xf32, #tpu.memory_space<vmem>>, vector<1x16xf32>,
        %get3A_703 = vector.shape_cast %get3A_702 : vector<1x16xf32> to vector<16xf32>
        %mul3A_704 = arith.constant 11.3137083 : f32
        %mul3A_705 = vector.broadcast %mul3A_704 : f32 to vector<16xf32>
        %mul3A_706 = arith.mulf %get3A_703, %mul3A_705 : vector<16xf32>
        %swap3A_707 = arith.index_cast %add3A_699 : i32 to index
        %swap3A_708 = arith.constant 64 : index
        %swap3A_709 = tpu.vector_load %arg6[%swap3A_707, %swap3A_708] {strides = array<i32>} : memref<768x128xf32, #tpu.memory_space<vmem>>, vector<1x16xf32>,
        %swap3A_710 = vector.shape_cast %swap3A_709 : vector<1x16xf32> to vector<16xf32>
        %swap3A_711 = vector.shape_cast %mul3A_706 : vector<16xf32> to vector<1x16xf32>
        tpu.vector_store %arg6[%swap3A_707, %swap3A_708], %swap3A_711 {strides = array<i32>} : memref<768x128xf32, #tpu.memory_space<vmem>>, vector<1x16xf32>,
        %mul3A_712 = arith.constant 2 : i32
        %mul3A_713 = arith.muli %mul3A_712, %scan3A_479 : i32
        %add3A_714 = arith.constant 384 : i32
        %add3A_715 = arith.addi %add3A_714, %mul3A_713 : i32
        %add3A_716 = arith.constant 1 : i32
        %add3A_717 = arith.addi %add3A_715, %add3A_716 : i32
        %get3A_718 = arith.index_cast %add3A_717 : i32 to index
        %get3A_719 = arith.constant 80 : index
        %get3A_720 = tpu.vector_load %arg6[%get3A_718, %get3A_719] {strides = array<i32>} : memref<768x128xf32, #tpu.memory_space<vmem>>, vector<1x16xf32>,
        %get3A_721 = vector.shape_cast %get3A_720 : vector<1x16xf32> to vector<16xf32>
        %mul3A_722 = arith.constant 11.3137083 : f32
        %mul3A_723 = vector.broadcast %mul3A_722 : f32 to vector<16xf32>
        %mul3A_724 = arith.mulf %get3A_721, %mul3A_723 : vector<16xf32>
        %swap3A_725 = arith.index_cast %add3A_717 : i32 to index
        %swap3A_726 = arith.constant 80 : index
        %swap3A_727 = tpu.vector_load %arg6[%swap3A_725, %swap3A_726] {strides = array<i32>} : memref<768x128xf32, #tpu.memory_space<vmem>>, vector<1x16xf32>,
        %swap3A_728 = vector.shape_cast %swap3A_727 : vector<1x16xf32> to vector<16xf32>
        %swap3A_729 = vector.shape_cast %mul3A_724 : vector<16xf32> to vector<1x16xf32>
        tpu.vector_store %arg6[%swap3A_725, %swap3A_726], %swap3A_729 {strides = array<i32>} : memref<768x128xf32, #tpu.memory_space<vmem>>, vector<1x16xf32>,
        %mul3A_730 = arith.constant 2 : i32
        %mul3A_731 = arith.muli %mul3A_730, %scan3A_479 : i32
        %add3A_732 = arith.constant 384 : i32
        %add3A_733 = arith.addi %add3A_732, %mul3A_731 : i32
        %add3A_734 = arith.constant 1 : i32
        %add3A_735 = arith.addi %add3A_733, %add3A_734 : i32
        %get3A_736 = arith.index_cast %add3A_735 : i32 to index
        %get3A_737 = arith.constant 96 : index
        %get3A_738 = tpu.vector_load %arg6[%get3A_736, %get3A_737] {strides = array<i32>} : memref<768x128xf32, #tpu.memory_space<vmem>>, vector<1x16xf32>,
        %get3A_739 = vector.shape_cast %get3A_738 : vector<1x16xf32> to vector<16xf32>
        %mul3A_740 = arith.constant 11.3137083 : f32
        %mul3A_741 = vector.broadcast %mul3A_740 : f32 to vector<16xf32>
        %mul3A_742 = arith.mulf %get3A_739, %mul3A_741 : vector<16xf32>
        %swap3A_743 = arith.index_cast %add3A_735 : i32 to index
        %swap3A_744 = arith.constant 96 : index
        %swap3A_745 = tpu.vector_load %arg6[%swap3A_743, %swap3A_744] {strides = array<i32>} : memref<768x128xf32, #tpu.memory_space<vmem>>, vector<1x16xf32>,
        %swap3A_746 = vector.shape_cast %swap3A_745 : vector<1x16xf32> to vector<16xf32>
        %swap3A_747 = vector.shape_cast %mul3A_742 : vector<16xf32> to vector<1x16xf32>
        tpu.vector_store %arg6[%swap3A_743, %swap3A_744], %swap3A_747 {strides = array<i32>} : memref<768x128xf32, #tpu.memory_space<vmem>>, vector<1x16xf32>,
        %mul3A_748 = arith.constant 2 : i32
        %mul3A_749 = arith.muli %mul3A_748, %scan3A_479 : i32
        %add3A_750 = arith.constant 384 : i32
        %add3A_751 = arith.addi %add3A_750, %mul3A_749 : i32
        %add3A_752 = arith.constant 1 : i32
        %add3A_753 = arith.addi %add3A_751, %add3A_752 : i32
        %get3A_754 = arith.index_cast %add3A_753 : i32 to index
        %get3A_755 = arith.constant 112 : index
        %get3A_756 = tpu.vector_load %arg6[%get3A_754, %get3A_755] {strides = array<i32>} : memref<768x128xf32, #tpu.memory_space<vmem>>, vector<1x16xf32>,
        %get3A_757 = vector.shape_cast %get3A_756 : vector<1x16xf32> to vector<16xf32>
        %mul3A_758 = arith.constant 11.3137083 : f32
        %mul3A_759 = vector.broadcast %mul3A_758 : f32 to vector<16xf32>
        %mul3A_760 = arith.mulf %get3A_757, %mul3A_759 : vector<16xf32>
        %swap3A_761 = arith.index_cast %add3A_753 : i32 to index
        %swap3A_762 = arith.constant 112 : index
        %swap3A_763 = tpu.vector_load %arg6[%swap3A_761, %swap3A_762] {strides = array<i32>} : memref<768x128xf32, #tpu.memory_space<vmem>>, vector<1x16xf32>,
        %swap3A_764 = vector.shape_cast %swap3A_763 : vector<1x16xf32> to vector<16xf32>
        %swap3A_765 = vector.shape_cast %mul3A_760 : vector<16xf32> to vector<1x16xf32>
        tpu.vector_store %arg6[%swap3A_761, %swap3A_762], %swap3A_765 {strides = array<i32>} : memref<768x128xf32, #tpu.memory_space<vmem>>, vector<1x16xf32>,
      }
      %scan3A_396 = arith.constant 64 : i32
      %add3A_397 = arith.constant 3 : i32
      %add3A_398 = arith.addi %mul3A_152, %add3A_397 : i32
      %sub3A_399 = arith.constant 1 : i32
      %sub3A_400 = arith.subi %add3A_398, %sub3A_399 : i32
      %mul3A_401 = arith.constant 128 : i32
      %mul3A_402 = arith.muli %sub3A_400, %mul3A_401 : i32
      %add3A_403 = arith.addi %mul3A_2, %mul3A_402 : i32
      %dma_start3A_404 = arith.constant 256 : i32
      %dma_start3A_405 = arith.constant 0 : i32
      %dma_start3A_406 = tpu.memref_slice %arg6[%dma_start3A_404, %dma_start3A_405] : memref<768x128xf32, #tpu.memory_space<vmem>> -> memref<256x128xf32, #tpu.memory_space<vmem>>
      %dma_start3A_407 = arith.constant 0 : i32
      %dma_start3A_408 = tpu.memref_slice %arg4[%add3A_403, %dma_start3A_407] : memref<819200x128xf32, #tpu.memory_space<hbm>> -> memref<256x128xf32, #tpu.memory_space<hbm>>
      %dma_start3A_409 = arith.constant 0 : i32
      %dma_start3A_410 = tpu.memref_slice %arg4[%add3A_403, %dma_start3A_409] : memref<819200x128xf32, #tpu.memory_space<hbm>> -> memref<256x128xf32, #tpu.memory_space<hbm>>
      %dma_start3A_411 = arith.constant 256 : i32
      %dma_start3A_412 = arith.constant 0 : i32
      %dma_start3A_413 = tpu.memref_slice %arg6[%dma_start3A_411, %dma_start3A_412] : memref<768x128xf32, #tpu.memory_space<vmem>> -> memref<256x128xf32, #tpu.memory_space<vmem>>
      tpu.enqueue_dma source(%dma_start3A_413 : memref<256x128xf32, #tpu.memory_space<vmem>>) target(%dma_start3A_410 : memref<256x128xf32, #tpu.memory_space<hbm>>) target_semaphore(%arg20 : memref<!tpu.dma_semaphore, #tpu.memory_space<semaphore_mem>>)
      %dma_wait3A_414 = arith.constant 512 : i32
      %dma_wait3A_415 = arith.constant 0 : i32
      %dma_wait3A_416 = tpu.memref_slice %arg6[%dma_wait3A_414, %dma_wait3A_415] : memref<768x128xf32, #tpu.memory_space<vmem>> -> memref<64x128xf32, #tpu.memory_space<vmem>>
      %dma_wait3A_417 = arith.constant 0 : i32
      %dma_wait3A_418 = tpu.memref_slice %arg5[%add3A_246, %dma_wait3A_417] : memref<200x128xi32, #tpu.memory_space<vmem>> -> memref<1x64xi32, #tpu.memory_space<vmem>>
      %dma_wait3A_419 = tpu.memref_squeeze %dma_wait3A_418 : memref<1x64xi32, #tpu.memory_space<vmem>> -> memref<64xi32, #tpu.memory_space<vmem>>
      %dma_wait3A_420 = arith.constant 0 : i32
      %dma_wait3A_421 = arith.constant 0 : i32
      %dma_wait3A_422 = tpu.memref_slice %arg2[%dma_wait3A_420, %dma_wait3A_421] : memref<100000x128xf32, #tpu.memory_space<hbm>> -> memref<100000x128xf32, #tpu.memory_space<hbm>>
      tpu.wait_indirect_dma semaphore(%arg15 : memref<!tpu.dma_semaphore, #tpu.memory_space<semaphore_mem>>) src(%dma_wait3A_422 : memref<100000x128xf32, #tpu.memory_space<hbm>>) dst(%dma_wait3A_416 : memref<64x128xf32, #tpu.memory_space<vmem>>)
      %dma_wait3A_423 = arith.constant 576 : i32
      %dma_wait3A_424 = arith.constant 0 : i32
      %dma_wait3A_425 = tpu.memref_slice %arg6[%dma_wait3A_423, %dma_wait3A_424] : memref<768x128xf32, #tpu.memory_space<vmem>> -> memref<64x128xf32, #tpu.memory_space<vmem>>
      %dma_wait3A_426 = arith.constant 64 : i32
      %dma_wait3A_427 = tpu.memref_slice %arg5[%add3A_246, %dma_wait3A_426] : memref<200x128xi32, #tpu.memory_space<vmem>> -> memref<1x64xi32, #tpu.memory_space<vmem>>
      %dma_wait3A_428 = tpu.memref_squeeze %dma_wait3A_427 : memref<1x64xi32, #tpu.memory_space<vmem>> -> memref<64xi32, #tpu.memory_space<vmem>>
      %dma_wait3A_429 = arith.constant 0 : i32
      %dma_wait3A_430 = arith.constant 0 : i32
      %dma_wait3A_431 = tpu.memref_slice %arg2[%dma_wait3A_429, %dma_wait3A_430] : memref<100000x128xf32, #tpu.memory_space<hbm>> -> memref<100000x128xf32, #tpu.memory_space<hbm>>
      tpu.wait_indirect_dma semaphore(%arg16 : memref<!tpu.dma_semaphore, #tpu.memory_space<semaphore_mem>>) src(%dma_wait3A_431 : memref<100000x128xf32, #tpu.memory_space<hbm>>) dst(%dma_wait3A_425 : memref<64x128xf32, #tpu.memory_space<vmem>>)
      %scan3A_432 = arith.constant 0 : i32
      %scan3A_433 = arith.constant 0 : i32
      %scan3A_434 = arith.constant 64 : i32
      %scan3A_435 = arith.addi %scan3A_433, %scan3A_434 : i32
      %scan3A_436 = arith.constant 1 : i32
      scf.for %scan3A_479 = %scan3A_433 to %scan3A_435 step %scan3A_436  : i32 {
        %mul3A_480 = arith.constant 2 : i32
        %mul3A_481 = arith.muli %mul3A_480, %scan3A_479 : i32
        %add3A_482 = arith.constant 512 : i32
        %add3A_483 = arith.addi %add3A_482, %mul3A_481 : i32
        %add3A_484 = arith.constant 0 : i32
        %add3A_485 = arith.addi %add3A_483, %add3A_484 : i32
        %get3A = arith.index_cast %add3A_485 : i32 to index
        %get3A_486 = arith.constant 0 : index
        %get3A_487 = tpu.vector_load %arg6[%get3A, %get3A_486] {strides = array<i32>} : memref<768x128xf32, #tpu.memory_space<vmem>>, vector<1x16xf32>,
        %get3A_488 = vector.shape_cast %get3A_487 : vector<1x16xf32> to vector<16xf32>
        %mul3A_489 = arith.constant 11.3137083 : f32
        %mul3A_490 = vector.broadcast %mul3A_489 : f32 to vector<16xf32>
        %mul3A_491 = arith.mulf %get3A_488, %mul3A_490 : vector<16xf32>
        %swap3A = arith.index_cast %add3A_485 : i32 to index
        %swap3A_492 = arith.constant 0 : index
        %swap3A_493 = tpu.vector_load %arg6[%swap3A, %swap3A_492] {strides = array<i32>} : memref<768x128xf32, #tpu.memory_space<vmem>>, vector<1x16xf32>,
        %swap3A_494 = vector.shape_cast %swap3A_493 : vector<1x16xf32> to vector<16xf32>
        %swap3A_495 = vector.shape_cast %mul3A_491 : vector<16xf32> to vector<1x16xf32>
        tpu.vector_store %arg6[%swap3A, %swap3A_492], %swap3A_495 {strides = array<i32>} : memref<768x128xf32, #tpu.memory_space<vmem>>, vector<1x16xf32>,
        %mul3A_496 = arith.constant 2 : i32
        %mul3A_497 = arith.muli %mul3A_496, %scan3A_479 : i32
        %add3A_498 = arith.constant 512 : i32
        %add3A_499 = arith.addi %add3A_498, %mul3A_497 : i32
        %add3A_500 = arith.constant 0 : i32
        %add3A_501 = arith.addi %add3A_499, %add3A_500 : i32
        %get3A_502 = arith.index_cast %add3A_501 : i32 to index
        %get3A_503 = arith.constant 16 : index
        %get3A_504 = tpu.vector_load %arg6[%get3A_502, %get3A_503] {strides = array<i32>} : memref<768x128xf32, #tpu.memory_space<vmem>>, vector<1x16xf32>,
        %get3A_505 = vector.shape_cast %get3A_504 : vector<1x16xf32> to vector<16xf32>
        %mul3A_506 = arith.constant 11.3137083 : f32
        %mul3A_507 = vector.broadcast %mul3A_506 : f32 to vector<16xf32>
        %mul3A_508 = arith.mulf %get3A_505, %mul3A_507 : vector<16xf32>
        %swap3A_509 = arith.index_cast %add3A_501 : i32 to index
        %swap3A_510 = arith.constant 16 : index
        %swap3A_511 = tpu.vector_load %arg6[%swap3A_509, %swap3A_510] {strides = array<i32>} : memref<768x128xf32, #tpu.memory_space<vmem>>, vector<1x16xf32>,
        %swap3A_512 = vector.shape_cast %swap3A_511 : vector<1x16xf32> to vector<16xf32>
        %swap3A_513 = vector.shape_cast %mul3A_508 : vector<16xf32> to vector<1x16xf32>
        tpu.vector_store %arg6[%swap3A_509, %swap3A_510], %swap3A_513 {strides = array<i32>} : memref<768x128xf32, #tpu.memory_space<vmem>>, vector<1x16xf32>,
        %mul3A_514 = arith.constant 2 : i32
        %mul3A_515 = arith.muli %mul3A_514, %scan3A_479 : i32
        %add3A_516 = arith.constant 512 : i32
        %add3A_517 = arith.addi %add3A_516, %mul3A_515 : i32
        %add3A_518 = arith.constant 0 : i32
        %add3A_519 = arith.addi %add3A_517, %add3A_518 : i32
        %get3A_520 = arith.index_cast %add3A_519 : i32 to index
        %get3A_521 = arith.constant 32 : index
        %get3A_522 = tpu.vector_load %arg6[%get3A_520, %get3A_521] {strides = array<i32>} : memref<768x128xf32, #tpu.memory_space<vmem>>, vector<1x16xf32>,
        %get3A_523 = vector.shape_cast %get3A_522 : vector<1x16xf32> to vector<16xf32>
        %mul3A_524 = arith.constant 11.3137083 : f32
        %mul3A_525 = vector.broadcast %mul3A_524 : f32 to vector<16xf32>
        %mul3A_526 = arith.mulf %get3A_523, %mul3A_525 : vector<16xf32>
        %swap3A_527 = arith.index_cast %add3A_519 : i32 to index
        %swap3A_528 = arith.constant 32 : index
        %swap3A_529 = tpu.vector_load %arg6[%swap3A_527, %swap3A_528] {strides = array<i32>} : memref<768x128xf32, #tpu.memory_space<vmem>>, vector<1x16xf32>,
        %swap3A_530 = vector.shape_cast %swap3A_529 : vector<1x16xf32> to vector<16xf32>
        %swap3A_531 = vector.shape_cast %mul3A_526 : vector<16xf32> to vector<1x16xf32>
        tpu.vector_store %arg6[%swap3A_527, %swap3A_528], %swap3A_531 {strides = array<i32>} : memref<768x128xf32, #tpu.memory_space<vmem>>, vector<1x16xf32>,
        %mul3A_532 = arith.constant 2 : i32
        %mul3A_533 = arith.muli %mul3A_532, %scan3A_479 : i32
        %add3A_534 = arith.constant 512 : i32
        %add3A_535 = arith.addi %add3A_534, %mul3A_533 : i32
        %add3A_536 = arith.constant 0 : i32
        %add3A_537 = arith.addi %add3A_535, %add3A_536 : i32
        %get3A_538 = arith.index_cast %add3A_537 : i32 to index
        %get3A_539 = arith.constant 48 : index
        %get3A_540 = tpu.vector_load %arg6[%get3A_538, %get3A_539] {strides = array<i32>} : memref<768x128xf32, #tpu.memory_space<vmem>>, vector<1x16xf32>,
        %get3A_541 = vector.shape_cast %get3A_540 : vector<1x16xf32> to vector<16xf32>
        %mul3A_542 = arith.constant 11.3137083 : f32
        %mul3A_543 = vector.broadcast %mul3A_542 : f32 to vector<16xf32>
        %mul3A_544 = arith.mulf %get3A_541, %mul3A_543 : vector<16xf32>
        %swap3A_545 = arith.index_cast %add3A_537 : i32 to index
        %swap3A_546 = arith.constant 48 : index
        %swap3A_547 = tpu.vector_load %arg6[%swap3A_545, %swap3A_546] {strides = array<i32>} : memref<768x128xf32, #tpu.memory_space<vmem>>, vector<1x16xf32>,
        %swap3A_548 = vector.shape_cast %swap3A_547 : vector<1x16xf32> to vector<16xf32>
        %swap3A_549 = vector.shape_cast %mul3A_544 : vector<16xf32> to vector<1x16xf32>
        tpu.vector_store %arg6[%swap3A_545, %swap3A_546], %swap3A_549 {strides = array<i32>} : memref<768x128xf32, #tpu.memory_space<vmem>>, vector<1x16xf32>,
        %mul3A_550 = arith.constant 2 : i32
        %mul3A_551 = arith.muli %mul3A_550, %scan3A_479 : i32
        %add3A_552 = arith.constant 512 : i32
        %add3A_553 = arith.addi %add3A_552, %mul3A_551 : i32
        %add3A_554 = arith.constant 0 : i32
        %add3A_555 = arith.addi %add3A_553, %add3A_554 : i32
        %get3A_556 = arith.index_cast %add3A_555 : i32 to index
        %get3A_557 = arith.constant 64 : index
        %get3A_558 = tpu.vector_load %arg6[%get3A_556, %get3A_557] {strides = array<i32>} : memref<768x128xf32, #tpu.memory_space<vmem>>, vector<1x16xf32>,
        %get3A_559 = vector.shape_cast %get3A_558 : vector<1x16xf32> to vector<16xf32>
        %mul3A_560 = arith.constant 11.3137083 : f32
        %mul3A_561 = vector.broadcast %mul3A_560 : f32 to vector<16xf32>
        %mul3A_562 = arith.mulf %get3A_559, %mul3A_561 : vector<16xf32>
        %swap3A_563 = arith.index_cast %add3A_555 : i32 to index
        %swap3A_564 = arith.constant 64 : index
        %swap3A_565 = tpu.vector_load %arg6[%swap3A_563, %swap3A_564] {strides = array<i32>} : memref<768x128xf32, #tpu.memory_space<vmem>>, vector<1x16xf32>,
        %swap3A_566 = vector.shape_cast %swap3A_565 : vector<1x16xf32> to vector<16xf32>
        %swap3A_567 = vector.shape_cast %mul3A_562 : vector<16xf32> to vector<1x16xf32>
        tpu.vector_store %arg6[%swap3A_563, %swap3A_564], %swap3A_567 {strides = array<i32>} : memref<768x128xf32, #tpu.memory_space<vmem>>, vector<1x16xf32>,
        %mul3A_568 = arith.constant 2 : i32
        %mul3A_569 = arith.muli %mul3A_568, %scan3A_479 : i32
        %add3A_570 = arith.constant 512 : i32
        %add3A_571 = arith.addi %add3A_570, %mul3A_569 : i32
        %add3A_572 = arith.constant 0 : i32
        %add3A_573 = arith.addi %add3A_571, %add3A_572 : i32
        %get3A_574 = arith.index_cast %add3A_573 : i32 to index
        %get3A_575 = arith.constant 80 : index
        %get3A_576 = tpu.vector_load %arg6[%get3A_574, %get3A_575] {strides = array<i32>} : memref<768x128xf32, #tpu.memory_space<vmem>>, vector<1x16xf32>,
        %get3A_577 = vector.shape_cast %get3A_576 : vector<1x16xf32> to vector<16xf32>
        %mul3A_578 = arith.constant 11.3137083 : f32
        %mul3A_579 = vector.broadcast %mul3A_578 : f32 to vector<16xf32>
        %mul3A_580 = arith.mulf %get3A_577, %mul3A_579 : vector<16xf32>
        %swap3A_581 = arith.index_cast %add3A_573 : i32 to index
        %swap3A_582 = arith.constant 80 : index
        %swap3A_583 = tpu.vector_load %arg6[%swap3A_581, %swap3A_582] {strides = array<i32>} : memref<768x128xf32, #tpu.memory_space<vmem>>, vector<1x16xf32>,
        %swap3A_584 = vector.shape_cast %swap3A_583 : vector<1x16xf32> to vector<16xf32>
        %swap3A_585 = vector.shape_cast %mul3A_580 : vector<16xf32> to vector<1x16xf32>
        tpu.vector_store %arg6[%swap3A_581, %swap3A_582], %swap3A_585 {strides = array<i32>} : memref<768x128xf32, #tpu.memory_space<vmem>>, vector<1x16xf32>,
        %mul3A_586 = arith.constant 2 : i32
        %mul3A_587 = arith.muli %mul3A_586, %scan3A_479 : i32
        %add3A_588 = arith.constant 512 : i32
        %add3A_589 = arith.addi %add3A_588, %mul3A_587 : i32
        %add3A_590 = arith.constant 0 : i32
        %add3A_591 = arith.addi %add3A_589, %add3A_590 : i32
        %get3A_592 = arith.index_cast %add3A_591 : i32 to index
        %get3A_593 = arith.constant 96 : index
        %get3A_594 = tpu.vector_load %arg6[%get3A_592, %get3A_593] {strides = array<i32>} : memref<768x128xf32, #tpu.memory_space<vmem>>, vector<1x16xf32>,
        %get3A_595 = vector.shape_cast %get3A_594 : vector<1x16xf32> to vector<16xf32>
        %mul3A_596 = arith.constant 11.3137083 : f32
        %mul3A_597 = vector.broadcast %mul3A_596 : f32 to vector<16xf32>
        %mul3A_598 = arith.mulf %get3A_595, %mul3A_597 : vector<16xf32>
        %swap3A_599 = arith.index_cast %add3A_591 : i32 to index
        %swap3A_600 = arith.constant 96 : index
        %swap3A_601 = tpu.vector_load %arg6[%swap3A_599, %swap3A_600] {strides = array<i32>} : memref<768x128xf32, #tpu.memory_space<vmem>>, vector<1x16xf32>,
        %swap3A_602 = vector.shape_cast %swap3A_601 : vector<1x16xf32> to vector<16xf32>
        %swap3A_603 = vector.shape_cast %mul3A_598 : vector<16xf32> to vector<1x16xf32>
        tpu.vector_store %arg6[%swap3A_599, %swap3A_600], %swap3A_603 {strides = array<i32>} : memref<768x128xf32, #tpu.memory_space<vmem>>, vector<1x16xf32>,
        %mul3A_604 = arith.constant 2 : i32
        %mul3A_605 = arith.muli %mul3A_604, %scan3A_479 : i32
        %add3A_606 = arith.constant 512 : i32
        %add3A_607 = arith.addi %add3A_606, %mul3A_605 : i32
        %add3A_608 = arith.constant 0 : i32
        %add3A_609 = arith.addi %add3A_607, %add3A_608 : i32
        %get3A_610 = arith.index_cast %add3A_609 : i32 to index
        %get3A_611 = arith.constant 112 : index
        %get3A_612 = tpu.vector_load %arg6[%get3A_610, %get3A_611] {strides = array<i32>} : memref<768x128xf32, #tpu.memory_space<vmem>>, vector<1x16xf32>,
        %get3A_613 = vector.shape_cast %get3A_612 : vector<1x16xf32> to vector<16xf32>
        %mul3A_614 = arith.constant 11.3137083 : f32
        %mul3A_615 = vector.broadcast %mul3A_614 : f32 to vector<16xf32>
        %mul3A_616 = arith.mulf %get3A_613, %mul3A_615 : vector<16xf32>
        %swap3A_617 = arith.index_cast %add3A_609 : i32 to index
        %swap3A_618 = arith.constant 112 : index
        %swap3A_619 = tpu.vector_load %arg6[%swap3A_617, %swap3A_618] {strides = array<i32>} : memref<768x128xf32, #tpu.memory_space<vmem>>, vector<1x16xf32>,
        %swap3A_620 = vector.shape_cast %swap3A_619 : vector<1x16xf32> to vector<16xf32>
        %swap3A_621 = vector.shape_cast %mul3A_616 : vector<16xf32> to vector<1x16xf32>
        tpu.vector_store %arg6[%swap3A_617, %swap3A_618], %swap3A_621 {strides = array<i32>} : memref<768x128xf32, #tpu.memory_space<vmem>>, vector<1x16xf32>,
        %mul3A_622 = arith.constant 2 : i32
        %mul3A_623 = arith.muli %mul3A_622, %scan3A_479 : i32
        %add3A_624 = arith.constant 512 : i32
        %add3A_625 = arith.addi %add3A_624, %mul3A_623 : i32
        %add3A_626 = arith.constant 1 : i32
        %add3A_627 = arith.addi %add3A_625, %add3A_626 : i32
        %get3A_628 = arith.index_cast %add3A_627 : i32 to index
        %get3A_629 = arith.constant 0 : index
        %get3A_630 = tpu.vector_load %arg6[%get3A_628, %get3A_629] {strides = array<i32>} : memref<768x128xf32, #tpu.memory_space<vmem>>, vector<1x16xf32>,
        %get3A_631 = vector.shape_cast %get3A_630 : vector<1x16xf32> to vector<16xf32>
        %mul3A_632 = arith.constant 11.3137083 : f32
        %mul3A_633 = vector.broadcast %mul3A_632 : f32 to vector<16xf32>
        %mul3A_634 = arith.mulf %get3A_631, %mul3A_633 : vector<16xf32>
        %swap3A_635 = arith.index_cast %add3A_627 : i32 to index
        %swap3A_636 = arith.constant 0 : index
        %swap3A_637 = tpu.vector_load %arg6[%swap3A_635, %swap3A_636] {strides = array<i32>} : memref<768x128xf32, #tpu.memory_space<vmem>>, vector<1x16xf32>,
        %swap3A_638 = vector.shape_cast %swap3A_637 : vector<1x16xf32> to vector<16xf32>
        %swap3A_639 = vector.shape_cast %mul3A_634 : vector<16xf32> to vector<1x16xf32>
        tpu.vector_store %arg6[%swap3A_635, %swap3A_636], %swap3A_639 {strides = array<i32>} : memref<768x128xf32, #tpu.memory_space<vmem>>, vector<1x16xf32>,
        %mul3A_640 = arith.constant 2 : i32
        %mul3A_641 = arith.muli %mul3A_640, %scan3A_479 : i32
        %add3A_642 = arith.constant 512 : i32
        %add3A_643 = arith.addi %add3A_642, %mul3A_641 : i32
        %add3A_644 = arith.constant 1 : i32
        %add3A_645 = arith.addi %add3A_643, %add3A_644 : i32
        %get3A_646 = arith.index_cast %add3A_645 : i32 to index
        %get3A_647 = arith.constant 16 : index
        %get3A_648 = tpu.vector_load %arg6[%get3A_646, %get3A_647] {strides = array<i32>} : memref<768x128xf32, #tpu.memory_space<vmem>>, vector<1x16xf32>,
        %get3A_649 = vector.shape_cast %get3A_648 : vector<1x16xf32> to vector<16xf32>
        %mul3A_650 = arith.constant 11.3137083 : f32
        %mul3A_651 = vector.broadcast %mul3A_650 : f32 to vector<16xf32>
        %mul3A_652 = arith.mulf %get3A_649, %mul3A_651 : vector<16xf32>
        %swap3A_653 = arith.index_cast %add3A_645 : i32 to index
        %swap3A_654 = arith.constant 16 : index
        %swap3A_655 = tpu.vector_load %arg6[%swap3A_653, %swap3A_654] {strides = array<i32>} : memref<768x128xf32, #tpu.memory_space<vmem>>, vector<1x16xf32>,
        %swap3A_656 = vector.shape_cast %swap3A_655 : vector<1x16xf32> to vector<16xf32>
        %swap3A_657 = vector.shape_cast %mul3A_652 : vector<16xf32> to vector<1x16xf32>
        tpu.vector_store %arg6[%swap3A_653, %swap3A_654], %swap3A_657 {strides = array<i32>} : memref<768x128xf32, #tpu.memory_space<vmem>>, vector<1x16xf32>,
        %mul3A_658 = arith.constant 2 : i32
        %mul3A_659 = arith.muli %mul3A_658, %scan3A_479 : i32
        %add3A_660 = arith.constant 512 : i32
        %add3A_661 = arith.addi %add3A_660, %mul3A_659 : i32
        %add3A_662 = arith.constant 1 : i32
        %add3A_663 = arith.addi %add3A_661, %add3A_662 : i32
        %get3A_664 = arith.index_cast %add3A_663 : i32 to index
        %get3A_665 = arith.constant 32 : index
        %get3A_666 = tpu.vector_load %arg6[%get3A_664, %get3A_665] {strides = array<i32>} : memref<768x128xf32, #tpu.memory_space<vmem>>, vector<1x16xf32>,
        %get3A_667 = vector.shape_cast %get3A_666 : vector<1x16xf32> to vector<16xf32>
        %mul3A_668 = arith.constant 11.3137083 : f32
        %mul3A_669 = vector.broadcast %mul3A_668 : f32 to vector<16xf32>
        %mul3A_670 = arith.mulf %get3A_667, %mul3A_669 : vector<16xf32>
        %swap3A_671 = arith.index_cast %add3A_663 : i32 to index
        %swap3A_672 = arith.constant 32 : index
        %swap3A_673 = tpu.vector_load %arg6[%swap3A_671, %swap3A_672] {strides = array<i32>} : memref<768x128xf32, #tpu.memory_space<vmem>>, vector<1x16xf32>,
        %swap3A_674 = vector.shape_cast %swap3A_673 : vector<1x16xf32> to vector<16xf32>
        %swap3A_675 = vector.shape_cast %mul3A_670 : vector<16xf32> to vector<1x16xf32>
        tpu.vector_store %arg6[%swap3A_671, %swap3A_672], %swap3A_675 {strides = array<i32>} : memref<768x128xf32, #tpu.memory_space<vmem>>, vector<1x16xf32>,
        %mul3A_676 = arith.constant 2 : i32
        %mul3A_677 = arith.muli %mul3A_676, %scan3A_479 : i32
        %add3A_678 = arith.constant 512 : i32
        %add3A_679 = arith.addi %add3A_678, %mul3A_677 : i32
        %add3A_680 = arith.constant 1 : i32
        %add3A_681 = arith.addi %add3A_679, %add3A_680 : i32
        %get3A_682 = arith.index_cast %add3A_681 : i32 to index
        %get3A_683 = arith.constant 48 : index
        %get3A_684 = tpu.vector_load %arg6[%get3A_682, %get3A_683] {strides = array<i32>} : memref<768x128xf32, #tpu.memory_space<vmem>>, vector<1x16xf32>,
        %get3A_685 = vector.shape_cast %get3A_684 : vector<1x16xf32> to vector<16xf32>
        %mul3A_686 = arith.constant 11.3137083 : f32
        %mul3A_687 = vector.broadcast %mul3A_686 : f32 to vector<16xf32>
        %mul3A_688 = arith.mulf %get3A_685, %mul3A_687 : vector<16xf32>
        %swap3A_689 = arith.index_cast %add3A_681 : i32 to index
        %swap3A_690 = arith.constant 48 : index
        %swap3A_691 = tpu.vector_load %arg6[%swap3A_689, %swap3A_690] {strides = array<i32>} : memref<768x128xf32, #tpu.memory_space<vmem>>, vector<1x16xf32>,
        %swap3A_692 = vector.shape_cast %swap3A_691 : vector<1x16xf32> to vector<16xf32>
        %swap3A_693 = vector.shape_cast %mul3A_688 : vector<16xf32> to vector<1x16xf32>
        tpu.vector_store %arg6[%swap3A_689, %swap3A_690], %swap3A_693 {strides = array<i32>} : memref<768x128xf32, #tpu.memory_space<vmem>>, vector<1x16xf32>,
        %mul3A_694 = arith.constant 2 : i32
        %mul3A_695 = arith.muli %mul3A_694, %scan3A_479 : i32
        %add3A_696 = arith.constant 512 : i32
        %add3A_697 = arith.addi %add3A_696, %mul3A_695 : i32
        %add3A_698 = arith.constant 1 : i32
        %add3A_699 = arith.addi %add3A_697, %add3A_698 : i32
        %get3A_700 = arith.index_cast %add3A_699 : i32 to index
        %get3A_701 = arith.constant 64 : index
        %get3A_702 = tpu.vector_load %arg6[%get3A_700, %get3A_701] {strides = array<i32>} : memref<768x128xf32, #tpu.memory_space<vmem>>, vector<1x16xf32>,
        %get3A_703 = vector.shape_cast %get3A_702 : vector<1x16xf32> to vector<16xf32>
        %mul3A_704 = arith.constant 11.3137083 : f32
        %mul3A_705 = vector.broadcast %mul3A_704 : f32 to vector<16xf32>
        %mul3A_706 = arith.mulf %get3A_703, %mul3A_705 : vector<16xf32>
        %swap3A_707 = arith.index_cast %add3A_699 : i32 to index
        %swap3A_708 = arith.constant 64 : index
        %swap3A_709 = tpu.vector_load %arg6[%swap3A_707, %swap3A_708] {strides = array<i32>} : memref<768x128xf32, #tpu.memory_space<vmem>>, vector<1x16xf32>,
        %swap3A_710 = vector.shape_cast %swap3A_709 : vector<1x16xf32> to vector<16xf32>
        %swap3A_711 = vector.shape_cast %mul3A_706 : vector<16xf32> to vector<1x16xf32>
        tpu.vector_store %arg6[%swap3A_707, %swap3A_708], %swap3A_711 {strides = array<i32>} : memref<768x128xf32, #tpu.memory_space<vmem>>, vector<1x16xf32>,
        %mul3A_712 = arith.constant 2 : i32
        %mul3A_713 = arith.muli %mul3A_712, %scan3A_479 : i32
        %add3A_714 = arith.constant 512 : i32
        %add3A_715 = arith.addi %add3A_714, %mul3A_713 : i32
        %add3A_716 = arith.constant 1 : i32
        %add3A_717 = arith.addi %add3A_715, %add3A_716 : i32
        %get3A_718 = arith.index_cast %add3A_717 : i32 to index
        %get3A_719 = arith.constant 80 : index
        %get3A_720 = tpu.vector_load %arg6[%get3A_718, %get3A_719] {strides = array<i32>} : memref<768x128xf32, #tpu.memory_space<vmem>>, vector<1x16xf32>,
        %get3A_721 = vector.shape_cast %get3A_720 : vector<1x16xf32> to vector<16xf32>
        %mul3A_722 = arith.constant 11.3137083 : f32
        %mul3A_723 = vector.broadcast %mul3A_722 : f32 to vector<16xf32>
        %mul3A_724 = arith.mulf %get3A_721, %mul3A_723 : vector<16xf32>
        %swap3A_725 = arith.index_cast %add3A_717 : i32 to index
        %swap3A_726 = arith.constant 80 : index
        %swap3A_727 = tpu.vector_load %arg6[%swap3A_725, %swap3A_726] {strides = array<i32>} : memref<768x128xf32, #tpu.memory_space<vmem>>, vector<1x16xf32>,
        %swap3A_728 = vector.shape_cast %swap3A_727 : vector<1x16xf32> to vector<16xf32>
        %swap3A_729 = vector.shape_cast %mul3A_724 : vector<16xf32> to vector<1x16xf32>
        tpu.vector_store %arg6[%swap3A_725, %swap3A_726], %swap3A_729 {strides = array<i32>} : memref<768x128xf32, #tpu.memory_space<vmem>>, vector<1x16xf32>,
        %mul3A_730 = arith.constant 2 : i32
        %mul3A_731 = arith.muli %mul3A_730, %scan3A_479 : i32
        %add3A_732 = arith.constant 512 : i32
        %add3A_733 = arith.addi %add3A_732, %mul3A_731 : i32
        %add3A_734 = arith.constant 1 : i32
        %add3A_735 = arith.addi %add3A_733, %add3A_734 : i32
        %get3A_736 = arith.index_cast %add3A_735 : i32 to index
        %get3A_737 = arith.constant 96 : index
        %get3A_738 = tpu.vector_load %arg6[%get3A_736, %get3A_737] {strides = array<i32>} : memref<768x128xf32, #tpu.memory_space<vmem>>, vector<1x16xf32>,
        %get3A_739 = vector.shape_cast %get3A_738 : vector<1x16xf32> to vector<16xf32>
        %mul3A_740 = arith.constant 11.3137083 : f32
        %mul3A_741 = vector.broadcast %mul3A_740 : f32 to vector<16xf32>
        %mul3A_742 = arith.mulf %get3A_739, %mul3A_741 : vector<16xf32>
        %swap3A_743 = arith.index_cast %add3A_735 : i32 to index
        %swap3A_744 = arith.constant 96 : index
        %swap3A_745 = tpu.vector_load %arg6[%swap3A_743, %swap3A_744] {strides = array<i32>} : memref<768x128xf32, #tpu.memory_space<vmem>>, vector<1x16xf32>,
        %swap3A_746 = vector.shape_cast %swap3A_745 : vector<1x16xf32> to vector<16xf32>
        %swap3A_747 = vector.shape_cast %mul3A_742 : vector<16xf32> to vector<1x16xf32>
        tpu.vector_store %arg6[%swap3A_743, %swap3A_744], %swap3A_747 {strides = array<i32>} : memref<768x128xf32, #tpu.memory_space<vmem>>, vector<1x16xf32>,
        %mul3A_748 = arith.constant 2 : i32
        %mul3A_749 = arith.muli %mul3A_748, %scan3A_479 : i32
        %add3A_750 = arith.constant 512 : i32
        %add3A_751 = arith.addi %add3A_750, %mul3A_749 : i32
        %add3A_752 = arith.constant 1 : i32
        %add3A_753 = arith.addi %add3A_751, %add3A_752 : i32
        %get3A_754 = arith.index_cast %add3A_753 : i32 to index
        %get3A_755 = arith.constant 112 : index
        %get3A_756 = tpu.vector_load %arg6[%get3A_754, %get3A_755] {strides = array<i32>} : memref<768x128xf32, #tpu.memory_space<vmem>>, vector<1x16xf32>,
        %get3A_757 = vector.shape_cast %get3A_756 : vector<1x16xf32> to vector<16xf32>
        %mul3A_758 = arith.constant 11.3137083 : f32
        %mul3A_759 = vector.broadcast %mul3A_758 : f32 to vector<16xf32>
        %mul3A_760 = arith.mulf %get3A_757, %mul3A_759 : vector<16xf32>
        %swap3A_761 = arith.index_cast %add3A_753 : i32 to index
        %swap3A_762 = arith.constant 112 : index
        %swap3A_763 = tpu.vector_load %arg6[%swap3A_761, %swap3A_762] {strides = array<i32>} : memref<768x128xf32, #tpu.memory_space<vmem>>, vector<1x16xf32>,
        %swap3A_764 = vector.shape_cast %swap3A_763 : vector<1x16xf32> to vector<16xf32>
        %swap3A_765 = vector.shape_cast %mul3A_760 : vector<16xf32> to vector<1x16xf32>
        tpu.vector_store %arg6[%swap3A_761, %swap3A_762], %swap3A_765 {strides = array<i32>} : memref<768x128xf32, #tpu.memory_space<vmem>>, vector<1x16xf32>,
      }
      %scan3A_437 = arith.constant 64 : i32
      %dma_wait3A_438 = arith.constant 640 : i32
      %dma_wait3A_439 = arith.constant 0 : i32
      %dma_wait3A_440 = tpu.memref_slice %arg6[%dma_wait3A_438, %dma_wait3A_439] : memref<768x128xf32, #tpu.memory_space<vmem>> -> memref<64x128xf32, #tpu.memory_space<vmem>>
      %dma_wait3A_441 = arith.constant 0 : i32
      %dma_wait3A_442 = tpu.memref_slice %arg5[%add3A_266, %dma_wait3A_441] : memref<200x128xi32, #tpu.memory_space<vmem>> -> memref<1x64xi32, #tpu.memory_space<vmem>>
      %dma_wait3A_443 = tpu.memref_squeeze %dma_wait3A_442 : memref<1x64xi32, #tpu.memory_space<vmem>> -> memref<64xi32, #tpu.memory_space<vmem>>
      %dma_wait3A_444 = arith.constant 0 : i32
      %dma_wait3A_445 = arith.constant 0 : i32
      %dma_wait3A_446 = tpu.memref_slice %arg2[%dma_wait3A_444, %dma_wait3A_445] : memref<100000x128xf32, #tpu.memory_space<hbm>> -> memref<100000x128xf32, #tpu.memory_space<hbm>>
      tpu.wait_indirect_dma semaphore(%arg17 : memref<!tpu.dma_semaphore, #tpu.memory_space<semaphore_mem>>) src(%dma_wait3A_446 : memref<100000x128xf32, #tpu.memory_space<hbm>>) dst(%dma_wait3A_440 : memref<64x128xf32, #tpu.memory_space<vmem>>)
      %dma_wait3A_447 = arith.constant 704 : i32
      %dma_wait3A_448 = arith.constant 0 : i32
      %dma_wait3A_449 = tpu.memref_slice %arg6[%dma_wait3A_447, %dma_wait3A_448] : memref<768x128xf32, #tpu.memory_space<vmem>> -> memref<64x128xf32, #tpu.memory_space<vmem>>
      %dma_wait3A_450 = arith.constant 64 : i32
      %dma_wait3A_451 = tpu.memref_slice %arg5[%add3A_266, %dma_wait3A_450] : memref<200x128xi32, #tpu.memory_space<vmem>> -> memref<1x64xi32, #tpu.memory_space<vmem>>
      %dma_wait3A_452 = tpu.memref_squeeze %dma_wait3A_451 : memref<1x64xi32, #tpu.memory_space<vmem>> -> memref<64xi32, #tpu.memory_space<vmem>>
      %dma_wait3A_453 = arith.constant 0 : i32
      %dma_wait3A_454 = arith.constant 0 : i32
      %dma_wait3A_455 = tpu.memref_slice %arg2[%dma_wait3A_453, %dma_wait3A_454] : memref<100000x128xf32, #tpu.memory_space<hbm>> -> memref<100000x128xf32, #tpu.memory_space<hbm>>
      tpu.wait_indirect_dma semaphore(%arg18 : memref<!tpu.dma_semaphore, #tpu.memory_space<semaphore_mem>>) src(%dma_wait3A_455 : memref<100000x128xf32, #tpu.memory_space<hbm>>) dst(%dma_wait3A_449 : memref<64x128xf32, #tpu.memory_space<vmem>>)
      %scan3A_456 = arith.constant 0 : i32
      %scan3A_457 = arith.constant 0 : i32
      %scan3A_458 = arith.constant 64 : i32
      %scan3A_459 = arith.addi %scan3A_457, %scan3A_458 : i32
      %scan3A_460 = arith.constant 1 : i32
      scf.for %scan3A_479 = %scan3A_457 to %scan3A_459 step %scan3A_460  : i32 {
        %mul3A_480 = arith.constant 2 : i32
        %mul3A_481 = arith.muli %mul3A_480, %scan3A_479 : i32
        %add3A_482 = arith.constant 640 : i32
        %add3A_483 = arith.addi %add3A_482, %mul3A_481 : i32
        %add3A_484 = arith.constant 0 : i32
        %add3A_485 = arith.addi %add3A_483, %add3A_484 : i32
        %get3A = arith.index_cast %add3A_485 : i32 to index
        %get3A_486 = arith.constant 0 : index
        %get3A_487 = tpu.vector_load %arg6[%get3A, %get3A_486] {strides = array<i32>} : memref<768x128xf32, #tpu.memory_space<vmem>>, vector<1x16xf32>,
        %get3A_488 = vector.shape_cast %get3A_487 : vector<1x16xf32> to vector<16xf32>
        %mul3A_489 = arith.constant 11.3137083 : f32
        %mul3A_490 = vector.broadcast %mul3A_489 : f32 to vector<16xf32>
        %mul3A_491 = arith.mulf %get3A_488, %mul3A_490 : vector<16xf32>
        %swap3A = arith.index_cast %add3A_485 : i32 to index
        %swap3A_492 = arith.constant 0 : index
        %swap3A_493 = tpu.vector_load %arg6[%swap3A, %swap3A_492] {strides = array<i32>} : memref<768x128xf32, #tpu.memory_space<vmem>>, vector<1x16xf32>,
        %swap3A_494 = vector.shape_cast %swap3A_493 : vector<1x16xf32> to vector<16xf32>
        %swap3A_495 = vector.shape_cast %mul3A_491 : vector<16xf32> to vector<1x16xf32>
        tpu.vector_store %arg6[%swap3A, %swap3A_492], %swap3A_495 {strides = array<i32>} : memref<768x128xf32, #tpu.memory_space<vmem>>, vector<1x16xf32>,
        %mul3A_496 = arith.constant 2 : i32
        %mul3A_497 = arith.muli %mul3A_496, %scan3A_479 : i32
        %add3A_498 = arith.constant 640 : i32
        %add3A_499 = arith.addi %add3A_498, %mul3A_497 : i32
        %add3A_500 = arith.constant 0 : i32
        %add3A_501 = arith.addi %add3A_499, %add3A_500 : i32
        %get3A_502 = arith.index_cast %add3A_501 : i32 to index
        %get3A_503 = arith.constant 16 : index
        %get3A_504 = tpu.vector_load %arg6[%get3A_502, %get3A_503] {strides = array<i32>} : memref<768x128xf32, #tpu.memory_space<vmem>>, vector<1x16xf32>,
        %get3A_505 = vector.shape_cast %get3A_504 : vector<1x16xf32> to vector<16xf32>
        %mul3A_506 = arith.constant 11.3137083 : f32
        %mul3A_507 = vector.broadcast %mul3A_506 : f32 to vector<16xf32>
        %mul3A_508 = arith.mulf %get3A_505, %mul3A_507 : vector<16xf32>
        %swap3A_509 = arith.index_cast %add3A_501 : i32 to index
        %swap3A_510 = arith.constant 16 : index
        %swap3A_511 = tpu.vector_load %arg6[%swap3A_509, %swap3A_510] {strides = array<i32>} : memref<768x128xf32, #tpu.memory_space<vmem>>, vector<1x16xf32>,
        %swap3A_512 = vector.shape_cast %swap3A_511 : vector<1x16xf32> to vector<16xf32>
        %swap3A_513 = vector.shape_cast %mul3A_508 : vector<16xf32> to vector<1x16xf32>
        tpu.vector_store %arg6[%swap3A_509, %swap3A_510], %swap3A_513 {strides = array<i32>} : memref<768x128xf32, #tpu.memory_space<vmem>>, vector<1x16xf32>,
        %mul3A_514 = arith.constant 2 : i32
        %mul3A_515 = arith.muli %mul3A_514, %scan3A_479 : i32
        %add3A_516 = arith.constant 640 : i32
        %add3A_517 = arith.addi %add3A_516, %mul3A_515 : i32
        %add3A_518 = arith.constant 0 : i32
        %add3A_519 = arith.addi %add3A_517, %add3A_518 : i32
        %get3A_520 = arith.index_cast %add3A_519 : i32 to index
        %get3A_521 = arith.constant 32 : index
        %get3A_522 = tpu.vector_load %arg6[%get3A_520, %get3A_521] {strides = array<i32>} : memref<768x128xf32, #tpu.memory_space<vmem>>, vector<1x16xf32>,
        %get3A_523 = vector.shape_cast %get3A_522 : vector<1x16xf32> to vector<16xf32>
        %mul3A_524 = arith.constant 11.3137083 : f32
        %mul3A_525 = vector.broadcast %mul3A_524 : f32 to vector<16xf32>
        %mul3A_526 = arith.mulf %get3A_523, %mul3A_525 : vector<16xf32>
        %swap3A_527 = arith.index_cast %add3A_519 : i32 to index
        %swap3A_528 = arith.constant 32 : index
        %swap3A_529 = tpu.vector_load %arg6[%swap3A_527, %swap3A_528] {strides = array<i32>} : memref<768x128xf32, #tpu.memory_space<vmem>>, vector<1x16xf32>,
        %swap3A_530 = vector.shape_cast %swap3A_529 : vector<1x16xf32> to vector<16xf32>
        %swap3A_531 = vector.shape_cast %mul3A_526 : vector<16xf32> to vector<1x16xf32>
        tpu.vector_store %arg6[%swap3A_527, %swap3A_528], %swap3A_531 {strides = array<i32>} : memref<768x128xf32, #tpu.memory_space<vmem>>, vector<1x16xf32>,
        %mul3A_532 = arith.constant 2 : i32
        %mul3A_533 = arith.muli %mul3A_532, %scan3A_479 : i32
        %add3A_534 = arith.constant 640 : i32
        %add3A_535 = arith.addi %add3A_534, %mul3A_533 : i32
        %add3A_536 = arith.constant 0 : i32
        %add3A_537 = arith.addi %add3A_535, %add3A_536 : i32
        %get3A_538 = arith.index_cast %add3A_537 : i32 to index
        %get3A_539 = arith.constant 48 : index
        %get3A_540 = tpu.vector_load %arg6[%get3A_538, %get3A_539] {strides = array<i32>} : memref<768x128xf32, #tpu.memory_space<vmem>>, vector<1x16xf32>,
        %get3A_541 = vector.shape_cast %get3A_540 : vector<1x16xf32> to vector<16xf32>
        %mul3A_542 = arith.constant 11.3137083 : f32
        %mul3A_543 = vector.broadcast %mul3A_542 : f32 to vector<16xf32>
        %mul3A_544 = arith.mulf %get3A_541, %mul3A_543 : vector<16xf32>
        %swap3A_545 = arith.index_cast %add3A_537 : i32 to index
        %swap3A_546 = arith.constant 48 : index
        %swap3A_547 = tpu.vector_load %arg6[%swap3A_545, %swap3A_546] {strides = array<i32>} : memref<768x128xf32, #tpu.memory_space<vmem>>, vector<1x16xf32>,
        %swap3A_548 = vector.shape_cast %swap3A_547 : vector<1x16xf32> to vector<16xf32>
        %swap3A_549 = vector.shape_cast %mul3A_544 : vector<16xf32> to vector<1x16xf32>
        tpu.vector_store %arg6[%swap3A_545, %swap3A_546], %swap3A_549 {strides = array<i32>} : memref<768x128xf32, #tpu.memory_space<vmem>>, vector<1x16xf32>,
        %mul3A_550 = arith.constant 2 : i32
        %mul3A_551 = arith.muli %mul3A_550, %scan3A_479 : i32
        %add3A_552 = arith.constant 640 : i32
        %add3A_553 = arith.addi %add3A_552, %mul3A_551 : i32
        %add3A_554 = arith.constant 0 : i32
        %add3A_555 = arith.addi %add3A_553, %add3A_554 : i32
        %get3A_556 = arith.index_cast %add3A_555 : i32 to index
        %get3A_557 = arith.constant 64 : index
        %get3A_558 = tpu.vector_load %arg6[%get3A_556, %get3A_557] {strides = array<i32>} : memref<768x128xf32, #tpu.memory_space<vmem>>, vector<1x16xf32>,
        %get3A_559 = vector.shape_cast %get3A_558 : vector<1x16xf32> to vector<16xf32>
        %mul3A_560 = arith.constant 11.3137083 : f32
        %mul3A_561 = vector.broadcast %mul3A_560 : f32 to vector<16xf32>
        %mul3A_562 = arith.mulf %get3A_559, %mul3A_561 : vector<16xf32>
        %swap3A_563 = arith.index_cast %add3A_555 : i32 to index
        %swap3A_564 = arith.constant 64 : index
        %swap3A_565 = tpu.vector_load %arg6[%swap3A_563, %swap3A_564] {strides = array<i32>} : memref<768x128xf32, #tpu.memory_space<vmem>>, vector<1x16xf32>,
        %swap3A_566 = vector.shape_cast %swap3A_565 : vector<1x16xf32> to vector<16xf32>
        %swap3A_567 = vector.shape_cast %mul3A_562 : vector<16xf32> to vector<1x16xf32>
        tpu.vector_store %arg6[%swap3A_563, %swap3A_564], %swap3A_567 {strides = array<i32>} : memref<768x128xf32, #tpu.memory_space<vmem>>, vector<1x16xf32>,
        %mul3A_568 = arith.constant 2 : i32
        %mul3A_569 = arith.muli %mul3A_568, %scan3A_479 : i32
        %add3A_570 = arith.constant 640 : i32
        %add3A_571 = arith.addi %add3A_570, %mul3A_569 : i32
        %add3A_572 = arith.constant 0 : i32
        %add3A_573 = arith.addi %add3A_571, %add3A_572 : i32
        %get3A_574 = arith.index_cast %add3A_573 : i32 to index
        %get3A_575 = arith.constant 80 : index
        %get3A_576 = tpu.vector_load %arg6[%get3A_574, %get3A_575] {strides = array<i32>} : memref<768x128xf32, #tpu.memory_space<vmem>>, vector<1x16xf32>,
        %get3A_577 = vector.shape_cast %get3A_576 : vector<1x16xf32> to vector<16xf32>
        %mul3A_578 = arith.constant 11.3137083 : f32
        %mul3A_579 = vector.broadcast %mul3A_578 : f32 to vector<16xf32>
        %mul3A_580 = arith.mulf %get3A_577, %mul3A_579 : vector<16xf32>
        %swap3A_581 = arith.index_cast %add3A_573 : i32 to index
        %swap3A_582 = arith.constant 80 : index
        %swap3A_583 = tpu.vector_load %arg6[%swap3A_581, %swap3A_582] {strides = array<i32>} : memref<768x128xf32, #tpu.memory_space<vmem>>, vector<1x16xf32>,
        %swap3A_584 = vector.shape_cast %swap3A_583 : vector<1x16xf32> to vector<16xf32>
        %swap3A_585 = vector.shape_cast %mul3A_580 : vector<16xf32> to vector<1x16xf32>
        tpu.vector_store %arg6[%swap3A_581, %swap3A_582], %swap3A_585 {strides = array<i32>} : memref<768x128xf32, #tpu.memory_space<vmem>>, vector<1x16xf32>,
        %mul3A_586 = arith.constant 2 : i32
        %mul3A_587 = arith.muli %mul3A_586, %scan3A_479 : i32
        %add3A_588 = arith.constant 640 : i32
        %add3A_589 = arith.addi %add3A_588, %mul3A_587 : i32
        %add3A_590 = arith.constant 0 : i32
        %add3A_591 = arith.addi %add3A_589, %add3A_590 : i32
        %get3A_592 = arith.index_cast %add3A_591 : i32 to index
        %get3A_593 = arith.constant 96 : index
        %get3A_594 = tpu.vector_load %arg6[%get3A_592, %get3A_593] {strides = array<i32>} : memref<768x128xf32, #tpu.memory_space<vmem>>, vector<1x16xf32>,
        %get3A_595 = vector.shape_cast %get3A_594 : vector<1x16xf32> to vector<16xf32>
        %mul3A_596 = arith.constant 11.3137083 : f32
        %mul3A_597 = vector.broadcast %mul3A_596 : f32 to vector<16xf32>
        %mul3A_598 = arith.mulf %get3A_595, %mul3A_597 : vector<16xf32>
        %swap3A_599 = arith.index_cast %add3A_591 : i32 to index
        %swap3A_600 = arith.constant 96 : index
        %swap3A_601 = tpu.vector_load %arg6[%swap3A_599, %swap3A_600] {strides = array<i32>} : memref<768x128xf32, #tpu.memory_space<vmem>>, vector<1x16xf32>,
        %swap3A_602 = vector.shape_cast %swap3A_601 : vector<1x16xf32> to vector<16xf32>
        %swap3A_603 = vector.shape_cast %mul3A_598 : vector<16xf32> to vector<1x16xf32>
        tpu.vector_store %arg6[%swap3A_599, %swap3A_600], %swap3A_603 {strides = array<i32>} : memref<768x128xf32, #tpu.memory_space<vmem>>, vector<1x16xf32>,
        %mul3A_604 = arith.constant 2 : i32
        %mul3A_605 = arith.muli %mul3A_604, %scan3A_479 : i32
        %add3A_606 = arith.constant 640 : i32
        %add3A_607 = arith.addi %add3A_606, %mul3A_605 : i32
        %add3A_608 = arith.constant 0 : i32
        %add3A_609 = arith.addi %add3A_607, %add3A_608 : i32
        %get3A_610 = arith.index_cast %add3A_609 : i32 to index
        %get3A_611 = arith.constant 112 : index
        %get3A_612 = tpu.vector_load %arg6[%get3A_610, %get3A_611] {strides = array<i32>} : memref<768x128xf32, #tpu.memory_space<vmem>>, vector<1x16xf32>,
        %get3A_613 = vector.shape_cast %get3A_612 : vector<1x16xf32> to vector<16xf32>
        %mul3A_614 = arith.constant 11.3137083 : f32
        %mul3A_615 = vector.broadcast %mul3A_614 : f32 to vector<16xf32>
        %mul3A_616 = arith.mulf %get3A_613, %mul3A_615 : vector<16xf32>
        %swap3A_617 = arith.index_cast %add3A_609 : i32 to index
        %swap3A_618 = arith.constant 112 : index
        %swap3A_619 = tpu.vector_load %arg6[%swap3A_617, %swap3A_618] {strides = array<i32>} : memref<768x128xf32, #tpu.memory_space<vmem>>, vector<1x16xf32>,
        %swap3A_620 = vector.shape_cast %swap3A_619 : vector<1x16xf32> to vector<16xf32>
        %swap3A_621 = vector.shape_cast %mul3A_616 : vector<16xf32> to vector<1x16xf32>
        tpu.vector_store %arg6[%swap3A_617, %swap3A_618], %swap3A_621 {strides = array<i32>} : memref<768x128xf32, #tpu.memory_space<vmem>>, vector<1x16xf32>,
        %mul3A_622 = arith.constant 2 : i32
        %mul3A_623 = arith.muli %mul3A_622, %scan3A_479 : i32
        %add3A_624 = arith.constant 640 : i32
        %add3A_625 = arith.addi %add3A_624, %mul3A_623 : i32
        %add3A_626 = arith.constant 1 : i32
        %add3A_627 = arith.addi %add3A_625, %add3A_626 : i32
        %get3A_628 = arith.index_cast %add3A_627 : i32 to index
        %get3A_629 = arith.constant 0 : index
        %get3A_630 = tpu.vector_load %arg6[%get3A_628, %get3A_629] {strides = array<i32>} : memref<768x128xf32, #tpu.memory_space<vmem>>, vector<1x16xf32>,
        %get3A_631 = vector.shape_cast %get3A_630 : vector<1x16xf32> to vector<16xf32>
        %mul3A_632 = arith.constant 11.3137083 : f32
        %mul3A_633 = vector.broadcast %mul3A_632 : f32 to vector<16xf32>
        %mul3A_634 = arith.mulf %get3A_631, %mul3A_633 : vector<16xf32>
        %swap3A_635 = arith.index_cast %add3A_627 : i32 to index
        %swap3A_636 = arith.constant 0 : index
        %swap3A_637 = tpu.vector_load %arg6[%swap3A_635, %swap3A_636] {strides = array<i32>} : memref<768x128xf32, #tpu.memory_space<vmem>>, vector<1x16xf32>,
        %swap3A_638 = vector.shape_cast %swap3A_637 : vector<1x16xf32> to vector<16xf32>
        %swap3A_639 = vector.shape_cast %mul3A_634 : vector<16xf32> to vector<1x16xf32>
        tpu.vector_store %arg6[%swap3A_635, %swap3A_636], %swap3A_639 {strides = array<i32>} : memref<768x128xf32, #tpu.memory_space<vmem>>, vector<1x16xf32>,
        %mul3A_640 = arith.constant 2 : i32
        %mul3A_641 = arith.muli %mul3A_640, %scan3A_479 : i32
        %add3A_642 = arith.constant 640 : i32
        %add3A_643 = arith.addi %add3A_642, %mul3A_641 : i32
        %add3A_644 = arith.constant 1 : i32
        %add3A_645 = arith.addi %add3A_643, %add3A_644 : i32
        %get3A_646 = arith.index_cast %add3A_645 : i32 to index
        %get3A_647 = arith.constant 16 : index
        %get3A_648 = tpu.vector_load %arg6[%get3A_646, %get3A_647] {strides = array<i32>} : memref<768x128xf32, #tpu.memory_space<vmem>>, vector<1x16xf32>,
        %get3A_649 = vector.shape_cast %get3A_648 : vector<1x16xf32> to vector<16xf32>
        %mul3A_650 = arith.constant 11.3137083 : f32
        %mul3A_651 = vector.broadcast %mul3A_650 : f32 to vector<16xf32>
        %mul3A_652 = arith.mulf %get3A_649, %mul3A_651 : vector<16xf32>
        %swap3A_653 = arith.index_cast %add3A_645 : i32 to index
        %swap3A_654 = arith.constant 16 : index
        %swap3A_655 = tpu.vector_load %arg6[%swap3A_653, %swap3A_654] {strides = array<i32>} : memref<768x128xf32, #tpu.memory_space<vmem>>, vector<1x16xf32>,
        %swap3A_656 = vector.shape_cast %swap3A_655 : vector<1x16xf32> to vector<16xf32>
        %swap3A_657 = vector.shape_cast %mul3A_652 : vector<16xf32> to vector<1x16xf32>
        tpu.vector_store %arg6[%swap3A_653, %swap3A_654], %swap3A_657 {strides = array<i32>} : memref<768x128xf32, #tpu.memory_space<vmem>>, vector<1x16xf32>,
        %mul3A_658 = arith.constant 2 : i32
        %mul3A_659 = arith.muli %mul3A_658, %scan3A_479 : i32
        %add3A_660 = arith.constant 640 : i32
        %add3A_661 = arith.addi %add3A_660, %mul3A_659 : i32
        %add3A_662 = arith.constant 1 : i32
        %add3A_663 = arith.addi %add3A_661, %add3A_662 : i32
        %get3A_664 = arith.index_cast %add3A_663 : i32 to index
        %get3A_665 = arith.constant 32 : index
        %get3A_666 = tpu.vector_load %arg6[%get3A_664, %get3A_665] {strides = array<i32>} : memref<768x128xf32, #tpu.memory_space<vmem>>, vector<1x16xf32>,
        %get3A_667 = vector.shape_cast %get3A_666 : vector<1x16xf32> to vector<16xf32>
        %mul3A_668 = arith.constant 11.3137083 : f32
        %mul3A_669 = vector.broadcast %mul3A_668 : f32 to vector<16xf32>
        %mul3A_670 = arith.mulf %get3A_667, %mul3A_669 : vector<16xf32>
        %swap3A_671 = arith.index_cast %add3A_663 : i32 to index
        %swap3A_672 = arith.constant 32 : index
        %swap3A_673 = tpu.vector_load %arg6[%swap3A_671, %swap3A_672] {strides = array<i32>} : memref<768x128xf32, #tpu.memory_space<vmem>>, vector<1x16xf32>,
        %swap3A_674 = vector.shape_cast %swap3A_673 : vector<1x16xf32> to vector<16xf32>
        %swap3A_675 = vector.shape_cast %mul3A_670 : vector<16xf32> to vector<1x16xf32>
        tpu.vector_store %arg6[%swap3A_671, %swap3A_672], %swap3A_675 {strides = array<i32>} : memref<768x128xf32, #tpu.memory_space<vmem>>, vector<1x16xf32>,
        %mul3A_676 = arith.constant 2 : i32
        %mul3A_677 = arith.muli %mul3A_676, %scan3A_479 : i32
        %add3A_678 = arith.constant 640 : i32
        %add3A_679 = arith.addi %add3A_678, %mul3A_677 : i32
        %add3A_680 = arith.constant 1 : i32
        %add3A_681 = arith.addi %add3A_679, %add3A_680 : i32
        %get3A_682 = arith.index_cast %add3A_681 : i32 to index
        %get3A_683 = arith.constant 48 : index
        %get3A_684 = tpu.vector_load %arg6[%get3A_682, %get3A_683] {strides = array<i32>} : memref<768x128xf32, #tpu.memory_space<vmem>>, vector<1x16xf32>,
        %get3A_685 = vector.shape_cast %get3A_684 : vector<1x16xf32> to vector<16xf32>
        %mul3A_686 = arith.constant 11.3137083 : f32
        %mul3A_687 = vector.broadcast %mul3A_686 : f32 to vector<16xf32>
        %mul3A_688 = arith.mulf %get3A_685, %mul3A_687 : vector<16xf32>
        %swap3A_689 = arith.index_cast %add3A_681 : i32 to index
        %swap3A_690 = arith.constant 48 : index
        %swap3A_691 = tpu.vector_load %arg6[%swap3A_689, %swap3A_690] {strides = array<i32>} : memref<768x128xf32, #tpu.memory_space<vmem>>, vector<1x16xf32>,
        %swap3A_692 = vector.shape_cast %swap3A_691 : vector<1x16xf32> to vector<16xf32>
        %swap3A_693 = vector.shape_cast %mul3A_688 : vector<16xf32> to vector<1x16xf32>
        tpu.vector_store %arg6[%swap3A_689, %swap3A_690], %swap3A_693 {strides = array<i32>} : memref<768x128xf32, #tpu.memory_space<vmem>>, vector<1x16xf32>,
        %mul3A_694 = arith.constant 2 : i32
        %mul3A_695 = arith.muli %mul3A_694, %scan3A_479 : i32
        %add3A_696 = arith.constant 640 : i32
        %add3A_697 = arith.addi %add3A_696, %mul3A_695 : i32
        %add3A_698 = arith.constant 1 : i32
        %add3A_699 = arith.addi %add3A_697, %add3A_698 : i32
        %get3A_700 = arith.index_cast %add3A_699 : i32 to index
        %get3A_701 = arith.constant 64 : index
        %get3A_702 = tpu.vector_load %arg6[%get3A_700, %get3A_701] {strides = array<i32>} : memref<768x128xf32, #tpu.memory_space<vmem>>, vector<1x16xf32>,
        %get3A_703 = vector.shape_cast %get3A_702 : vector<1x16xf32> to vector<16xf32>
        %mul3A_704 = arith.constant 11.3137083 : f32
        %mul3A_705 = vector.broadcast %mul3A_704 : f32 to vector<16xf32>
        %mul3A_706 = arith.mulf %get3A_703, %mul3A_705 : vector<16xf32>
        %swap3A_707 = arith.index_cast %add3A_699 : i32 to index
        %swap3A_708 = arith.constant 64 : index
        %swap3A_709 = tpu.vector_load %arg6[%swap3A_707, %swap3A_708] {strides = array<i32>} : memref<768x128xf32, #tpu.memory_space<vmem>>, vector<1x16xf32>,
        %swap3A_710 = vector.shape_cast %swap3A_709 : vector<1x16xf32> to vector<16xf32>
        %swap3A_711 = vector.shape_cast %mul3A_706 : vector<16xf32> to vector<1x16xf32>
        tpu.vector_store %arg6[%swap3A_707, %swap3A_708], %swap3A_711 {strides = array<i32>} : memref<768x128xf32, #tpu.memory_space<vmem>>, vector<1x16xf32>,
        %mul3A_712 = arith.constant 2 : i32
        %mul3A_713 = arith.muli %mul3A_712, %scan3A_479 : i32
        %add3A_714 = arith.constant 640 : i32
        %add3A_715 = arith.addi %add3A_714, %mul3A_713 : i32
        %add3A_716 = arith.constant 1 : i32
        %add3A_717 = arith.addi %add3A_715, %add3A_716 : i32
        %get3A_718 = arith.index_cast %add3A_717 : i32 to index
        %get3A_719 = arith.constant 80 : index
        %get3A_720 = tpu.vector_load %arg6[%get3A_718, %get3A_719] {strides = array<i32>} : memref<768x128xf32, #tpu.memory_space<vmem>>, vector<1x16xf32>,
        %get3A_721 = vector.shape_cast %get3A_720 : vector<1x16xf32> to vector<16xf32>
        %mul3A_722 = arith.constant 11.3137083 : f32
        %mul3A_723 = vector.broadcast %mul3A_722 : f32 to vector<16xf32>
        %mul3A_724 = arith.mulf %get3A_721, %mul3A_723 : vector<16xf32>
        %swap3A_725 = arith.index_cast %add3A_717 : i32 to index
        %swap3A_726 = arith.constant 80 : index
        %swap3A_727 = tpu.vector_load %arg6[%swap3A_725, %swap3A_726] {strides = array<i32>} : memref<768x128xf32, #tpu.memory_space<vmem>>, vector<1x16xf32>,
        %swap3A_728 = vector.shape_cast %swap3A_727 : vector<1x16xf32> to vector<16xf32>
        %swap3A_729 = vector.shape_cast %mul3A_724 : vector<16xf32> to vector<1x16xf32>
        tpu.vector_store %arg6[%swap3A_725, %swap3A_726], %swap3A_729 {strides = array<i32>} : memref<768x128xf32, #tpu.memory_space<vmem>>, vector<1x16xf32>,
        %mul3A_730 = arith.constant 2 : i32
        %mul3A_731 = arith.muli %mul3A_730, %scan3A_479 : i32
        %add3A_732 = arith.constant 640 : i32
        %add3A_733 = arith.addi %add3A_732, %mul3A_731 : i32
        %add3A_734 = arith.constant 1 : i32
        %add3A_735 = arith.addi %add3A_733, %add3A_734 : i32
        %get3A_736 = arith.index_cast %add3A_735 : i32 to index
        %get3A_737 = arith.constant 96 : index
        %get3A_738 = tpu.vector_load %arg6[%get3A_736, %get3A_737] {strides = array<i32>} : memref<768x128xf32, #tpu.memory_space<vmem>>, vector<1x16xf32>,
        %get3A_739 = vector.shape_cast %get3A_738 : vector<1x16xf32> to vector<16xf32>
        %mul3A_740 = arith.constant 11.3137083 : f32
        %mul3A_741 = vector.broadcast %mul3A_740 : f32 to vector<16xf32>
        %mul3A_742 = arith.mulf %get3A_739, %mul3A_741 : vector<16xf32>
        %swap3A_743 = arith.index_cast %add3A_735 : i32 to index
        %swap3A_744 = arith.constant 96 : index
        %swap3A_745 = tpu.vector_load %arg6[%swap3A_743, %swap3A_744] {strides = array<i32>} : memref<768x128xf32, #tpu.memory_space<vmem>>, vector<1x16xf32>,
        %swap3A_746 = vector.shape_cast %swap3A_745 : vector<1x16xf32> to vector<16xf32>
        %swap3A_747 = vector.shape_cast %mul3A_742 : vector<16xf32> to vector<1x16xf32>
        tpu.vector_store %arg6[%swap3A_743, %swap3A_744], %swap3A_747 {strides = array<i32>} : memref<768x128xf32, #tpu.memory_space<vmem>>, vector<1x16xf32>,
        %mul3A_748 = arith.constant 2 : i32
        %mul3A_749 = arith.muli %mul3A_748, %scan3A_479 : i32
        %add3A_750 = arith.constant 640 : i32
        %add3A_751 = arith.addi %add3A_750, %mul3A_749 : i32
        %add3A_752 = arith.constant 1 : i32
        %add3A_753 = arith.addi %add3A_751, %add3A_752 : i32
        %get3A_754 = arith.index_cast %add3A_753 : i32 to index
        %get3A_755 = arith.constant 112 : index
        %get3A_756 = tpu.vector_load %arg6[%get3A_754, %get3A_755] {strides = array<i32>} : memref<768x128xf32, #tpu.memory_space<vmem>>, vector<1x16xf32>,
        %get3A_757 = vector.shape_cast %get3A_756 : vector<1x16xf32> to vector<16xf32>
        %mul3A_758 = arith.constant 11.3137083 : f32
        %mul3A_759 = vector.broadcast %mul3A_758 : f32 to vector<16xf32>
        %mul3A_760 = arith.mulf %get3A_757, %mul3A_759 : vector<16xf32>
        %swap3A_761 = arith.index_cast %add3A_753 : i32 to index
        %swap3A_762 = arith.constant 112 : index
        %swap3A_763 = tpu.vector_load %arg6[%swap3A_761, %swap3A_762] {strides = array<i32>} : memref<768x128xf32, #tpu.memory_space<vmem>>, vector<1x16xf32>,
        %swap3A_764 = vector.shape_cast %swap3A_763 : vector<1x16xf32> to vector<16xf32>
        %swap3A_765 = vector.shape_cast %mul3A_760 : vector<16xf32> to vector<1x16xf32>
        tpu.vector_store %arg6[%swap3A_761, %swap3A_762], %swap3A_765 {strides = array<i32>} : memref<768x128xf32, #tpu.memory_space<vmem>>, vector<1x16xf32>,
      }
      %scan3A_461 = arith.constant 64 : i32
      %add3A_462 = arith.constant 5 : i32
      %add3A_463 = arith.addi %mul3A_152, %add3A_462 : i32
      %sub3A_464 = arith.constant 1 : i32
      %sub3A_465 = arith.subi %add3A_463, %sub3A_464 : i32
      %mul3A_466 = arith.constant 128 : i32
      %mul3A_467 = arith.muli %sub3A_465, %mul3A_466 : i32
      %add3A_468 = arith.addi %mul3A_2, %mul3A_467 : i32
      %dma_start3A_469 = arith.constant 512 : i32
      %dma_start3A_470 = arith.constant 0 : i32
      %dma_start3A_471 = tpu.memref_slice %arg6[%dma_start3A_469, %dma_start3A_470] : memref<768x128xf32, #tpu.memory_space<vmem>> -> memref<256x128xf32, #tpu.memory_space<vmem>>
      %dma_start3A_472 = arith.constant 0 : i32
      %dma_start3A_473 = tpu.memref_slice %arg4[%add3A_468, %dma_start3A_472] : memref<819200x128xf32, #tpu.memory_space<hbm>> -> memref<256x128xf32, #tpu.memory_space<hbm>>
      %dma_start3A_474 = arith.constant 0 : i32
      %dma_start3A_475 = tpu.memref_slice %arg4[%add3A_468, %dma_start3A_474] : memref<819200x128xf32, #tpu.memory_space<hbm>> -> memref<256x128xf32, #tpu.memory_space<hbm>>
      %dma_start3A_476 = arith.constant 512 : i32
      %dma_start3A_477 = arith.constant 0 : i32
      %dma_start3A_478 = tpu.memref_slice %arg6[%dma_start3A_476, %dma_start3A_477] : memref<768x128xf32, #tpu.memory_space<vmem>> -> memref<256x128xf32, #tpu.memory_space<vmem>>
      tpu.enqueue_dma source(%dma_start3A_478 : memref<256x128xf32, #tpu.memory_space<vmem>>) target(%dma_start3A_475 : memref<256x128xf32, #tpu.memory_space<hbm>>) target_semaphore(%arg21 : memref<!tpu.dma_semaphore, #tpu.memory_space<semaphore_mem>>)
    }
    %scan3A_7 = arith.constant 33 : i32
    %dma_wait3A = arith.constant 0 : i32
    %dma_wait3A_8 = arith.constant 0 : i32
    %dma_wait3A_9 = tpu.memref_slice %arg6[%dma_wait3A, %dma_wait3A_8] : memref<768x128xf32, #tpu.memory_space<vmem>> -> memref<256x128xf32, #tpu.memory_space<vmem>>
    %dma_wait3A_10 = arith.constant 0 : i32
    %dma_wait3A_11 = tpu.memref_slice %arg4[%mul3A_2, %dma_wait3A_10] : memref<819200x128xf32, #tpu.memory_space<hbm>> -> memref<256x128xf32, #tpu.memory_space<hbm>>
    %dma_wait3A_12 = arith.constant 0 : i32
    %dma_wait3A_13 = tpu.memref_slice %arg4[%mul3A_2, %dma_wait3A_12] : memref<819200x128xf32, #tpu.memory_space<hbm>> -> memref<256x128xf32, #tpu.memory_space<hbm>>
    %dma_wait3A_14 = arith.constant 0 : i32
    %dma_wait3A_15 = arith.constant 0 : i32
    %dma_wait3A_16 = tpu.memref_slice %arg6[%dma_wait3A_14, %dma_wait3A_15] : memref<768x128xf32, #tpu.memory_space<vmem>> -> memref<256x128xf32, #tpu.memory_space<vmem>>
    tpu.wait_dma2 semaphore(%arg19 : memref<!tpu.dma_semaphore, #tpu.memory_space<semaphore_mem>>) src(%dma_wait3A_16 : memref<256x128xf32, #tpu.memory_space<vmem>>) dst(%dma_wait3A_13 : memref<256x128xf32, #tpu.memory_space<hbm>>)
    %dma_start3A = arith.constant 198 : i32
    %dma_start3A_17 = arith.constant 0 : i32
    %dma_start3A_18 = arith.constant 0 : i32
    %dma_start3A_19 = tpu.memref_slice %arg6[%dma_start3A_17, %dma_start3A_18] : memref<768x128xf32, #tpu.memory_space<vmem>> -> memref<64x128xf32, #tpu.memory_space<vmem>>
    %dma_start3A_20 = arith.constant 0 : i32
    %dma_start3A_21 = tpu.memref_slice %arg5[%dma_start3A, %dma_start3A_20] : memref<200x128xi32, #tpu.memory_space<vmem>> -> memref<1x64xi32, #tpu.memory_space<vmem>>
    %dma_start3A_22 = tpu.memref_squeeze %dma_start3A_21 : memref<1x64xi32, #tpu.memory_space<vmem>> -> memref<64xi32, #tpu.memory_space<vmem>>
    %dma_start3A_23 = arith.constant 0 : i32
    %dma_start3A_24 = arith.constant 0 : i32
    %dma_start3A_25 = tpu.memref_slice %arg2[%dma_start3A_23, %dma_start3A_24] : memref<100000x128xf32, #tpu.memory_space<hbm>> -> memref<100000x128xf32, #tpu.memory_space<hbm>>
    tpu.enqueue_indirect_dma source(%dma_start3A_25 : memref<100000x128xf32, #tpu.memory_space<hbm>>) target(%dma_start3A_19 : memref<64x128xf32, #tpu.memory_space<vmem>>) offsets(%dma_start3A_22 : memref<64xi32, #tpu.memory_space<vmem>>) semaphore(%arg7 : memref<!tpu.dma_semaphore, #tpu.memory_space<semaphore_mem>>)
    %dma_start3A_26 = arith.constant 198 : i32
    %dma_start3A_27 = arith.constant 64 : i32
    %dma_start3A_28 = arith.constant 0 : i32
    %dma_start3A_29 = tpu.memref_slice %arg6[%dma_start3A_27, %dma_start3A_28] : memref<768x128xf32, #tpu.memory_space<vmem>> -> memref<64x128xf32, #tpu.memory_space<vmem>>
    %dma_start3A_30 = arith.constant 64 : i32
    %dma_start3A_31 = tpu.memref_slice %arg5[%dma_start3A_26, %dma_start3A_30] : memref<200x128xi32, #tpu.memory_space<vmem>> -> memref<1x64xi32, #tpu.memory_space<vmem>>
    %dma_start3A_32 = tpu.memref_squeeze %dma_start3A_31 : memref<1x64xi32, #tpu.memory_space<vmem>> -> memref<64xi32, #tpu.memory_space<vmem>>
    %dma_start3A_33 = arith.constant 0 : i32
    %dma_start3A_34 = arith.constant 0 : i32
    %dma_start3A_35 = tpu.memref_slice %arg2[%dma_start3A_33, %dma_start3A_34] : memref<100000x128xf32, #tpu.memory_space<hbm>> -> memref<100000x128xf32, #tpu.memory_space<hbm>>
    tpu.enqueue_indirect_dma source(%dma_start3A_35 : memref<100000x128xf32, #tpu.memory_space<hbm>>) target(%dma_start3A_29 : memref<64x128xf32, #tpu.memory_space<vmem>>) offsets(%dma_start3A_32 : memref<64xi32, #tpu.memory_space<vmem>>) semaphore(%arg8 : memref<!tpu.dma_semaphore, #tpu.memory_space<semaphore_mem>>)
    %dma_start3A_36 = arith.constant 199 : i32
    %dma_start3A_37 = arith.constant 128 : i32
    %dma_start3A_38 = arith.constant 0 : i32
    %dma_start3A_39 = tpu.memref_slice %arg6[%dma_start3A_37, %dma_start3A_38] : memref<768x128xf32, #tpu.memory_space<vmem>> -> memref<64x128xf32, #tpu.memory_space<vmem>>
    %dma_start3A_40 = arith.constant 0 : i32
    %dma_start3A_41 = tpu.memref_slice %arg5[%dma_start3A_36, %dma_start3A_40] : memref<200x128xi32, #tpu.memory_space<vmem>> -> memref<1x64xi32, #tpu.memory_space<vmem>>
    %dma_start3A_42 = tpu.memref_squeeze %dma_start3A_41 : memref<1x64xi32, #tpu.memory_space<vmem>> -> memref<64xi32, #tpu.memory_space<vmem>>
    %dma_start3A_43 = arith.constant 0 : i32
    %dma_start3A_44 = arith.constant 0 : i32
    %dma_start3A_45 = tpu.memref_slice %arg2[%dma_start3A_43, %dma_start3A_44] : memref<100000x128xf32, #tpu.memory_space<hbm>> -> memref<100000x128xf32, #tpu.memory_space<hbm>>
    tpu.enqueue_indirect_dma source(%dma_start3A_45 : memref<100000x128xf32, #tpu.memory_space<hbm>>) target(%dma_start3A_39 : memref<64x128xf32, #tpu.memory_space<vmem>>) offsets(%dma_start3A_42 : memref<64xi32, #tpu.memory_space<vmem>>) semaphore(%arg9 : memref<!tpu.dma_semaphore, #tpu.memory_space<semaphore_mem>>)
    %dma_start3A_46 = arith.constant 199 : i32
    %dma_start3A_47 = arith.constant 192 : i32
    %dma_start3A_48 = arith.constant 0 : i32
    %dma_start3A_49 = tpu.memref_slice %arg6[%dma_start3A_47, %dma_start3A_48] : memref<768x128xf32, #tpu.memory_space<vmem>> -> memref<64x128xf32, #tpu.memory_space<vmem>>
    %dma_start3A_50 = arith.constant 64 : i32
    %dma_start3A_51 = tpu.memref_slice %arg5[%dma_start3A_46, %dma_start3A_50] : memref<200x128xi32, #tpu.memory_space<vmem>> -> memref<1x64xi32, #tpu.memory_space<vmem>>
    %dma_start3A_52 = tpu.memref_squeeze %dma_start3A_51 : memref<1x64xi32, #tpu.memory_space<vmem>> -> memref<64xi32, #tpu.memory_space<vmem>>
    %dma_start3A_53 = arith.constant 0 : i32
    %dma_start3A_54 = arith.constant 0 : i32
    %dma_start3A_55 = tpu.memref_slice %arg2[%dma_start3A_53, %dma_start3A_54] : memref<100000x128xf32, #tpu.memory_space<hbm>> -> memref<100000x128xf32, #tpu.memory_space<hbm>>
    tpu.enqueue_indirect_dma source(%dma_start3A_55 : memref<100000x128xf32, #tpu.memory_space<hbm>>) target(%dma_start3A_49 : memref<64x128xf32, #tpu.memory_space<vmem>>) offsets(%dma_start3A_52 : memref<64xi32, #tpu.memory_space<vmem>>) semaphore(%arg10 : memref<!tpu.dma_semaphore, #tpu.memory_space<semaphore_mem>>)
    %dma_wait3A_56 = arith.constant 198 : i32
    %dma_wait3A_57 = arith.constant 0 : i32
    %dma_wait3A_58 = arith.constant 0 : i32
    %dma_wait3A_59 = tpu.memref_slice %arg6[%dma_wait3A_57, %dma_wait3A_58] : memref<768x128xf32, #tpu.memory_space<vmem>> -> memref<64x128xf32, #tpu.memory_space<vmem>>
    %dma_wait3A_60 = arith.constant 0 : i32
    %dma_wait3A_61 = tpu.memref_slice %arg5[%dma_wait3A_56, %dma_wait3A_60] : memref<200x128xi32, #tpu.memory_space<vmem>> -> memref<1x64xi32, #tpu.memory_space<vmem>>
    %dma_wait3A_62 = tpu.memref_squeeze %dma_wait3A_61 : memref<1x64xi32, #tpu.memory_space<vmem>> -> memref<64xi32, #tpu.memory_space<vmem>>
    %dma_wait3A_63 = arith.constant 0 : i32
    %dma_wait3A_64 = arith.constant 0 : i32
    %dma_wait3A_65 = tpu.memref_slice %arg2[%dma_wait3A_63, %dma_wait3A_64] : memref<100000x128xf32, #tpu.memory_space<hbm>> -> memref<100000x128xf32, #tpu.memory_space<hbm>>
    tpu.wait_indirect_dma semaphore(%arg7 : memref<!tpu.dma_semaphore, #tpu.memory_space<semaphore_mem>>) src(%dma_wait3A_65 : memref<100000x128xf32, #tpu.memory_space<hbm>>) dst(%dma_wait3A_59 : memref<64x128xf32, #tpu.memory_space<vmem>>)
    %dma_wait3A_66 = arith.constant 198 : i32
    %dma_wait3A_67 = arith.constant 64 : i32
    %dma_wait3A_68 = arith.constant 0 : i32
    %dma_wait3A_69 = tpu.memref_slice %arg6[%dma_wait3A_67, %dma_wait3A_68] : memref<768x128xf32, #tpu.memory_space<vmem>> -> memref<64x128xf32, #tpu.memory_space<vmem>>
    %dma_wait3A_70 = arith.constant 64 : i32
    %dma_wait3A_71 = tpu.memref_slice %arg5[%dma_wait3A_66, %dma_wait3A_70] : memref<200x128xi32, #tpu.memory_space<vmem>> -> memref<1x64xi32, #tpu.memory_space<vmem>>
    %dma_wait3A_72 = tpu.memref_squeeze %dma_wait3A_71 : memref<1x64xi32, #tpu.memory_space<vmem>> -> memref<64xi32, #tpu.memory_space<vmem>>
    %dma_wait3A_73 = arith.constant 0 : i32
    %dma_wait3A_74 = arith.constant 0 : i32
    %dma_wait3A_75 = tpu.memref_slice %arg2[%dma_wait3A_73, %dma_wait3A_74] : memref<100000x128xf32, #tpu.memory_space<hbm>> -> memref<100000x128xf32, #tpu.memory_space<hbm>>
    tpu.wait_indirect_dma semaphore(%arg8 : memref<!tpu.dma_semaphore, #tpu.memory_space<semaphore_mem>>) src(%dma_wait3A_75 : memref<100000x128xf32, #tpu.memory_space<hbm>>) dst(%dma_wait3A_69 : memref<64x128xf32, #tpu.memory_space<vmem>>)
    %scan3A_76 = arith.constant 0 : i32
    %scan3A_77 = arith.constant 0 : i32
    %scan3A_78 = arith.constant 64 : i32
    %scan3A_79 = arith.addi %scan3A_77, %scan3A_78 : i32
    %scan3A_80 = arith.constant 1 : i32
    scf.for %scan3A_150 = %scan3A_77 to %scan3A_79 step %scan3A_80  : i32 {
      %mul3A_151 = arith.constant 2 : i32
      %mul3A_152 = arith.muli %mul3A_151, %scan3A_150 : i32
      %add3A_153 = arith.constant 0 : i32
      %add3A_154 = arith.addi %add3A_153, %mul3A_152 : i32
      %add3A_155 = arith.constant 0 : i32
      %add3A_156 = arith.addi %add3A_154, %add3A_155 : i32
      %get3A = arith.index_cast %add3A_156 : i32 to index
      %get3A_157 = arith.constant 0 : index
      %get3A_158 = tpu.vector_load %arg6[%get3A, %get3A_157] {strides = array<i32>} : memref<768x128xf32, #tpu.memory_space<vmem>>, vector<1x16xf32>,
      %get3A_159 = vector.shape_cast %get3A_158 : vector<1x16xf32> to vector<16xf32>
      %mul3A_160 = arith.constant 11.3137083 : f32
      %mul3A_161 = vector.broadcast %mul3A_160 : f32 to vector<16xf32>
      %mul3A_162 = arith.mulf %get3A_159, %mul3A_161 : vector<16xf32>
      %swap3A = arith.index_cast %add3A_156 : i32 to index
      %swap3A_163 = arith.constant 0 : index
      %swap3A_164 = tpu.vector_load %arg6[%swap3A, %swap3A_163] {strides = array<i32>} : memref<768x128xf32, #tpu.memory_space<vmem>>, vector<1x16xf32>,
      %swap3A_165 = vector.shape_cast %swap3A_164 : vector<1x16xf32> to vector<16xf32>
      %swap3A_166 = vector.shape_cast %mul3A_162 : vector<16xf32> to vector<1x16xf32>
      tpu.vector_store %arg6[%swap3A, %swap3A_163], %swap3A_166 {strides = array<i32>} : memref<768x128xf32, #tpu.memory_space<vmem>>, vector<1x16xf32>,
      %mul3A_167 = arith.constant 2 : i32
      %mul3A_168 = arith.muli %mul3A_167, %scan3A_150 : i32
      %add3A_169 = arith.constant 0 : i32
      %add3A_170 = arith.addi %add3A_169, %mul3A_168 : i32
      %add3A_171 = arith.constant 0 : i32
      %add3A_172 = arith.addi %add3A_170, %add3A_171 : i32
      %get3A_173 = arith.index_cast %add3A_172 : i32 to index
      %get3A_174 = arith.constant 16 : index
      %get3A_175 = tpu.vector_load %arg6[%get3A_173, %get3A_174] {strides = array<i32>} : memref<768x128xf32, #tpu.memory_space<vmem>>, vector<1x16xf32>,
      %get3A_176 = vector.shape_cast %get3A_175 : vector<1x16xf32> to vector<16xf32>
      %mul3A_177 = arith.constant 11.3137083 : f32
      %mul3A_178 = vector.broadcast %mul3A_177 : f32 to vector<16xf32>
      %mul3A_179 = arith.mulf %get3A_176, %mul3A_178 : vector<16xf32>
      %swap3A_180 = arith.index_cast %add3A_172 : i32 to index
      %swap3A_181 = arith.constant 16 : index
      %swap3A_182 = tpu.vector_load %arg6[%swap3A_180, %swap3A_181] {strides = array<i32>} : memref<768x128xf32, #tpu.memory_space<vmem>>, vector<1x16xf32>,
      %swap3A_183 = vector.shape_cast %swap3A_182 : vector<1x16xf32> to vector<16xf32>
      %swap3A_184 = vector.shape_cast %mul3A_179 : vector<16xf32> to vector<1x16xf32>
      tpu.vector_store %arg6[%swap3A_180, %swap3A_181], %swap3A_184 {strides = array<i32>} : memref<768x128xf32, #tpu.memory_space<vmem>>, vector<1x16xf32>,
      %mul3A_185 = arith.constant 2 : i32
      %mul3A_186 = arith.muli %mul3A_185, %scan3A_150 : i32
      %add3A_187 = arith.constant 0 : i32
      %add3A_188 = arith.addi %add3A_187, %mul3A_186 : i32
      %add3A_189 = arith.constant 0 : i32
      %add3A_190 = arith.addi %add3A_188, %add3A_189 : i32
      %get3A_191 = arith.index_cast %add3A_190 : i32 to index
      %get3A_192 = arith.constant 32 : index
      %get3A_193 = tpu.vector_load %arg6[%get3A_191, %get3A_192] {strides = array<i32>} : memref<768x128xf32, #tpu.memory_space<vmem>>, vector<1x16xf32>,
      %get3A_194 = vector.shape_cast %get3A_193 : vector<1x16xf32> to vector<16xf32>
      %mul3A_195 = arith.constant 11.3137083 : f32
      %mul3A_196 = vector.broadcast %mul3A_195 : f32 to vector<16xf32>
      %mul3A_197 = arith.mulf %get3A_194, %mul3A_196 : vector<16xf32>
      %swap3A_198 = arith.index_cast %add3A_190 : i32 to index
      %swap3A_199 = arith.constant 32 : index
      %swap3A_200 = tpu.vector_load %arg6[%swap3A_198, %swap3A_199] {strides = array<i32>} : memref<768x128xf32, #tpu.memory_space<vmem>>, vector<1x16xf32>,
      %swap3A_201 = vector.shape_cast %swap3A_200 : vector<1x16xf32> to vector<16xf32>
      %swap3A_202 = vector.shape_cast %mul3A_197 : vector<16xf32> to vector<1x16xf32>
      tpu.vector_store %arg6[%swap3A_198, %swap3A_199], %swap3A_202 {strides = array<i32>} : memref<768x128xf32, #tpu.memory_space<vmem>>, vector<1x16xf32>,
      %mul3A_203 = arith.constant 2 : i32
      %mul3A_204 = arith.muli %mul3A_203, %scan3A_150 : i32
      %add3A_205 = arith.constant 0 : i32
      %add3A_206 = arith.addi %add3A_205, %mul3A_204 : i32
      %add3A_207 = arith.constant 0 : i32
      %add3A_208 = arith.addi %add3A_206, %add3A_207 : i32
      %get3A_209 = arith.index_cast %add3A_208 : i32 to index
      %get3A_210 = arith.constant 48 : index
      %get3A_211 = tpu.vector_load %arg6[%get3A_209, %get3A_210] {strides = array<i32>} : memref<768x128xf32, #tpu.memory_space<vmem>>, vector<1x16xf32>,
      %get3A_212 = vector.shape_cast %get3A_211 : vector<1x16xf32> to vector<16xf32>
      %mul3A_213 = arith.constant 11.3137083 : f32
      %mul3A_214 = vector.broadcast %mul3A_213 : f32 to vector<16xf32>
      %mul3A_215 = arith.mulf %get3A_212, %mul3A_214 : vector<16xf32>
      %swap3A_216 = arith.index_cast %add3A_208 : i32 to index
      %swap3A_217 = arith.constant 48 : index
      %swap3A_218 = tpu.vector_load %arg6[%swap3A_216, %swap3A_217] {strides = array<i32>} : memref<768x128xf32, #tpu.memory_space<vmem>>, vector<1x16xf32>,
      %swap3A_219 = vector.shape_cast %swap3A_218 : vector<1x16xf32> to vector<16xf32>
      %swap3A_220 = vector.shape_cast %mul3A_215 : vector<16xf32> to vector<1x16xf32>
      tpu.vector_store %arg6[%swap3A_216, %swap3A_217], %swap3A_220 {strides = array<i32>} : memref<768x128xf32, #tpu.memory_space<vmem>>, vector<1x16xf32>,
      %mul3A_221 = arith.constant 2 : i32
      %mul3A_222 = arith.muli %mul3A_221, %scan3A_150 : i32
      %add3A_223 = arith.constant 0 : i32
      %add3A_224 = arith.addi %add3A_223, %mul3A_222 : i32
      %add3A_225 = arith.constant 0 : i32
      %add3A_226 = arith.addi %add3A_224, %add3A_225 : i32
      %get3A_227 = arith.index_cast %add3A_226 : i32 to index
      %get3A_228 = arith.constant 64 : index
      %get3A_229 = tpu.vector_load %arg6[%get3A_227, %get3A_228] {strides = array<i32>} : memref<768x128xf32, #tpu.memory_space<vmem>>, vector<1x16xf32>,
      %get3A_230 = vector.shape_cast %get3A_229 : vector<1x16xf32> to vector<16xf32>
      %mul3A_231 = arith.constant 11.3137083 : f32
      %mul3A_232 = vector.broadcast %mul3A_231 : f32 to vector<16xf32>
      %mul3A_233 = arith.mulf %get3A_230, %mul3A_232 : vector<16xf32>
      %swap3A_234 = arith.index_cast %add3A_226 : i32 to index
      %swap3A_235 = arith.constant 64 : index
      %swap3A_236 = tpu.vector_load %arg6[%swap3A_234, %swap3A_235] {strides = array<i32>} : memref<768x128xf32, #tpu.memory_space<vmem>>, vector<1x16xf32>,
      %swap3A_237 = vector.shape_cast %swap3A_236 : vector<1x16xf32> to vector<16xf32>
      %swap3A_238 = vector.shape_cast %mul3A_233 : vector<16xf32> to vector<1x16xf32>
      tpu.vector_store %arg6[%swap3A_234, %swap3A_235], %swap3A_238 {strides = array<i32>} : memref<768x128xf32, #tpu.memory_space<vmem>>, vector<1x16xf32>,
      %mul3A_239 = arith.constant 2 : i32
      %mul3A_240 = arith.muli %mul3A_239, %scan3A_150 : i32
      %add3A_241 = arith.constant 0 : i32
      %add3A_242 = arith.addi %add3A_241, %mul3A_240 : i32
      %add3A_243 = arith.constant 0 : i32
      %add3A_244 = arith.addi %add3A_242, %add3A_243 : i32
      %get3A_245 = arith.index_cast %add3A_244 : i32 to index
      %get3A_246 = arith.constant 80 : index
      %get3A_247 = tpu.vector_load %arg6[%get3A_245, %get3A_246] {strides = array<i32>} : memref<768x128xf32, #tpu.memory_space<vmem>>, vector<1x16xf32>,
      %get3A_248 = vector.shape_cast %get3A_247 : vector<1x16xf32> to vector<16xf32>
      %mul3A_249 = arith.constant 11.3137083 : f32
      %mul3A_250 = vector.broadcast %mul3A_249 : f32 to vector<16xf32>
      %mul3A_251 = arith.mulf %get3A_248, %mul3A_250 : vector<16xf32>
      %swap3A_252 = arith.index_cast %add3A_244 : i32 to index
      %swap3A_253 = arith.constant 80 : index
      %swap3A_254 = tpu.vector_load %arg6[%swap3A_252, %swap3A_253] {strides = array<i32>} : memref<768x128xf32, #tpu.memory_space<vmem>>, vector<1x16xf32>,
      %swap3A_255 = vector.shape_cast %swap3A_254 : vector<1x16xf32> to vector<16xf32>
      %swap3A_256 = vector.shape_cast %mul3A_251 : vector<16xf32> to vector<1x16xf32>
      tpu.vector_store %arg6[%swap3A_252, %swap3A_253], %swap3A_256 {strides = array<i32>} : memref<768x128xf32, #tpu.memory_space<vmem>>, vector<1x16xf32>,
      %mul3A_257 = arith.constant 2 : i32
      %mul3A_258 = arith.muli %mul3A_257, %scan3A_150 : i32
      %add3A_259 = arith.constant 0 : i32
      %add3A_260 = arith.addi %add3A_259, %mul3A_258 : i32
      %add3A_261 = arith.constant 0 : i32
      %add3A_262 = arith.addi %add3A_260, %add3A_261 : i32
      %get3A_263 = arith.index_cast %add3A_262 : i32 to index
      %get3A_264 = arith.constant 96 : index
      %get3A_265 = tpu.vector_load %arg6[%get3A_263, %get3A_264] {strides = array<i32>} : memref<768x128xf32, #tpu.memory_space<vmem>>, vector<1x16xf32>,
      %get3A_266 = vector.shape_cast %get3A_265 : vector<1x16xf32> to vector<16xf32>
      %mul3A_267 = arith.constant 11.3137083 : f32
      %mul3A_268 = vector.broadcast %mul3A_267 : f32 to vector<16xf32>
      %mul3A_269 = arith.mulf %get3A_266, %mul3A_268 : vector<16xf32>
      %swap3A_270 = arith.index_cast %add3A_262 : i32 to index
      %swap3A_271 = arith.constant 96 : index
      %swap3A_272 = tpu.vector_load %arg6[%swap3A_270, %swap3A_271] {strides = array<i32>} : memref<768x128xf32, #tpu.memory_space<vmem>>, vector<1x16xf32>,
      %swap3A_273 = vector.shape_cast %swap3A_272 : vector<1x16xf32> to vector<16xf32>
      %swap3A_274 = vector.shape_cast %mul3A_269 : vector<16xf32> to vector<1x16xf32>
      tpu.vector_store %arg6[%swap3A_270, %swap3A_271], %swap3A_274 {strides = array<i32>} : memref<768x128xf32, #tpu.memory_space<vmem>>, vector<1x16xf32>,
      %mul3A_275 = arith.constant 2 : i32
      %mul3A_276 = arith.muli %mul3A_275, %scan3A_150 : i32
      %add3A_277 = arith.constant 0 : i32
      %add3A_278 = arith.addi %add3A_277, %mul3A_276 : i32
      %add3A_279 = arith.constant 0 : i32
      %add3A_280 = arith.addi %add3A_278, %add3A_279 : i32
      %get3A_281 = arith.index_cast %add3A_280 : i32 to index
      %get3A_282 = arith.constant 112 : index
      %get3A_283 = tpu.vector_load %arg6[%get3A_281, %get3A_282] {strides = array<i32>} : memref<768x128xf32, #tpu.memory_space<vmem>>, vector<1x16xf32>,
      %get3A_284 = vector.shape_cast %get3A_283 : vector<1x16xf32> to vector<16xf32>
      %mul3A_285 = arith.constant 11.3137083 : f32
      %mul3A_286 = vector.broadcast %mul3A_285 : f32 to vector<16xf32>
      %mul3A_287 = arith.mulf %get3A_284, %mul3A_286 : vector<16xf32>
      %swap3A_288 = arith.index_cast %add3A_280 : i32 to index
      %swap3A_289 = arith.constant 112 : index
      %swap3A_290 = tpu.vector_load %arg6[%swap3A_288, %swap3A_289] {strides = array<i32>} : memref<768x128xf32, #tpu.memory_space<vmem>>, vector<1x16xf32>,
      %swap3A_291 = vector.shape_cast %swap3A_290 : vector<1x16xf32> to vector<16xf32>
      %swap3A_292 = vector.shape_cast %mul3A_287 : vector<16xf32> to vector<1x16xf32>
      tpu.vector_store %arg6[%swap3A_288, %swap3A_289], %swap3A_292 {strides = array<i32>} : memref<768x128xf32, #tpu.memory_space<vmem>>, vector<1x16xf32>,
      %mul3A_293 = arith.constant 2 : i32
      %mul3A_294 = arith.muli %mul3A_293, %scan3A_150 : i32
      %add3A_295 = arith.constant 0 : i32
      %add3A_296 = arith.addi %add3A_295, %mul3A_294 : i32
      %add3A_297 = arith.constant 1 : i32
      %add3A_298 = arith.addi %add3A_296, %add3A_297 : i32
      %get3A_299 = arith.index_cast %add3A_298 : i32 to index
      %get3A_300 = arith.constant 0 : index
      %get3A_301 = tpu.vector_load %arg6[%get3A_299, %get3A_300] {strides = array<i32>} : memref<768x128xf32, #tpu.memory_space<vmem>>, vector<1x16xf32>,
      %get3A_302 = vector.shape_cast %get3A_301 : vector<1x16xf32> to vector<16xf32>
      %mul3A_303 = arith.constant 11.3137083 : f32
      %mul3A_304 = vector.broadcast %mul3A_303 : f32 to vector<16xf32>
      %mul3A_305 = arith.mulf %get3A_302, %mul3A_304 : vector<16xf32>
      %swap3A_306 = arith.index_cast %add3A_298 : i32 to index
      %swap3A_307 = arith.constant 0 : index
      %swap3A_308 = tpu.vector_load %arg6[%swap3A_306, %swap3A_307] {strides = array<i32>} : memref<768x128xf32, #tpu.memory_space<vmem>>, vector<1x16xf32>,
      %swap3A_309 = vector.shape_cast %swap3A_308 : vector<1x16xf32> to vector<16xf32>
      %swap3A_310 = vector.shape_cast %mul3A_305 : vector<16xf32> to vector<1x16xf32>
      tpu.vector_store %arg6[%swap3A_306, %swap3A_307], %swap3A_310 {strides = array<i32>} : memref<768x128xf32, #tpu.memory_space<vmem>>, vector<1x16xf32>,
      %mul3A_311 = arith.constant 2 : i32
      %mul3A_312 = arith.muli %mul3A_311, %scan3A_150 : i32
      %add3A_313 = arith.constant 0 : i32
      %add3A_314 = arith.addi %add3A_313, %mul3A_312 : i32
      %add3A_315 = arith.constant 1 : i32
      %add3A_316 = arith.addi %add3A_314, %add3A_315 : i32
      %get3A_317 = arith.index_cast %add3A_316 : i32 to index
      %get3A_318 = arith.constant 16 : index
      %get3A_319 = tpu.vector_load %arg6[%get3A_317, %get3A_318] {strides = array<i32>} : memref<768x128xf32, #tpu.memory_space<vmem>>, vector<1x16xf32>,
      %get3A_320 = vector.shape_cast %get3A_319 : vector<1x16xf32> to vector<16xf32>
      %mul3A_321 = arith.constant 11.3137083 : f32
      %mul3A_322 = vector.broadcast %mul3A_321 : f32 to vector<16xf32>
      %mul3A_323 = arith.mulf %get3A_320, %mul3A_322 : vector<16xf32>
      %swap3A_324 = arith.index_cast %add3A_316 : i32 to index
      %swap3A_325 = arith.constant 16 : index
      %swap3A_326 = tpu.vector_load %arg6[%swap3A_324, %swap3A_325] {strides = array<i32>} : memref<768x128xf32, #tpu.memory_space<vmem>>, vector<1x16xf32>,
      %swap3A_327 = vector.shape_cast %swap3A_326 : vector<1x16xf32> to vector<16xf32>
      %swap3A_328 = vector.shape_cast %mul3A_323 : vector<16xf32> to vector<1x16xf32>
      tpu.vector_store %arg6[%swap3A_324, %swap3A_325], %swap3A_328 {strides = array<i32>} : memref<768x128xf32, #tpu.memory_space<vmem>>, vector<1x16xf32>,
      %mul3A_329 = arith.constant 2 : i32
      %mul3A_330 = arith.muli %mul3A_329, %scan3A_150 : i32
      %add3A_331 = arith.constant 0 : i32
      %add3A_332 = arith.addi %add3A_331, %mul3A_330 : i32
      %add3A_333 = arith.constant 1 : i32
      %add3A_334 = arith.addi %add3A_332, %add3A_333 : i32
      %get3A_335 = arith.index_cast %add3A_334 : i32 to index
      %get3A_336 = arith.constant 32 : index
      %get3A_337 = tpu.vector_load %arg6[%get3A_335, %get3A_336] {strides = array<i32>} : memref<768x128xf32, #tpu.memory_space<vmem>>, vector<1x16xf32>,
      %get3A_338 = vector.shape_cast %get3A_337 : vector<1x16xf32> to vector<16xf32>
      %mul3A_339 = arith.constant 11.3137083 : f32
      %mul3A_340 = vector.broadcast %mul3A_339 : f32 to vector<16xf32>
      %mul3A_341 = arith.mulf %get3A_338, %mul3A_340 : vector<16xf32>
      %swap3A_342 = arith.index_cast %add3A_334 : i32 to index
      %swap3A_343 = arith.constant 32 : index
      %swap3A_344 = tpu.vector_load %arg6[%swap3A_342, %swap3A_343] {strides = array<i32>} : memref<768x128xf32, #tpu.memory_space<vmem>>, vector<1x16xf32>,
      %swap3A_345 = vector.shape_cast %swap3A_344 : vector<1x16xf32> to vector<16xf32>
      %swap3A_346 = vector.shape_cast %mul3A_341 : vector<16xf32> to vector<1x16xf32>
      tpu.vector_store %arg6[%swap3A_342, %swap3A_343], %swap3A_346 {strides = array<i32>} : memref<768x128xf32, #tpu.memory_space<vmem>>, vector<1x16xf32>,
      %mul3A_347 = arith.constant 2 : i32
      %mul3A_348 = arith.muli %mul3A_347, %scan3A_150 : i32
      %add3A_349 = arith.constant 0 : i32
      %add3A_350 = arith.addi %add3A_349, %mul3A_348 : i32
      %add3A_351 = arith.constant 1 : i32
      %add3A_352 = arith.addi %add3A_350, %add3A_351 : i32
      %get3A_353 = arith.index_cast %add3A_352 : i32 to index
      %get3A_354 = arith.constant 48 : index
      %get3A_355 = tpu.vector_load %arg6[%get3A_353, %get3A_354] {strides = array<i32>} : memref<768x128xf32, #tpu.memory_space<vmem>>, vector<1x16xf32>,
      %get3A_356 = vector.shape_cast %get3A_355 : vector<1x16xf32> to vector<16xf32>
      %mul3A_357 = arith.constant 11.3137083 : f32
      %mul3A_358 = vector.broadcast %mul3A_357 : f32 to vector<16xf32>
      %mul3A_359 = arith.mulf %get3A_356, %mul3A_358 : vector<16xf32>
      %swap3A_360 = arith.index_cast %add3A_352 : i32 to index
      %swap3A_361 = arith.constant 48 : index
      %swap3A_362 = tpu.vector_load %arg6[%swap3A_360, %swap3A_361] {strides = array<i32>} : memref<768x128xf32, #tpu.memory_space<vmem>>, vector<1x16xf32>,
      %swap3A_363 = vector.shape_cast %swap3A_362 : vector<1x16xf32> to vector<16xf32>
      %swap3A_364 = vector.shape_cast %mul3A_359 : vector<16xf32> to vector<1x16xf32>
      tpu.vector_store %arg6[%swap3A_360, %swap3A_361], %swap3A_364 {strides = array<i32>} : memref<768x128xf32, #tpu.memory_space<vmem>>, vector<1x16xf32>,
      %mul3A_365 = arith.constant 2 : i32
      %mul3A_366 = arith.muli %mul3A_365, %scan3A_150 : i32
      %add3A_367 = arith.constant 0 : i32
      %add3A_368 = arith.addi %add3A_367, %mul3A_366 : i32
      %add3A_369 = arith.constant 1 : i32
      %add3A_370 = arith.addi %add3A_368, %add3A_369 : i32
      %get3A_371 = arith.index_cast %add3A_370 : i32 to index
      %get3A_372 = arith.constant 64 : index
      %get3A_373 = tpu.vector_load %arg6[%get3A_371, %get3A_372] {strides = array<i32>} : memref<768x128xf32, #tpu.memory_space<vmem>>, vector<1x16xf32>,
      %get3A_374 = vector.shape_cast %get3A_373 : vector<1x16xf32> to vector<16xf32>
      %mul3A_375 = arith.constant 11.3137083 : f32
      %mul3A_376 = vector.broadcast %mul3A_375 : f32 to vector<16xf32>
      %mul3A_377 = arith.mulf %get3A_374, %mul3A_376 : vector<16xf32>
      %swap3A_378 = arith.index_cast %add3A_370 : i32 to index
      %swap3A_379 = arith.constant 64 : index
      %swap3A_380 = tpu.vector_load %arg6[%swap3A_378, %swap3A_379] {strides = array<i32>} : memref<768x128xf32, #tpu.memory_space<vmem>>, vector<1x16xf32>,
      %swap3A_381 = vector.shape_cast %swap3A_380 : vector<1x16xf32> to vector<16xf32>
      %swap3A_382 = vector.shape_cast %mul3A_377 : vector<16xf32> to vector<1x16xf32>
      tpu.vector_store %arg6[%swap3A_378, %swap3A_379], %swap3A_382 {strides = array<i32>} : memref<768x128xf32, #tpu.memory_space<vmem>>, vector<1x16xf32>,
      %mul3A_383 = arith.constant 2 : i32
      %mul3A_384 = arith.muli %mul3A_383, %scan3A_150 : i32
      %add3A_385 = arith.constant 0 : i32
      %add3A_386 = arith.addi %add3A_385, %mul3A_384 : i32
      %add3A_387 = arith.constant 1 : i32
      %add3A_388 = arith.addi %add3A_386, %add3A_387 : i32
      %get3A_389 = arith.index_cast %add3A_388 : i32 to index
      %get3A_390 = arith.constant 80 : index
      %get3A_391 = tpu.vector_load %arg6[%get3A_389, %get3A_390] {strides = array<i32>} : memref<768x128xf32, #tpu.memory_space<vmem>>, vector<1x16xf32>,
      %get3A_392 = vector.shape_cast %get3A_391 : vector<1x16xf32> to vector<16xf32>
      %mul3A_393 = arith.constant 11.3137083 : f32
      %mul3A_394 = vector.broadcast %mul3A_393 : f32 to vector<16xf32>
      %mul3A_395 = arith.mulf %get3A_392, %mul3A_394 : vector<16xf32>
      %swap3A_396 = arith.index_cast %add3A_388 : i32 to index
      %swap3A_397 = arith.constant 80 : index
      %swap3A_398 = tpu.vector_load %arg6[%swap3A_396, %swap3A_397] {strides = array<i32>} : memref<768x128xf32, #tpu.memory_space<vmem>>, vector<1x16xf32>,
      %swap3A_399 = vector.shape_cast %swap3A_398 : vector<1x16xf32> to vector<16xf32>
      %swap3A_400 = vector.shape_cast %mul3A_395 : vector<16xf32> to vector<1x16xf32>
      tpu.vector_store %arg6[%swap3A_396, %swap3A_397], %swap3A_400 {strides = array<i32>} : memref<768x128xf32, #tpu.memory_space<vmem>>, vector<1x16xf32>,
      %mul3A_401 = arith.constant 2 : i32
      %mul3A_402 = arith.muli %mul3A_401, %scan3A_150 : i32
      %add3A_403 = arith.constant 0 : i32
      %add3A_404 = arith.addi %add3A_403, %mul3A_402 : i32
      %add3A_405 = arith.constant 1 : i32
      %add3A_406 = arith.addi %add3A_404, %add3A_405 : i32
      %get3A_407 = arith.index_cast %add3A_406 : i32 to index
      %get3A_408 = arith.constant 96 : index
      %get3A_409 = tpu.vector_load %arg6[%get3A_407, %get3A_408] {strides = array<i32>} : memref<768x128xf32, #tpu.memory_space<vmem>>, vector<1x16xf32>,
      %get3A_410 = vector.shape_cast %get3A_409 : vector<1x16xf32> to vector<16xf32>
      %mul3A_411 = arith.constant 11.3137083 : f32
      %mul3A_412 = vector.broadcast %mul3A_411 : f32 to vector<16xf32>
      %mul3A_413 = arith.mulf %get3A_410, %mul3A_412 : vector<16xf32>
      %swap3A_414 = arith.index_cast %add3A_406 : i32 to index
      %swap3A_415 = arith.constant 96 : index
      %swap3A_416 = tpu.vector_load %arg6[%swap3A_414, %swap3A_415] {strides = array<i32>} : memref<768x128xf32, #tpu.memory_space<vmem>>, vector<1x16xf32>,
      %swap3A_417 = vector.shape_cast %swap3A_416 : vector<1x16xf32> to vector<16xf32>
      %swap3A_418 = vector.shape_cast %mul3A_413 : vector<16xf32> to vector<1x16xf32>
      tpu.vector_store %arg6[%swap3A_414, %swap3A_415], %swap3A_418 {strides = array<i32>} : memref<768x128xf32, #tpu.memory_space<vmem>>, vector<1x16xf32>,
      %mul3A_419 = arith.constant 2 : i32
      %mul3A_420 = arith.muli %mul3A_419, %scan3A_150 : i32
      %add3A_421 = arith.constant 0 : i32
      %add3A_422 = arith.addi %add3A_421, %mul3A_420 : i32
      %add3A_423 = arith.constant 1 : i32
      %add3A_424 = arith.addi %add3A_422, %add3A_423 : i32
      %get3A_425 = arith.index_cast %add3A_424 : i32 to index
      %get3A_426 = arith.constant 112 : index
      %get3A_427 = tpu.vector_load %arg6[%get3A_425, %get3A_426] {strides = array<i32>} : memref<768x128xf32, #tpu.memory_space<vmem>>, vector<1x16xf32>,
      %get3A_428 = vector.shape_cast %get3A_427 : vector<1x16xf32> to vector<16xf32>
      %mul3A_429 = arith.constant 11.3137083 : f32
      %mul3A_430 = vector.broadcast %mul3A_429 : f32 to vector<16xf32>
      %mul3A_431 = arith.mulf %get3A_428, %mul3A_430 : vector<16xf32>
      %swap3A_432 = arith.index_cast %add3A_424 : i32 to index
      %swap3A_433 = arith.constant 112 : index
      %swap3A_434 = tpu.vector_load %arg6[%swap3A_432, %swap3A_433] {strides = array<i32>} : memref<768x128xf32, #tpu.memory_space<vmem>>, vector<1x16xf32>,
      %swap3A_435 = vector.shape_cast %swap3A_434 : vector<1x16xf32> to vector<16xf32>
      %swap3A_436 = vector.shape_cast %mul3A_431 : vector<16xf32> to vector<1x16xf32>
      tpu.vector_store %arg6[%swap3A_432, %swap3A_433], %swap3A_436 {strides = array<i32>} : memref<768x128xf32, #tpu.memory_space<vmem>>, vector<1x16xf32>,
    }
    %scan3A_81 = arith.constant 64 : i32
    %dma_wait3A_82 = arith.constant 199 : i32
    %dma_wait3A_83 = arith.constant 128 : i32
    %dma_wait3A_84 = arith.constant 0 : i32
    %dma_wait3A_85 = tpu.memref_slice %arg6[%dma_wait3A_83, %dma_wait3A_84] : memref<768x128xf32, #tpu.memory_space<vmem>> -> memref<64x128xf32, #tpu.memory_space<vmem>>
    %dma_wait3A_86 = arith.constant 0 : i32
    %dma_wait3A_87 = tpu.memref_slice %arg5[%dma_wait3A_82, %dma_wait3A_86] : memref<200x128xi32, #tpu.memory_space<vmem>> -> memref<1x64xi32, #tpu.memory_space<vmem>>
    %dma_wait3A_88 = tpu.memref_squeeze %dma_wait3A_87 : memref<1x64xi32, #tpu.memory_space<vmem>> -> memref<64xi32, #tpu.memory_space<vmem>>
    %dma_wait3A_89 = arith.constant 0 : i32
    %dma_wait3A_90 = arith.constant 0 : i32
    %dma_wait3A_91 = tpu.memref_slice %arg2[%dma_wait3A_89, %dma_wait3A_90] : memref<100000x128xf32, #tpu.memory_space<hbm>> -> memref<100000x128xf32, #tpu.memory_space<hbm>>
    tpu.wait_indirect_dma semaphore(%arg9 : memref<!tpu.dma_semaphore, #tpu.memory_space<semaphore_mem>>) src(%dma_wait3A_91 : memref<100000x128xf32, #tpu.memory_space<hbm>>) dst(%dma_wait3A_85 : memref<64x128xf32, #tpu.memory_space<vmem>>)
    %dma_wait3A_92 = arith.constant 199 : i32
    %dma_wait3A_93 = arith.constant 192 : i32
    %dma_wait3A_94 = arith.constant 0 : i32
    %dma_wait3A_95 = tpu.memref_slice %arg6[%dma_wait3A_93, %dma_wait3A_94] : memref<768x128xf32, #tpu.memory_space<vmem>> -> memref<64x128xf32, #tpu.memory_space<vmem>>
    %dma_wait3A_96 = arith.constant 64 : i32
    %dma_wait3A_97 = tpu.memref_slice %arg5[%dma_wait3A_92, %dma_wait3A_96] : memref<200x128xi32, #tpu.memory_space<vmem>> -> memref<1x64xi32, #tpu.memory_space<vmem>>
    %dma_wait3A_98 = tpu.memref_squeeze %dma_wait3A_97 : memref<1x64xi32, #tpu.memory_space<vmem>> -> memref<64xi32, #tpu.memory_space<vmem>>
    %dma_wait3A_99 = arith.constant 0 : i32
    %dma_wait3A_100 = arith.constant 0 : i32
    %dma_wait3A_101 = tpu.memref_slice %arg2[%dma_wait3A_99, %dma_wait3A_100] : memref<100000x128xf32, #tpu.memory_space<hbm>> -> memref<100000x128xf32, #tpu.memory_space<hbm>>
    tpu.wait_indirect_dma semaphore(%arg10 : memref<!tpu.dma_semaphore, #tpu.memory_space<semaphore_mem>>) src(%dma_wait3A_101 : memref<100000x128xf32, #tpu.memory_space<hbm>>) dst(%dma_wait3A_95 : memref<64x128xf32, #tpu.memory_space<vmem>>)
    %scan3A_102 = arith.constant 0 : i32
    %scan3A_103 = arith.constant 0 : i32
    %scan3A_104 = arith.constant 64 : i32
    %scan3A_105 = arith.addi %scan3A_103, %scan3A_104 : i32
    %scan3A_106 = arith.constant 1 : i32
    scf.for %scan3A_150 = %scan3A_103 to %scan3A_105 step %scan3A_106  : i32 {
      %mul3A_151 = arith.constant 2 : i32
      %mul3A_152 = arith.muli %mul3A_151, %scan3A_150 : i32
      %add3A_153 = arith.constant 128 : i32
      %add3A_154 = arith.addi %add3A_153, %mul3A_152 : i32
      %add3A_155 = arith.constant 0 : i32
      %add3A_156 = arith.addi %add3A_154, %add3A_155 : i32
      %get3A = arith.index_cast %add3A_156 : i32 to index
      %get3A_157 = arith.constant 0 : index
      %get3A_158 = tpu.vector_load %arg6[%get3A, %get3A_157] {strides = array<i32>} : memref<768x128xf32, #tpu.memory_space<vmem>>, vector<1x16xf32>,
      %get3A_159 = vector.shape_cast %get3A_158 : vector<1x16xf32> to vector<16xf32>
      %mul3A_160 = arith.constant 11.3137083 : f32
      %mul3A_161 = vector.broadcast %mul3A_160 : f32 to vector<16xf32>
      %mul3A_162 = arith.mulf %get3A_159, %mul3A_161 : vector<16xf32>
      %swap3A = arith.index_cast %add3A_156 : i32 to index
      %swap3A_163 = arith.constant 0 : index
      %swap3A_164 = tpu.vector_load %arg6[%swap3A, %swap3A_163] {strides = array<i32>} : memref<768x128xf32, #tpu.memory_space<vmem>>, vector<1x16xf32>,
      %swap3A_165 = vector.shape_cast %swap3A_164 : vector<1x16xf32> to vector<16xf32>
      %swap3A_166 = vector.shape_cast %mul3A_162 : vector<16xf32> to vector<1x16xf32>
      tpu.vector_store %arg6[%swap3A, %swap3A_163], %swap3A_166 {strides = array<i32>} : memref<768x128xf32, #tpu.memory_space<vmem>>, vector<1x16xf32>,
      %mul3A_167 = arith.constant 2 : i32
      %mul3A_168 = arith.muli %mul3A_167, %scan3A_150 : i32
      %add3A_169 = arith.constant 128 : i32
      %add3A_170 = arith.addi %add3A_169, %mul3A_168 : i32
      %add3A_171 = arith.constant 0 : i32
      %add3A_172 = arith.addi %add3A_170, %add3A_171 : i32
      %get3A_173 = arith.index_cast %add3A_172 : i32 to index
      %get3A_174 = arith.constant 16 : index
      %get3A_175 = tpu.vector_load %arg6[%get3A_173, %get3A_174] {strides = array<i32>} : memref<768x128xf32, #tpu.memory_space<vmem>>, vector<1x16xf32>,
      %get3A_176 = vector.shape_cast %get3A_175 : vector<1x16xf32> to vector<16xf32>
      %mul3A_177 = arith.constant 11.3137083 : f32
      %mul3A_178 = vector.broadcast %mul3A_177 : f32 to vector<16xf32>
      %mul3A_179 = arith.mulf %get3A_176, %mul3A_178 : vector<16xf32>
      %swap3A_180 = arith.index_cast %add3A_172 : i32 to index
      %swap3A_181 = arith.constant 16 : index
      %swap3A_182 = tpu.vector_load %arg6[%swap3A_180, %swap3A_181] {strides = array<i32>} : memref<768x128xf32, #tpu.memory_space<vmem>>, vector<1x16xf32>,
      %swap3A_183 = vector.shape_cast %swap3A_182 : vector<1x16xf32> to vector<16xf32>
      %swap3A_184 = vector.shape_cast %mul3A_179 : vector<16xf32> to vector<1x16xf32>
      tpu.vector_store %arg6[%swap3A_180, %swap3A_181], %swap3A_184 {strides = array<i32>} : memref<768x128xf32, #tpu.memory_space<vmem>>, vector<1x16xf32>,
      %mul3A_185 = arith.constant 2 : i32
      %mul3A_186 = arith.muli %mul3A_185, %scan3A_150 : i32
      %add3A_187 = arith.constant 128 : i32
      %add3A_188 = arith.addi %add3A_187, %mul3A_186 : i32
      %add3A_189 = arith.constant 0 : i32
      %add3A_190 = arith.addi %add3A_188, %add3A_189 : i32
      %get3A_191 = arith.index_cast %add3A_190 : i32 to index
      %get3A_192 = arith.constant 32 : index
      %get3A_193 = tpu.vector_load %arg6[%get3A_191, %get3A_192] {strides = array<i32>} : memref<768x128xf32, #tpu.memory_space<vmem>>, vector<1x16xf32>,
      %get3A_194 = vector.shape_cast %get3A_193 : vector<1x16xf32> to vector<16xf32>
      %mul3A_195 = arith.constant 11.3137083 : f32
      %mul3A_196 = vector.broadcast %mul3A_195 : f32 to vector<16xf32>
      %mul3A_197 = arith.mulf %get3A_194, %mul3A_196 : vector<16xf32>
      %swap3A_198 = arith.index_cast %add3A_190 : i32 to index
      %swap3A_199 = arith.constant 32 : index
      %swap3A_200 = tpu.vector_load %arg6[%swap3A_198, %swap3A_199] {strides = array<i32>} : memref<768x128xf32, #tpu.memory_space<vmem>>, vector<1x16xf32>,
      %swap3A_201 = vector.shape_cast %swap3A_200 : vector<1x16xf32> to vector<16xf32>
      %swap3A_202 = vector.shape_cast %mul3A_197 : vector<16xf32> to vector<1x16xf32>
      tpu.vector_store %arg6[%swap3A_198, %swap3A_199], %swap3A_202 {strides = array<i32>} : memref<768x128xf32, #tpu.memory_space<vmem>>, vector<1x16xf32>,
      %mul3A_203 = arith.constant 2 : i32
      %mul3A_204 = arith.muli %mul3A_203, %scan3A_150 : i32
      %add3A_205 = arith.constant 128 : i32
      %add3A_206 = arith.addi %add3A_205, %mul3A_204 : i32
      %add3A_207 = arith.constant 0 : i32
      %add3A_208 = arith.addi %add3A_206, %add3A_207 : i32
      %get3A_209 = arith.index_cast %add3A_208 : i32 to index
      %get3A_210 = arith.constant 48 : index
      %get3A_211 = tpu.vector_load %arg6[%get3A_209, %get3A_210] {strides = array<i32>} : memref<768x128xf32, #tpu.memory_space<vmem>>, vector<1x16xf32>,
      %get3A_212 = vector.shape_cast %get3A_211 : vector<1x16xf32> to vector<16xf32>
      %mul3A_213 = arith.constant 11.3137083 : f32
      %mul3A_214 = vector.broadcast %mul3A_213 : f32 to vector<16xf32>
      %mul3A_215 = arith.mulf %get3A_212, %mul3A_214 : vector<16xf32>
      %swap3A_216 = arith.index_cast %add3A_208 : i32 to index
      %swap3A_217 = arith.constant 48 : index
      %swap3A_218 = tpu.vector_load %arg6[%swap3A_216, %swap3A_217] {strides = array<i32>} : memref<768x128xf32, #tpu.memory_space<vmem>>, vector<1x16xf32>,
      %swap3A_219 = vector.shape_cast %swap3A_218 : vector<1x16xf32> to vector<16xf32>
      %swap3A_220 = vector.shape_cast %mul3A_215 : vector<16xf32> to vector<1x16xf32>
      tpu.vector_store %arg6[%swap3A_216, %swap3A_217], %swap3A_220 {strides = array<i32>} : memref<768x128xf32, #tpu.memory_space<vmem>>, vector<1x16xf32>,
      %mul3A_221 = arith.constant 2 : i32
      %mul3A_222 = arith.muli %mul3A_221, %scan3A_150 : i32
      %add3A_223 = arith.constant 128 : i32
      %add3A_224 = arith.addi %add3A_223, %mul3A_222 : i32
      %add3A_225 = arith.constant 0 : i32
      %add3A_226 = arith.addi %add3A_224, %add3A_225 : i32
      %get3A_227 = arith.index_cast %add3A_226 : i32 to index
      %get3A_228 = arith.constant 64 : index
      %get3A_229 = tpu.vector_load %arg6[%get3A_227, %get3A_228] {strides = array<i32>} : memref<768x128xf32, #tpu.memory_space<vmem>>, vector<1x16xf32>,
      %get3A_230 = vector.shape_cast %get3A_229 : vector<1x16xf32> to vector<16xf32>
      %mul3A_231 = arith.constant 11.3137083 : f32
      %mul3A_232 = vector.broadcast %mul3A_231 : f32 to vector<16xf32>
      %mul3A_233 = arith.mulf %get3A_230, %mul3A_232 : vector<16xf32>
      %swap3A_234 = arith.index_cast %add3A_226 : i32 to index
      %swap3A_235 = arith.constant 64 : index
      %swap3A_236 = tpu.vector_load %arg6[%swap3A_234, %swap3A_235] {strides = array<i32>} : memref<768x128xf32, #tpu.memory_space<vmem>>, vector<1x16xf32>,
      %swap3A_237 = vector.shape_cast %swap3A_236 : vector<1x16xf32> to vector<16xf32>
      %swap3A_238 = vector.shape_cast %mul3A_233 : vector<16xf32> to vector<1x16xf32>
      tpu.vector_store %arg6[%swap3A_234, %swap3A_235], %swap3A_238 {strides = array<i32>} : memref<768x128xf32, #tpu.memory_space<vmem>>, vector<1x16xf32>,
      %mul3A_239 = arith.constant 2 : i32
      %mul3A_240 = arith.muli %mul3A_239, %scan3A_150 : i32
      %add3A_241 = arith.constant 128 : i32
      %add3A_242 = arith.addi %add3A_241, %mul3A_240 : i32
      %add3A_243 = arith.constant 0 : i32
      %add3A_244 = arith.addi %add3A_242, %add3A_243 : i32
      %get3A_245 = arith.index_cast %add3A_244 : i32 to index
      %get3A_246 = arith.constant 80 : index
      %get3A_247 = tpu.vector_load %arg6[%get3A_245, %get3A_246] {strides = array<i32>} : memref<768x128xf32, #tpu.memory_space<vmem>>, vector<1x16xf32>,
      %get3A_248 = vector.shape_cast %get3A_247 : vector<1x16xf32> to vector<16xf32>
      %mul3A_249 = arith.constant 11.3137083 : f32
      %mul3A_250 = vector.broadcast %mul3A_249 : f32 to vector<16xf32>
      %mul3A_251 = arith.mulf %get3A_248, %mul3A_250 : vector<16xf32>
      %swap3A_252 = arith.index_cast %add3A_244 : i32 to index
      %swap3A_253 = arith.constant 80 : index
      %swap3A_254 = tpu.vector_load %arg6[%swap3A_252, %swap3A_253] {strides = array<i32>} : memref<768x128xf32, #tpu.memory_space<vmem>>, vector<1x16xf32>,
      %swap3A_255 = vector.shape_cast %swap3A_254 : vector<1x16xf32> to vector<16xf32>
      %swap3A_256 = vector.shape_cast %mul3A_251 : vector<16xf32> to vector<1x16xf32>
      tpu.vector_store %arg6[%swap3A_252, %swap3A_253], %swap3A_256 {strides = array<i32>} : memref<768x128xf32, #tpu.memory_space<vmem>>, vector<1x16xf32>,
      %mul3A_257 = arith.constant 2 : i32
      %mul3A_258 = arith.muli %mul3A_257, %scan3A_150 : i32
      %add3A_259 = arith.constant 128 : i32
      %add3A_260 = arith.addi %add3A_259, %mul3A_258 : i32
      %add3A_261 = arith.constant 0 : i32
      %add3A_262 = arith.addi %add3A_260, %add3A_261 : i32
      %get3A_263 = arith.index_cast %add3A_262 : i32 to index
      %get3A_264 = arith.constant 96 : index
      %get3A_265 = tpu.vector_load %arg6[%get3A_263, %get3A_264] {strides = array<i32>} : memref<768x128xf32, #tpu.memory_space<vmem>>, vector<1x16xf32>,
      %get3A_266 = vector.shape_cast %get3A_265 : vector<1x16xf32> to vector<16xf32>
      %mul3A_267 = arith.constant 11.3137083 : f32
      %mul3A_268 = vector.broadcast %mul3A_267 : f32 to vector<16xf32>
      %mul3A_269 = arith.mulf %get3A_266, %mul3A_268 : vector<16xf32>
      %swap3A_270 = arith.index_cast %add3A_262 : i32 to index
      %swap3A_271 = arith.constant 96 : index
      %swap3A_272 = tpu.vector_load %arg6[%swap3A_270, %swap3A_271] {strides = array<i32>} : memref<768x128xf32, #tpu.memory_space<vmem>>, vector<1x16xf32>,
      %swap3A_273 = vector.shape_cast %swap3A_272 : vector<1x16xf32> to vector<16xf32>
      %swap3A_274 = vector.shape_cast %mul3A_269 : vector<16xf32> to vector<1x16xf32>
      tpu.vector_store %arg6[%swap3A_270, %swap3A_271], %swap3A_274 {strides = array<i32>} : memref<768x128xf32, #tpu.memory_space<vmem>>, vector<1x16xf32>,
      %mul3A_275 = arith.constant 2 : i32
      %mul3A_276 = arith.muli %mul3A_275, %scan3A_150 : i32
      %add3A_277 = arith.constant 128 : i32
      %add3A_278 = arith.addi %add3A_277, %mul3A_276 : i32
      %add3A_279 = arith.constant 0 : i32
      %add3A_280 = arith.addi %add3A_278, %add3A_279 : i32
      %get3A_281 = arith.index_cast %add3A_280 : i32 to index
      %get3A_282 = arith.constant 112 : index
      %get3A_283 = tpu.vector_load %arg6[%get3A_281, %get3A_282] {strides = array<i32>} : memref<768x128xf32, #tpu.memory_space<vmem>>, vector<1x16xf32>,
      %get3A_284 = vector.shape_cast %get3A_283 : vector<1x16xf32> to vector<16xf32>
      %mul3A_285 = arith.constant 11.3137083 : f32
      %mul3A_286 = vector.broadcast %mul3A_285 : f32 to vector<16xf32>
      %mul3A_287 = arith.mulf %get3A_284, %mul3A_286 : vector<16xf32>
      %swap3A_288 = arith.index_cast %add3A_280 : i32 to index
      %swap3A_289 = arith.constant 112 : index
      %swap3A_290 = tpu.vector_load %arg6[%swap3A_288, %swap3A_289] {strides = array<i32>} : memref<768x128xf32, #tpu.memory_space<vmem>>, vector<1x16xf32>,
      %swap3A_291 = vector.shape_cast %swap3A_290 : vector<1x16xf32> to vector<16xf32>
      %swap3A_292 = vector.shape_cast %mul3A_287 : vector<16xf32> to vector<1x16xf32>
      tpu.vector_store %arg6[%swap3A_288, %swap3A_289], %swap3A_292 {strides = array<i32>} : memref<768x128xf32, #tpu.memory_space<vmem>>, vector<1x16xf32>,
      %mul3A_293 = arith.constant 2 : i32
      %mul3A_294 = arith.muli %mul3A_293, %scan3A_150 : i32
      %add3A_295 = arith.constant 128 : i32
      %add3A_296 = arith.addi %add3A_295, %mul3A_294 : i32
      %add3A_297 = arith.constant 1 : i32
      %add3A_298 = arith.addi %add3A_296, %add3A_297 : i32
      %get3A_299 = arith.index_cast %add3A_298 : i32 to index
      %get3A_300 = arith.constant 0 : index
      %get3A_301 = tpu.vector_load %arg6[%get3A_299, %get3A_300] {strides = array<i32>} : memref<768x128xf32, #tpu.memory_space<vmem>>, vector<1x16xf32>,
      %get3A_302 = vector.shape_cast %get3A_301 : vector<1x16xf32> to vector<16xf32>
      %mul3A_303 = arith.constant 11.3137083 : f32
      %mul3A_304 = vector.broadcast %mul3A_303 : f32 to vector<16xf32>
      %mul3A_305 = arith.mulf %get3A_302, %mul3A_304 : vector<16xf32>
      %swap3A_306 = arith.index_cast %add3A_298 : i32 to index
      %swap3A_307 = arith.constant 0 : index
      %swap3A_308 = tpu.vector_load %arg6[%swap3A_306, %swap3A_307] {strides = array<i32>} : memref<768x128xf32, #tpu.memory_space<vmem>>, vector<1x16xf32>,
      %swap3A_309 = vector.shape_cast %swap3A_308 : vector<1x16xf32> to vector<16xf32>
      %swap3A_310 = vector.shape_cast %mul3A_305 : vector<16xf32> to vector<1x16xf32>
      tpu.vector_store %arg6[%swap3A_306, %swap3A_307], %swap3A_310 {strides = array<i32>} : memref<768x128xf32, #tpu.memory_space<vmem>>, vector<1x16xf32>,
      %mul3A_311 = arith.constant 2 : i32
      %mul3A_312 = arith.muli %mul3A_311, %scan3A_150 : i32
      %add3A_313 = arith.constant 128 : i32
      %add3A_314 = arith.addi %add3A_313, %mul3A_312 : i32
      %add3A_315 = arith.constant 1 : i32
      %add3A_316 = arith.addi %add3A_314, %add3A_315 : i32
      %get3A_317 = arith.index_cast %add3A_316 : i32 to index
      %get3A_318 = arith.constant 16 : index
      %get3A_319 = tpu.vector_load %arg6[%get3A_317, %get3A_318] {strides = array<i32>} : memref<768x128xf32, #tpu.memory_space<vmem>>, vector<1x16xf32>,
      %get3A_320 = vector.shape_cast %get3A_319 : vector<1x16xf32> to vector<16xf32>
      %mul3A_321 = arith.constant 11.3137083 : f32
      %mul3A_322 = vector.broadcast %mul3A_321 : f32 to vector<16xf32>
      %mul3A_323 = arith.mulf %get3A_320, %mul3A_322 : vector<16xf32>
      %swap3A_324 = arith.index_cast %add3A_316 : i32 to index
      %swap3A_325 = arith.constant 16 : index
      %swap3A_326 = tpu.vector_load %arg6[%swap3A_324, %swap3A_325] {strides = array<i32>} : memref<768x128xf32, #tpu.memory_space<vmem>>, vector<1x16xf32>,
      %swap3A_327 = vector.shape_cast %swap3A_326 : vector<1x16xf32> to vector<16xf32>
      %swap3A_328 = vector.shape_cast %mul3A_323 : vector<16xf32> to vector<1x16xf32>
      tpu.vector_store %arg6[%swap3A_324, %swap3A_325], %swap3A_328 {strides = array<i32>} : memref<768x128xf32, #tpu.memory_space<vmem>>, vector<1x16xf32>,
      %mul3A_329 = arith.constant 2 : i32
      %mul3A_330 = arith.muli %mul3A_329, %scan3A_150 : i32
      %add3A_331 = arith.constant 128 : i32
      %add3A_332 = arith.addi %add3A_331, %mul3A_330 : i32
      %add3A_333 = arith.constant 1 : i32
      %add3A_334 = arith.addi %add3A_332, %add3A_333 : i32
      %get3A_335 = arith.index_cast %add3A_334 : i32 to index
      %get3A_336 = arith.constant 32 : index
      %get3A_337 = tpu.vector_load %arg6[%get3A_335, %get3A_336] {strides = array<i32>} : memref<768x128xf32, #tpu.memory_space<vmem>>, vector<1x16xf32>,
      %get3A_338 = vector.shape_cast %get3A_337 : vector<1x16xf32> to vector<16xf32>
      %mul3A_339 = arith.constant 11.3137083 : f32
      %mul3A_340 = vector.broadcast %mul3A_339 : f32 to vector<16xf32>
      %mul3A_341 = arith.mulf %get3A_338, %mul3A_340 : vector<16xf32>
      %swap3A_342 = arith.index_cast %add3A_334 : i32 to index
      %swap3A_343 = arith.constant 32 : index
      %swap3A_344 = tpu.vector_load %arg6[%swap3A_342, %swap3A_343] {strides = array<i32>} : memref<768x128xf32, #tpu.memory_space<vmem>>, vector<1x16xf32>,
      %swap3A_345 = vector.shape_cast %swap3A_344 : vector<1x16xf32> to vector<16xf32>
      %swap3A_346 = vector.shape_cast %mul3A_341 : vector<16xf32> to vector<1x16xf32>
      tpu.vector_store %arg6[%swap3A_342, %swap3A_343], %swap3A_346 {strides = array<i32>} : memref<768x128xf32, #tpu.memory_space<vmem>>, vector<1x16xf32>,
      %mul3A_347 = arith.constant 2 : i32
      %mul3A_348 = arith.muli %mul3A_347, %scan3A_150 : i32
      %add3A_349 = arith.constant 128 : i32
      %add3A_350 = arith.addi %add3A_349, %mul3A_348 : i32
      %add3A_351 = arith.constant 1 : i32
      %add3A_352 = arith.addi %add3A_350, %add3A_351 : i32
      %get3A_353 = arith.index_cast %add3A_352 : i32 to index
      %get3A_354 = arith.constant 48 : index
      %get3A_355 = tpu.vector_load %arg6[%get3A_353, %get3A_354] {strides = array<i32>} : memref<768x128xf32, #tpu.memory_space<vmem>>, vector<1x16xf32>,
      %get3A_356 = vector.shape_cast %get3A_355 : vector<1x16xf32> to vector<16xf32>
      %mul3A_357 = arith.constant 11.3137083 : f32
      %mul3A_358 = vector.broadcast %mul3A_357 : f32 to vector<16xf32>
      %mul3A_359 = arith.mulf %get3A_356, %mul3A_358 : vector<16xf32>
      %swap3A_360 = arith.index_cast %add3A_352 : i32 to index
      %swap3A_361 = arith.constant 48 : index
      %swap3A_362 = tpu.vector_load %arg6[%swap3A_360, %swap3A_361] {strides = array<i32>} : memref<768x128xf32, #tpu.memory_space<vmem>>, vector<1x16xf32>,
      %swap3A_363 = vector.shape_cast %swap3A_362 : vector<1x16xf32> to vector<16xf32>
      %swap3A_364 = vector.shape_cast %mul3A_359 : vector<16xf32> to vector<1x16xf32>
      tpu.vector_store %arg6[%swap3A_360, %swap3A_361], %swap3A_364 {strides = array<i32>} : memref<768x128xf32, #tpu.memory_space<vmem>>, vector<1x16xf32>,
      %mul3A_365 = arith.constant 2 : i32
      %mul3A_366 = arith.muli %mul3A_365, %scan3A_150 : i32
      %add3A_367 = arith.constant 128 : i32
      %add3A_368 = arith.addi %add3A_367, %mul3A_366 : i32
      %add3A_369 = arith.constant 1 : i32
      %add3A_370 = arith.addi %add3A_368, %add3A_369 : i32
      %get3A_371 = arith.index_cast %add3A_370 : i32 to index
      %get3A_372 = arith.constant 64 : index
      %get3A_373 = tpu.vector_load %arg6[%get3A_371, %get3A_372] {strides = array<i32>} : memref<768x128xf32, #tpu.memory_space<vmem>>, vector<1x16xf32>,
      %get3A_374 = vector.shape_cast %get3A_373 : vector<1x16xf32> to vector<16xf32>
      %mul3A_375 = arith.constant 11.3137083 : f32
      %mul3A_376 = vector.broadcast %mul3A_375 : f32 to vector<16xf32>
      %mul3A_377 = arith.mulf %get3A_374, %mul3A_376 : vector<16xf32>
      %swap3A_378 = arith.index_cast %add3A_370 : i32 to index
      %swap3A_379 = arith.constant 64 : index
      %swap3A_380 = tpu.vector_load %arg6[%swap3A_378, %swap3A_379] {strides = array<i32>} : memref<768x128xf32, #tpu.memory_space<vmem>>, vector<1x16xf32>,
      %swap3A_381 = vector.shape_cast %swap3A_380 : vector<1x16xf32> to vector<16xf32>
      %swap3A_382 = vector.shape_cast %mul3A_377 : vector<16xf32> to vector<1x16xf32>
      tpu.vector_store %arg6[%swap3A_378, %swap3A_379], %swap3A_382 {strides = array<i32>} : memref<768x128xf32, #tpu.memory_space<vmem>>, vector<1x16xf32>,
      %mul3A_383 = arith.constant 2 : i32
      %mul3A_384 = arith.muli %mul3A_383, %scan3A_150 : i32
      %add3A_385 = arith.constant 128 : i32
      %add3A_386 = arith.addi %add3A_385, %mul3A_384 : i32
      %add3A_387 = arith.constant 1 : i32
      %add3A_388 = arith.addi %add3A_386, %add3A_387 : i32
      %get3A_389 = arith.index_cast %add3A_388 : i32 to index
      %get3A_390 = arith.constant 80 : index
      %get3A_391 = tpu.vector_load %arg6[%get3A_389, %get3A_390] {strides = array<i32>} : memref<768x128xf32, #tpu.memory_space<vmem>>, vector<1x16xf32>,
      %get3A_392 = vector.shape_cast %get3A_391 : vector<1x16xf32> to vector<16xf32>
      %mul3A_393 = arith.constant 11.3137083 : f32
      %mul3A_394 = vector.broadcast %mul3A_393 : f32 to vector<16xf32>
      %mul3A_395 = arith.mulf %get3A_392, %mul3A_394 : vector<16xf32>
      %swap3A_396 = arith.index_cast %add3A_388 : i32 to index
      %swap3A_397 = arith.constant 80 : index
      %swap3A_398 = tpu.vector_load %arg6[%swap3A_396, %swap3A_397] {strides = array<i32>} : memref<768x128xf32, #tpu.memory_space<vmem>>, vector<1x16xf32>,
      %swap3A_399 = vector.shape_cast %swap3A_398 : vector<1x16xf32> to vector<16xf32>
      %swap3A_400 = vector.shape_cast %mul3A_395 : vector<16xf32> to vector<1x16xf32>
      tpu.vector_store %arg6[%swap3A_396, %swap3A_397], %swap3A_400 {strides = array<i32>} : memref<768x128xf32, #tpu.memory_space<vmem>>, vector<1x16xf32>,
      %mul3A_401 = arith.constant 2 : i32
      %mul3A_402 = arith.muli %mul3A_401, %scan3A_150 : i32
      %add3A_403 = arith.constant 128 : i32
      %add3A_404 = arith.addi %add3A_403, %mul3A_402 : i32
      %add3A_405 = arith.constant 1 : i32
      %add3A_406 = arith.addi %add3A_404, %add3A_405 : i32
      %get3A_407 = arith.index_cast %add3A_406 : i32 to index
      %get3A_408 = arith.constant 96 : index
      %get3A_409 = tpu.vector_load %arg6[%get3A_407, %get3A_408] {strides = array<i32>} : memref<768x128xf32, #tpu.memory_space<vmem>>, vector<1x16xf32>,
      %get3A_410 = vector.shape_cast %get3A_409 : vector<1x16xf32> to vector<16xf32>
      %mul3A_411 = arith.constant 11.3137083 : f32
      %mul3A_412 = vector.broadcast %mul3A_411 : f32 to vector<16xf32>
      %mul3A_413 = arith.mulf %get3A_410, %mul3A_412 : vector<16xf32>
      %swap3A_414 = arith.index_cast %add3A_406 : i32 to index
      %swap3A_415 = arith.constant 96 : index
      %swap3A_416 = tpu.vector_load %arg6[%swap3A_414, %swap3A_415] {strides = array<i32>} : memref<768x128xf32, #tpu.memory_space<vmem>>, vector<1x16xf32>,
      %swap3A_417 = vector.shape_cast %swap3A_416 : vector<1x16xf32> to vector<16xf32>
      %swap3A_418 = vector.shape_cast %mul3A_413 : vector<16xf32> to vector<1x16xf32>
      tpu.vector_store %arg6[%swap3A_414, %swap3A_415], %swap3A_418 {strides = array<i32>} : memref<768x128xf32, #tpu.memory_space<vmem>>, vector<1x16xf32>,
      %mul3A_419 = arith.constant 2 : i32
      %mul3A_420 = arith.muli %mul3A_419, %scan3A_150 : i32
      %add3A_421 = arith.constant 128 : i32
      %add3A_422 = arith.addi %add3A_421, %mul3A_420 : i32
      %add3A_423 = arith.constant 1 : i32
      %add3A_424 = arith.addi %add3A_422, %add3A_423 : i32
      %get3A_425 = arith.index_cast %add3A_424 : i32 to index
      %get3A_426 = arith.constant 112 : index
      %get3A_427 = tpu.vector_load %arg6[%get3A_425, %get3A_426] {strides = array<i32>} : memref<768x128xf32, #tpu.memory_space<vmem>>, vector<1x16xf32>,
      %get3A_428 = vector.shape_cast %get3A_427 : vector<1x16xf32> to vector<16xf32>
      %mul3A_429 = arith.constant 11.3137083 : f32
      %mul3A_430 = vector.broadcast %mul3A_429 : f32 to vector<16xf32>
      %mul3A_431 = arith.mulf %get3A_428, %mul3A_430 : vector<16xf32>
      %swap3A_432 = arith.index_cast %add3A_424 : i32 to index
      %swap3A_433 = arith.constant 112 : index
      %swap3A_434 = tpu.vector_load %arg6[%swap3A_432, %swap3A_433] {strides = array<i32>} : memref<768x128xf32, #tpu.memory_space<vmem>>, vector<1x16xf32>,
      %swap3A_435 = vector.shape_cast %swap3A_434 : vector<1x16xf32> to vector<16xf32>
      %swap3A_436 = vector.shape_cast %mul3A_431 : vector<16xf32> to vector<1x16xf32>
      tpu.vector_store %arg6[%swap3A_432, %swap3A_433], %swap3A_436 {strides = array<i32>} : memref<768x128xf32, #tpu.memory_space<vmem>>, vector<1x16xf32>,
    }
    %scan3A_107 = arith.constant 64 : i32
    %add3A_108 = arith.constant 25344 : i32
    %add3A_109 = arith.addi %mul3A_2, %add3A_108 : i32
    %dma_start3A_110 = arith.constant 0 : i32
    %dma_start3A_111 = arith.constant 0 : i32
    %dma_start3A_112 = tpu.memref_slice %arg6[%dma_start3A_110, %dma_start3A_111] : memref<768x128xf32, #tpu.memory_space<vmem>> -> memref<256x128xf32, #tpu.memory_space<vmem>>
    %dma_start3A_113 = arith.constant 0 : i32
    %dma_start3A_114 = tpu.memref_slice %arg4[%add3A_109, %dma_start3A_113] : memref<819200x128xf32, #tpu.memory_space<hbm>> -> memref<256x128xf32, #tpu.memory_space<hbm>>
    %dma_start3A_115 = arith.constant 0 : i32
    %dma_start3A_116 = tpu.memref_slice %arg4[%add3A_109, %dma_start3A_115] : memref<819200x128xf32, #tpu.memory_space<hbm>> -> memref<256x128xf32, #tpu.memory_space<hbm>>
    %dma_start3A_117 = arith.constant 0 : i32
    %dma_start3A_118 = arith.constant 0 : i32
    %dma_start3A_119 = tpu.memref_slice %arg6[%dma_start3A_117, %dma_start3A_118] : memref<768x128xf32, #tpu.memory_space<vmem>> -> memref<256x128xf32, #tpu.memory_space<vmem>>
    tpu.enqueue_dma source(%dma_start3A_119 : memref<256x128xf32, #tpu.memory_space<vmem>>) target(%dma_start3A_116 : memref<256x128xf32, #tpu.memory_space<hbm>>) target_semaphore(%arg19 : memref<!tpu.dma_semaphore, #tpu.memory_space<semaphore_mem>>)
    %dma_wait3A_120 = arith.constant 0 : i32
    %dma_wait3A_121 = arith.constant 0 : i32
    %dma_wait3A_122 = tpu.memref_slice %arg6[%dma_wait3A_120, %dma_wait3A_121] : memref<768x128xf32, #tpu.memory_space<vmem>> -> memref<256x128xf32, #tpu.memory_space<vmem>>
    %dma_wait3A_123 = arith.constant 0 : i32
    %dma_wait3A_124 = tpu.memref_slice %arg4[%mul3A_2, %dma_wait3A_123] : memref<819200x128xf32, #tpu.memory_space<hbm>> -> memref<256x128xf32, #tpu.memory_space<hbm>>
    %dma_wait3A_125 = arith.constant 0 : i32
    %dma_wait3A_126 = tpu.memref_slice %arg4[%mul3A_2, %dma_wait3A_125] : memref<819200x128xf32, #tpu.memory_space<hbm>> -> memref<256x128xf32, #tpu.memory_space<hbm>>
    %dma_wait3A_127 = arith.constant 0 : i32
    %dma_wait3A_128 = arith.constant 0 : i32
    %dma_wait3A_129 = tpu.memref_slice %arg6[%dma_wait3A_127, %dma_wait3A_128] : memref<768x128xf32, #tpu.memory_space<vmem>> -> memref<256x128xf32, #tpu.memory_space<vmem>>
    tpu.wait_dma2 semaphore(%arg19 : memref<!tpu.dma_semaphore, #tpu.memory_space<semaphore_mem>>) src(%dma_wait3A_129 : memref<256x128xf32, #tpu.memory_space<vmem>>) dst(%dma_wait3A_126 : memref<256x128xf32, #tpu.memory_space<hbm>>)
    %dma_wait3A_130 = arith.constant 256 : i32
    %dma_wait3A_131 = arith.constant 0 : i32
    %dma_wait3A_132 = tpu.memref_slice %arg6[%dma_wait3A_130, %dma_wait3A_131] : memref<768x128xf32, #tpu.memory_space<vmem>> -> memref<256x128xf32, #tpu.memory_space<vmem>>
    %dma_wait3A_133 = arith.constant 0 : i32
    %dma_wait3A_134 = tpu.memref_slice %arg4[%mul3A_2, %dma_wait3A_133] : memref<819200x128xf32, #tpu.memory_space<hbm>> -> memref<256x128xf32, #tpu.memory_space<hbm>>
    %dma_wait3A_135 = arith.constant 0 : i32
    %dma_wait3A_136 = tpu.memref_slice %arg4[%mul3A_2, %dma_wait3A_135] : memref<819200x128xf32, #tpu.memory_space<hbm>> -> memref<256x128xf32, #tpu.memory_space<hbm>>
    %dma_wait3A_137 = arith.constant 256 : i32
    %dma_wait3A_138 = arith.constant 0 : i32
    %dma_wait3A_139 = tpu.memref_slice %arg6[%dma_wait3A_137, %dma_wait3A_138] : memref<768x128xf32, #tpu.memory_space<vmem>> -> memref<256x128xf32, #tpu.memory_space<vmem>>
    tpu.wait_dma2 semaphore(%arg20 : memref<!tpu.dma_semaphore, #tpu.memory_space<semaphore_mem>>) src(%dma_wait3A_139 : memref<256x128xf32, #tpu.memory_space<vmem>>) dst(%dma_wait3A_136 : memref<256x128xf32, #tpu.memory_space<hbm>>)
    %dma_wait3A_140 = arith.constant 512 : i32
    %dma_wait3A_141 = arith.constant 0 : i32
    %dma_wait3A_142 = tpu.memref_slice %arg6[%dma_wait3A_140, %dma_wait3A_141] : memref<768x128xf32, #tpu.memory_space<vmem>> -> memref<256x128xf32, #tpu.memory_space<vmem>>
    %dma_wait3A_143 = arith.constant 0 : i32
    %dma_wait3A_144 = tpu.memref_slice %arg4[%mul3A_2, %dma_wait3A_143] : memref<819200x128xf32, #tpu.memory_space<hbm>> -> memref<256x128xf32, #tpu.memory_space<hbm>>
    %dma_wait3A_145 = arith.constant 0 : i32
    %dma_wait3A_146 = tpu.memref_slice %arg4[%mul3A_2, %dma_wait3A_145] : memref<819200x128xf32, #tpu.memory_space<hbm>> -> memref<256x128xf32, #tpu.memory_space<hbm>>
    %dma_wait3A_147 = arith.constant 512 : i32
    %dma_wait3A_148 = arith.constant 0 : i32
    %dma_wait3A_149 = tpu.memref_slice %arg6[%dma_wait3A_147, %dma_wait3A_148] : memref<768x128xf32, #tpu.memory_space<vmem>> -> memref<256x128xf32, #tpu.memory_space<vmem>>
    tpu.wait_dma2 semaphore(%arg21 : memref<!tpu.dma_semaphore, #tpu.memory_space<semaphore_mem>>) src(%dma_wait3A_149 : memref<256x128xf32, #tpu.memory_space<vmem>>) dst(%dma_wait3A_146 : memref<256x128xf32, #tpu.memory_space<hbm>>)
    return
  }
}

</mosaic_0001>

<sc_bundles>
// kernel: kernel.3.cloned.1.call-start
scs
__scs_entry_jumppad:
0x0: {  	(pc) =	sbr.rel $0x88, $3  }
0x1: {  	(tag) =	ssettag $0x0;
	lr =	simm.s32 $0x1  }
0x2: {  	[smem:$0x3F9F] =	sst lr;
	_ =	strace $0xD0000000  }
0x3: {  	_ = 	snop  }
0x4: {  	_ = 	snop  }
0x5: {  	_ = 	snop  }
0x6: {  	_ = 	snop  }
0x7: {  	_ = 	snop  }
__scs_overlays_trampoline_lowered:
0x8: {  	[smem:$0x3FAE] =	sst s0  }
0x9: {  	[smem:$0x3FAF] =	sst s1  }
0xa: {  	[smem:$0x3FB0] =	sst s2  }
0xb: {  	[smem:$0x3FB1] =	sst s3  }
0xc: {  	[smem:$0x3FB2] =	sst s4  }
0xd: {  	[smem:$0x3FB3] =	sst s5  }
0xe: {  	[smem:$0x3FB4] =	sst s6  }
0xf: {  	[smem:$0x3FB5] =	sst s7  }
0x10: {  	[smem:$0x3FB6] =	sst s8  }
0x11: {  	[smem:$0x3FB7] =	sst s9;
	s0 =	simm.s32 @!p0 $0x0  }
0x12: {  	s1 =	sld [smem:$0x3F9D];
	s0 =	simm.s32 @p0 $0x1  }
0x13: {  	[smem:$0x3FB8] =	sst s0;
	s0 =	simm.s32 @!p1 $0x0  }
0x14: {  	s2 =	sld [smem:$0x3F9C];
	s0 =	simm.s32 @p1 $0x1  }
0x15: {  	[smem:$0x3FB9] =	sst s0;
	s0 =	simm.s32 @!p2 $0x0  }
0x16: {  	s3 =	sld [smem:$0x3FDB];
	s0 =	simm.s32 @p2 $0x1  }
0x17: {  	s4 =	simm.s32 $0x1BF5;
	[smem:$0x3FBB] =	sst s0  }
0x18: {  	s0 =	sld [smem:$0x3F9E];
	_ =	swait.ge [sflag:s4], $0x0  }
0x19: {  	s7 =	sld [smem:$0x3F9F]  }
0x1a: {  	s8 =	sadd.s32 $0xFFFFE003, lr  }
0x1b: {  	s9 =	sadd.s32 $0xFFFFFEF7, lr;
	s5 =	simm.s32 $0xFFFFFFFF;
	p2 =	slt.u32 s8, $0xFFFFF086  }
0x1c: {  	p1 =	slt.u32 s9, $0xF7A;
	s5 =	simm.s32 @!p2 $0x0  }
0x1d: {  	s5 =	simm.s32 @p1 $0x1;
	p0 =	seq.s32 s7, s2  }
0x1e: {  	s7 =	smul.u32 @!p0 $0xF7A, s2;
	p2 =	seq.s32 @!p0 s5, $0x0  }
0x1f: {  	s9 =	smul.u32 $0xF7A, s1;
	s8 =	simm.s32 @!p0 $0x1BF5;
	p2 =	por !p2, p0  }
0x20: {  	[sflag:s8] =	ssyncset.s32 @!p0 $0xFFFFF086;
	s6 =	sadd.s32 @!p0 s3, s7;
	s7 =	simm.s32 @!p0 $0x108  }
0x21: {  	s3 =	sadd.s32 s3, s9;
	s6 =	sadd.s32 @!p0 $0x88, s6;
	s7 =	simm.s32 @p2 $0x1082  }
0x22: {  	[simem:s7], [sflag:s8] =	dma.local @!p0 [hbm:s6], $0xF7A  }
0x23: {  	s9 =	sor.u32 $0xD0000000, s2;
	s6 =	simm.s32 $0x108;
	_ =	swait.ge @!p0 [sflag:s8], $0x0  }
0x24: {  	s3 =	sadd.s32 $0x88, s3;
	s6 =	simm.s32 @!p1 $0x1082;
	[sflag:s4] =	ssyncset.s32 $0xFFFFF086  }
0x25: {  	[simem:s6], [sflag:s4] =	dma.local [hbm:s3], $0xF7A  }
0x26: {  	[smem:$0x3F9F] =	sst s1;
	(tag) =	ssettag s2;
	_ =	strace s9  }
0x27: {  	s1 =	sld [smem:$0x3FAF]  }
0x28: {  	s2 =	sld [smem:$0x3FB0]  }
0x29: {  	s4 =	sld [smem:$0x3FB2]  }
0x2a: {  	p0 =	seq.s32 s5, $0x0;
	s5 =	sld [smem:$0x3FB3]  }
0x2b: {  	s6 =	sld [smem:$0x3FB4]  }
0x2c: {  	s7 =	sld [smem:$0x3FB5]  }
0x2d: {  	s3 =	simm.s32 $0x108;
	s8 =	sld [smem:$0x3FB6]  }
0x2e: {  	s3 =	simm.s32 @!p0 $0x1082;
	s9 =	sld [smem:$0x3FB7]  }
0x2f: {  	lr =	sadd.s32 s0, s3;
	s0 =	sld [smem:$0x3FAE]  }
0x30: {  	s3 =	sld [smem:$0x3FB1]  }
0x31: {  	[smem:$0x3FBA] =	sst s10  }
0x32: {  	s10 =	sld [smem:$0x3FB8];
	_ =	sdelay $0x3  }
0x33: {  	p0 =	seq.s32 s10, $0x1;
	s10 =	sld [smem:$0x3FBA];
	_ =	sdelay $0x3  }
0x34: {  	[smem:$0x3FBA] =	sst s10  }
0x35: {  	s10 =	sld [smem:$0x3FB9];
	_ =	sdelay $0x3  }
0x36: {  	p1 =	seq.s32 s10, $0x1;
	s10 =	sld [smem:$0x3FBA];
	_ =	sdelay $0x3  }
0x37: {  	[smem:$0x3FBA] =	sst s10  }
0x38: {  	s10 =	sld [smem:$0x3FBB]  }
0x39: {  	_ = 	snop;
	(pc) =	sbr.ind lr, $3  }
0x3a: {  	_ = 	snop  }
0x3b: {  	_ = 	snop  }
0x3c: {  	p2 =	seq.s32 s10, $0x1;
	s10 =	sld [smem:$0x3FBA]  }
0x3d: {  	_ =	shalt  }
0x3e: {  	_ =	shalt  }
0x3f: {  	_ =	shalt  }
0x40: {  	_ =	shalt  }
0x41: {  	_ =	shalt  }
0x42: {  	_ =	shalt  }
0x43: {  	_ =	shalt  }
0x44: {  	_ =	shalt  }
0x45: {  	_ =	shalt  }
0x46: {  	_ =	shalt  }
0x47: {  	_ =	shalt  }
0x48: {  	_ =	shalt  }
0x49: {  	_ =	shalt  }
0x4a: {  	_ =	shalt  }
0x4b: {  	_ =	shalt  }
0x4c: {  	_ =	shalt  }
0x4d: {  	_ =	shalt  }
0x4e: {  	_ =	shalt  }
0x4f: {  	_ =	shalt  }
0x50: {  	_ =	shalt  }
0x51: {  	_ =	shalt  }
0x52: {  	_ =	shalt  }
0x53: {  	_ =	shalt  }
0x54: {  	_ =	shalt  }
0x55: {  	_ =	shalt  }
0x56: {  	_ =	shalt  }
0x57: {  	_ =	shalt  }
0x58: {  	_ =	shalt  }
0x59: {  	_ =	shalt  }
0x5a: {  	_ =	shalt  }
0x5b: {  	_ =	shalt  }
0x5c: {  	_ =	shalt  }
0x5d: {  	_ =	shalt  }
0x5e: {  	_ =	shalt  }
0x5f: {  	_ =	shalt  }
0x60: {  	_ =	shalt  }
0x61: {  	_ =	shalt  }
0x62: {  	_ =	shalt  }
0x63: {  	_ =	shalt  }
0x64: {  	_ =	shalt  }
0x65: {  	_ =	shalt  }
0x66: {  	_ =	shalt  }
0x67: {  	_ =	shalt  }
0x68: {  	_ =	shalt  }
0x69: {  	_ =	shalt  }
0x6a: {  	_ =	shalt  }
0x6b: {  	_ =	shalt  }
0x6c: {  	_ =	shalt  }
0x6d: {  	_ =	shalt  }
0x6e: {  	_ =	shalt  }
0x6f: {  	_ =	shalt  }
0x70: {  	_ =	shalt  }
0x71: {  	_ =	shalt  }
0x72: {  	_ =	shalt  }
0x73: {  	_ =	shalt  }
0x74: {  	_ =	shalt  }
0x75: {  	_ =	shalt  }
0x76: {  	_ =	shalt  }
0x77: {  	_ =	shalt  }
0x78: {  	_ =	shalt  }
0x79: {  	_ =	shalt  }
0x7a: {  	_ =	shalt  }
0x7b: {  	_ =	shalt  }
0x7c: {  	_ =	shalt  }
0x7d: {  	_ =	shalt  }
0x7e: {  	_ =	shalt  }
0x7f: {  	_ =	shalt  }
0x80: {  	_ =	shalt  }
0x81: {  	_ =	shalt  }
0x82: {  	_ =	shalt  }
0x83: {  	_ =	shalt  }
0x84: {  	_ =	shalt  }
0x85: {  	_ =	shalt  }
0x86: {  	_ =	shalt  }
0x87: {  	_ =	shalt  }
.Lfunc_end0:
.L_simem_size_0:
called_computation_lowered:
.L_overlay_start_0:
0x88: {  	s2 =	sld [smem:$0x3FD9]  }
0x89: {  	s3 =	sld [smem:$0x3FFE];
	_ =	sdelay $0x1  }
0x8a: {  	s1 =	srdreg.scid  }
0x8b: {  	s0 =	sand.u32 $0x1, s1  }
0x8c: {  	s17 =	sshll.u32 s0, $0xA;
	s2 =	sadd.s32 s3, s2  }
0x8d: {  	s2 =	sadd.s32 s2, s17  }
0x8e: {  	[smem:$0x3FC6] =	sst s2  }
0x8f: {  	_ = 	snop  }
0x90: {  	s2 =	sld [smem:$0x3FC8]  }
0x91: {  	s18 =	sld [smem:$0x3FD0];
	(tm) =	ssettm $0x1  }
0x92: {  	s4 =	sld [smem:$0x3FFB];
	_ =	sdelay $0x3  }
0x93: {  	_ =	strace s4  }
0x94: {  	s4 =	sld [smem:$0x3FFC];
	_ =	sdelay $0x3  }
0x95: {  	_ =	strace s4  }
0x96: {  	s4 =	sld [smem:$0x3FFD];
	_ =	sdelay $0x3  }
0x97: {  	_ =	strace s4  }
0x98: {  	_ =	strace $0x8FFFFFFF  }
0x99: {  	s19 =	sld [smem:$0x3FDB];
	_ =	sdelay $0x1  }
0x9a: {  	s5 =	simm.s32 $_scs_section_size  }
0x9b: {  	s6 =	simm.s32 $_size__tile_overlayer_lowered;
	s7 =	simm.s32 $_tile_overlayer_lowered  }
0x9c: {  	s22 =	simm.s32 $0x1BFF;
	s21 =	sshll.u32 s7, $0x1;
	s4 =	sadd.s32 s5, s19  }
0x9d: {  	s8 =	simm.s32 $0x0;
	s20 =	sshll.u32 s6, $0x1;
	s6 =	sadd.s32 s21, s4  }
0x9e: {  	[timem:s8], [sflag:s22] =	dma.local [hbm:s6], s20  }
0x9f: {  	_ =	swait.ge [sflag:s22], s20  }
0xa0: {  	s5 =	ssub.s32 $0x0, s20;
	[sflag:s22] =	ssyncset.done $0x0  }
0xa1: {  	[sflag:s22] =	ssyncadd.s32 s5;
	_ =	sdelay $0x1  }
0xa2: {  	s23 =	simm.s32 $0x1B8B  }
0xa3: {  	_ =	swait.ge [sflag:s23], $0x1  }
0xa4: {  	[sflag:s23] =	ssyncset.done $0x0  }
0xa5: {  	s25 =	simm.s32 $0x1B8E;
	s24 =	sld [smem:$0x3FFE];
	[sflag:s23] =	ssyncadd.s32 $0xFFFFFFFF  }
0xa6: {  	s26 =	simm.s32 $execute0_lowered;
	[smem:$0x3FD2] =	sst s25  }
0xa7: {  	s6 =	sshll.u32 s26, $0x1;
	_ =	strace $0x80000046;
	[dreg:$0x1] =	wrdreg $0xFFFFFFFF  }
0xa8: {  	s28 =	simm.s32 $_size_execute0_lowered;
	s4 =	sadd.s32 s4, s6;
	[dreg:$0x0] =	wrdreg $0x0  }
0xa9: {  	s6 =	sshll.u32 s28, $0x1;
	[dreg:$0x2] =	wrdreg s4  }
0xaa: {  	[dreg:$0x3] =	wrdreg s6  }
0xab: {  	[dreg:$0x4] =	wrdreg $0xC0  }
0xac: {  	_ =	task [dreg:s8], $0x5FFFF  }
0xad: {  	[dreg:$0x1] =	wrdreg $0xFFFFFFFF  }
0xae: {  	[dreg:$0x0] =	wrdreg $0x60  }
0xaf: {  	[dreg:$0x2] =	wrdreg s2  }
0xb0: {  	[dreg:$0x3] =	wrdreg s24  }
0xb1: {  	[dreg:$0x4] =	wrdreg s18  }
0xb2: {  	[dreg:$0x5] =	wrdreg $0x9  }
0xb3: {  	_ =	task.clear_ibuf [dreg:s8], $0x6FFFF;
	_ =	strace $0x90000046  }
0xb4: {  	s29 =	simm.s32 $0x9;
	_ =	strace $0x80000048  }
0xb5: {  	_ =	swait.ge [sflag:s29], $0x1  }
0xb6: {  	[sflag:s29] =	ssyncadd.s32 $0xFFFFFFFF  }
0xb7: {  	_ =	strace $0x90000048  }
0xb8: {  	_ =	sfence  }
0xb9: {  	s30 =	sld [smem:$0x0];
	_ =	sdelay $0x2  }
0xba: {  	s31 =	sshll.u32 s1, $0xD;
	s1 =	sshrl.u32 s1, $0x2  }
0xbb: {  	s3 =	sand.u32 $0x4000, s31;
	s1 =	sadd.s32 s1, s30  }
0xbc: {  	s0 =	sor.u32 s3, s0;
	s1 =	sshll.u32 s1, $0x11  }
0xbd: {  	s0 =	sor.u32 s1, s0  }
0xbe: {  	s0 =	sadd.s32 $0x8F2B, s0  }
0xbf: {  	[sflag:s0] =	ssyncadd.remote.s32 $0x1  }
0xc0: {  	_ =	sfence.sel $0xFFFF  }
0xc1: {  	[dreg:$0x0] =	wrdreg $0xFFFFFFFF;
	(pc) =	sbr.abs _section_cstart, $3  }
0xc2: {  	[dreg:$0x1] =	wrdreg $0xFFFFFFFF  }
0xc3: {  	_ =	task.clear_ibuf [dreg:s8], $0x2FFFF;
	_ =	strace $0x9FFFFFFF  }
0xc4: {  	(tm) =	ssettm $0x7FFFFFFF  }
0xc5: {  	_ =	shalt  }
tec
execute0_lowered:
.L_overlay_start_1:
0x0: {  	(tag) =	ssettag $0x1  }
0x1: {  	s1 =	rddreg [dreg:$0x0];
	s0 =	srdreg.scid  }
0x2: {  	s3 =	stileid.u32;
	s2 =	rddreg [dreg:$0x1];
	s10 =	simm.s32 $0x40  }
0x3: {  	s11 =	simm.s32 $0x6400;
	s12 =	simm.s32 $0x8400;
	s13 =	simm.s32 $0xA400  }
0x4: {  	s14 =	simm.s32 $0xC400;
	s15 =	simm.s32 $0xE400;
	s19 =	simm.s32 $0x16400  }
0x5: {  	s22 =	simm.s32 $0x1C400;
	s23 =	simm.s32 $0x1;
	s24 =	simm.s32 $0x2  }
0x6: {  	s28 =	simm.s32 $0x5;
	s29 =	simm.s32 $0x6;
	s30 =	simm.s32 $0x7  }
0x7: {  	s31 =	simm.s32 $0x8;
	s0 =	sand.u32 $0x1, s0;
	s4 =	sshll.u32 s3, $0x1  }
0x8: {  	s16 =	simm.s32 $0x0;
	s3 =	rddreg [dreg:$0x2];
	s6 =	sor.u32 s0, s4  }
0x9: {  	s4 =	simm.s32 $0x0;
	s0 =	ssub.s32 $0x2, s0;
	s5 =	smul.u32 $0x6400, s6  }
0xa: {  	[smem:$0x7FF] =	sst s4;
	s6 =	smul.u32 $0x320000, s6;
	s25 =	sshrl.u32 s0, $0x1  }
0xb: {  	_ =	strace $0x80000047;
	s0 =	ssub.s32 s0, s25;
	s25 =	simm.s32 $0x3  }
0xc: {  	s7 =	sshrl.u32 s5, $0x3;
	s6 =	sshrl.u32 s6, $0x3;
	s0 =	smax.u32 s0, $0x1  }
0xd: {  	s2 =	sadd.s32 s7, s2;
	s26 =	sadd.s32 s3, s6;
	[dreg:$0x6] =	wrdreg s0  }
0xe: {  	s0 =	simm.s32 $0xA;
	s6 =	simm.s32 $0xB;
	s2 =	sadd.s32 $0x400, s2  }
0xf: {  	s7 =	simm.s32 $0xC;
	[dreg:$0x4] =	wrdreg s2;
	s2 =	sadd.s32 $0x63000, s26  }
0x10: {  	s26 =	simm.s32 $0x4;
	[dreg:$0x5] =	wrdreg s2;
	s2 =	simm.s32 $0x9  }
.LBB2_1:
0x11: {  	[dreg:$0x7] =	wrdreg s16  }
0x12: {  	s8 =	rddreg [dreg:$0x4];
	s21 =	simm.s32 $0x10  }
0x13: {  	[tilespmem:s4], [sflag:$0x10] =	stream.linear.gather [hbm4b:s8+s4], $0x6400, $0x38;
	[tilespmem:$0x1E400] =	vst v63  }
0x14: {  	_ =	swait.ge [sflag:s21], $0x6400  }
0x15: {  	[sflag:s21] =	ssyncset.done $0x0  }
0x16: {  	s8 =	simm.s32 $0x0;
	[sflag:s21] =	ssyncadd.s32 $0xFFFF9C00  }
.LBB2_2:
0x17: {  	p0 =	seq.s32 s8, $0x0  }
0x18: {  	s9 =	simm.s32 @!p0 $0xD  }
0x19: {  	_ =	swait.ge @!p0 [sflag:s9], $0x8000  }
0x1a: {  	s17 =	smul.u32 $0x300, s8;
	[sflag:s9] =	ssyncset.done @!p0 $0x0  }
0x1b: {  	[sflag:s9] =	ssyncadd.s32 @!p0 $0xFFFF8000  }
0x1c: {  	[tilespmem:s11], [sflag:$0x1] =	stream.indirect.gather [hbm4b:s1+s10], $0x80, s17, s10, $0xb8;
	[tilespmem:$0x1E400] =	vst v63  }
0x1d: {  	s16 =	sor.u32 $0x40, s17  }
0x1e: {  	[tilespmem:s12], [sflag:$0x2] =	stream.indirect.gather [hbm4b:s1+s10], $0x80, s16, s10, $0xb8;
	[tilespmem:$0x1E400] =	vst v63  }
0x1f: {  	s18 =	sor.u32 $0x80, s17  }
0x20: {  	[tilespmem:s13], [sflag:$0x3] =	stream.indirect.gather [hbm4b:s1+s10], $0x80, s18, s10, $0xb8;
	[tilespmem:$0x1E400] =	vst v63  }
0x21: {  	s20 =	sor.u32 $0xC0, s17;
	s9 =	simm.s32 @!p0 $0xE  }
0x22: {  	[tilespmem:s14], [sflag:$0x4] =	stream.indirect.gather [hbm4b:s1+s10], $0x80, s20, s10, $0xb8;
	[tilespmem:$0x1E400] =	vst v63  }
0x23: {  	_ =	swait.ge @!p0 [sflag:s9], $0x8000  }
0x24: {  	[sflag:s9] =	ssyncset.done @!p0 $0x0  }
0x25: {  	s16 =	sadd.s32 $0x100, s17;
	[sflag:s9] =	ssyncadd.s32 @!p0 $0xFFFF8000  }
0x26: {  	[tilespmem:s15], [sflag:$0x5] =	stream.indirect.gather [hbm4b:s1+s10], $0x80, s16, s10, $0xb8;
	[tilespmem:$0x1E400] =	vst v63  }
0x27: {  	s21 =	sadd.s32 $0x140, s17;
	s18 =	simm.s32 $0x10400  }
0x28: {  	[tilespmem:s18], [sflag:$0x6] =	stream.indirect.gather [hbm4b:s1+s10], $0x80, s21, s10, $0xb8;
	[tilespmem:$0x1E400] =	vst v63  }
0x29: {  	s20 =	sadd.s32 $0x180, s17;
	s21 =	simm.s32 $0x12400  }
0x2a: {  	[tilespmem:s21], [sflag:$0x7] =	stream.indirect.gather [hbm4b:s1+s10], $0x80, s20, s10, $0xb8;
	[tilespmem:$0x1E400] =	vst v63  }
0x2b: {  	s9 =	simm.s32 @!p0 $0xF;
	s18 =	sadd.s32 $0x1C0, s17;
	s20 =	simm.s32 $0x14400  }
0x2c: {  	[tilespmem:s20], [sflag:$0x8] =	stream.indirect.gather [hbm4b:s1+s10], $0x80, s18, s10, $0xb8;
	[tilespmem:$0x1E400] =	vst v63  }
0x2d: {  	_ =	swait.ge @!p0 [sflag:s9], $0x8000  }
0x2e: {  	[sflag:s9] =	ssyncset.done @!p0 $0x0  }
0x2f: {  	[sflag:s9] =	ssyncadd.s32 @!p0 $0xFFFF8000;
	s9 =	sadd.s32 $0x200, s17  }
0x30: {  	[tilespmem:s19], [sflag:$0x9] =	stream.indirect.gather [hbm4b:s1+s10], $0x80, s9, s10, $0xb8;
	[tilespmem:$0x1E400] =	vst v63  }
0x31: {  	s21 =	sadd.s32 $0x240, s17;
	s20 =	simm.s32 $0x18400  }
0x32: {  	[tilespmem:s20], [sflag:$0xA] =	stream.indirect.gather [hbm4b:s1+s10], $0x80, s21, s10, $0xb8;
	[tilespmem:$0x1E400] =	vst v63  }
0x33: {  	s20 =	sadd.s32 $0x280, s17;
	s21 =	simm.s32 $0x1A400  }
0x34: {  	[tilespmem:s21], [sflag:$0xB] =	stream.indirect.gather [hbm4b:s1+s10], $0x80, s20, s10, $0xb8;
	[tilespmem:$0x1E400] =	vst v63  }
0x35: {  	s21 =	sadd.s32 $0x2C0, s17  }
0x36: {  	[tilespmem:s22], [sflag:$0xC] =	stream.indirect.gather [hbm4b:s1+s10], $0x80, s21, s10, $0xb8;
	[tilespmem:$0x1E400] =	vst v63  }
0x37: {  	_ =	swait.ge [sflag:s23], $0x2000  }
0x38: {  	[sflag:s23] =	ssyncset.done $0x0  }
0x39: {  	[sflag:s23] =	ssyncadd.s32 $0xFFFFE000  }
0x3a: {  	_ =	swait.ge [sflag:s24], $0x2000  }
0x3b: {  	[sflag:s24] =	ssyncset.done $0x0  }
0x3c: {  	s18 =	simm.s32 $0x0;
	[sflag:s24] =	ssyncadd.s32 $0xFFFFE000  }
0x3d: {  	v0 =	vld [tilespmem:s18+$0x6400]  }
0x3e: {  	v1 =	vld [tilespmem:s18+$0x6410]  }
0x3f: {  	v2 =	vld [tilespmem:s18+$0x6420]  }
0x40: {  	v3 =	vld [tilespmem:s18+$0x6430]  }
0x41: {  	v4 =	vld [tilespmem:s18+$0x6440]  }
0x42: {  	v5 =	vld [tilespmem:s18+$0x6450];
	v0 =	vmul.f32 $1.131370830e+01, v0  }
0x43: {  	v6 =	vld [tilespmem:s18+$0x6460];
	v1 =	vmul.f32 $1.131370830e+01, v1  }
0x44: {  	v7 =	vld [tilespmem:s18+$0x6470];
	[tilespmem:s18+$0x6400] =	vst v0;
	v0 =	vmul.f32 $1.131370830e+01, v2  }
0x45: {  	v8 =	vld [tilespmem:s18+$0x6480];
	[tilespmem:s18+$0x6410] =	vst v1;
	v1 =	vmul.f32 $1.131370830e+01, v3  }
0x46: {  	v9 =	vld [tilespmem:s18+$0x6490];
	[tilespmem:s18+$0x6420] =	vst v0;
	v0 =	vmul.f32 $1.131370830e+01, v4  }
0x47: {  	v2 =	vmul.f32 $1.131370830e+01, v5;
	[tilespmem:s18+$0x6430] =	vst v1;
	v1 =	vld [tilespmem:s18+$0x64A0]  }
0x48: {  	v3 =	vmul.f32 $1.131370830e+01, v6;
	[tilespmem:s18+$0x6440] =	vst v0;
	v0 =	vld [tilespmem:s18+$0x64B0]  }
0x49: {  	[tilespmem:s18+$0x6450] =	vst v2;
	v2 =	vld [tilespmem:s18+$0x64C0];
	v4 =	vmul.f32 $1.131370830e+01, v7  }
0x4a: {  	v6 =	vmul.f32 $1.131370830e+01, v8;
	[tilespmem:s18+$0x6460] =	vst v3;
	v3 =	vld [tilespmem:s18+$0x64D0]  }
0x4b: {  	s20 =	simm.s32 $0x400;
	v5 =	vmul.f32 $1.131370830e+01, v9;
	[tilespmem:s18+$0x6470] =	vst v4;
	v4 =	vld [tilespmem:s18+$0x64E0]  }
.LBB2_3:
0x4c: {  	s21 =	sshra.s32 s20, $0x2;
	p0 =	sne.s32 s20, $0xFC00;
	[tilespmem:s18+$0x6480] =	vst v6;
	v1 =	vmul.f32 $1.131370830e+01, v1;
	v6 =	vld [tilespmem:s18+$0x64F0]  }
0x4d: {  	v7 =	vld [tilespmem:s21+$0x6400];
	[tilespmem:s18+$0x6490] =	vst v5;
	v0 =	vmul.f32 $1.131370830e+01, v0  }
0x4e: {  	v5 =	vld [tilespmem:s21+$0x6410];
	[tilespmem:s18+$0x64A0] =	vst v1;
	v1 =	vmul.f32 $1.131370830e+01, v2  }
0x4f: {  	v2 =	vld [tilespmem:s21+$0x6420];
	[tilespmem:s18+$0x64B0] =	vst v0;
	v0 =	vmul.f32 $1.131370830e+01, v3  }
0x50: {  	v3 =	vld [tilespmem:s21+$0x6430];
	[tilespmem:s18+$0x64C0] =	vst v1;
	v1 =	vmul.f32 $1.131370830e+01, v4  }
0x51: {  	v4 =	vld [tilespmem:s21+$0x6440];
	[tilespmem:s18+$0x64D0] =	vst v0;
	v0 =	vmul.f32 $1.131370830e+01, v6  }
0x52: {  	v6 =	vmul.f32 $1.131370830e+01, v7;
	v7 =	vld [tilespmem:s21+$0x6450];
	[tilespmem:s18+$0x64E0] =	vst v1  }
0x53: {  	v1 =	vmul.f32 $1.131370830e+01, v5;
	v5 =	vld [tilespmem:s21+$0x6460];
	[tilespmem:s18+$0x64F0] =	vst v0;
	s18 =	smov.u32 s21  }
0x54: {  	[tilespmem:s18+$0x6400] =	vst v6;
	v0 =	vmul.f32 $1.131370830e+01, v2;
	v2 =	vld [tilespmem:s18+$0x6470]  }
0x55: {  	[tilespmem:s18+$0x6410] =	vst v1;
	v1 =	vmul.f32 $1.131370830e+01, v3;
	v3 =	vld [tilespmem:s18+$0x6480]  }
0x56: {  	[tilespmem:s18+$0x6420] =	vst v0;
	v0 =	vmul.f32 $1.131370830e+01, v4;
	v4 =	vld [tilespmem:s18+$0x6490]  }
.Ltmp0:
0x57: {  	[tilespmem:s18+$0x6430] =	vst v1;
	v6 =	vmul.f32 $1.131370830e+01, v7;
	v1 =	vld [tilespmem:s18+$0x64A0];
	(pc) =	sbr.rel @p0 .LBB2_3-.Ltmp0, $4  }
0x58: {  	[tilespmem:s18+$0x6440] =	vst v0;
	v5 =	vmul.f32 $1.131370830e+01, v5;
	v0 =	vld [tilespmem:s18+$0x64B0]  }
0x59: {  	[tilespmem:s18+$0x6450] =	vst v6;
	v7 =	vmul.f32 $1.131370830e+01, v2;
	v2 =	vld [tilespmem:s18+$0x64C0]  }
0x5a: {  	[tilespmem:s18+$0x6460] =	vst v5;
	v6 =	vmul.f32 $1.131370830e+01, v3;
	v3 =	vld [tilespmem:s18+$0x64D0]  }
0x5b: {  	s20 =	sadd.s32 $0x400, s20;
	[tilespmem:s18+$0x6470] =	vst v7;
	v5 =	vmul.f32 $1.131370830e+01, v4;
	v4 =	vld [tilespmem:s18+$0x64E0]  }
0x5c: {  	[tilespmem:s18+$0x6480] =	vst v6;
	v1 =	vmul.f32 $1.131370830e+01, v1;
	v6 =	vld [tilespmem:s18+$0x64F0]  }
0x5d: {  	[tilespmem:s18+$0x6490] =	vst v5;
	v0 =	vmul.f32 $1.131370830e+01, v0  }
0x5e: {  	[tilespmem:s18+$0x64A0] =	vst v1;
	v1 =	vmul.f32 $1.131370830e+01, v2  }
0x5f: {  	[tilespmem:s18+$0x64B0] =	vst v0;
	v0 =	vmul.f32 $1.131370830e+01, v3  }
0x60: {  	[tilespmem:s18+$0x64C0] =	vst v1;
	v1 =	vmul.f32 $1.131370830e+01, v4  }
0x61: {  	[tilespmem:s18+$0x64D0] =	vst v0;
	v0 =	vmul.f32 $1.131370830e+01, v6  }
0x62: {  	[tilespmem:s18+$0x64E0] =	vst v1  }
0x63: {  	[tilespmem:s18+$0x64F0] =	vst v0  }
0x64: {  	_ =	swait.ge [sflag:s25], $0x2000  }
0x65: {  	[sflag:s25] =	ssyncset.done $0x0  }
0x66: {  	[sflag:s25] =	ssyncadd.s32 $0xFFFFE000  }
0x67: {  	_ =	swait.ge [sflag:s26], $0x2000  }
0x68: {  	[sflag:s26] =	ssyncset.done $0x0  }
0x69: {  	s18 =	simm.s32 $0x0;
	[sflag:s26] =	ssyncadd.s32 $0xFFFFE000  }
0x6a: {  	v0 =	vld [tilespmem:s18+$0xA400]  }
0x6b: {  	v1 =	vld [tilespmem:s18+$0xA410]  }
0x6c: {  	v2 =	vld [tilespmem:s18+$0xA420]  }
0x6d: {  	v3 =	vld [tilespmem:s18+$0xA430]  }
0x6e: {  	v4 =	vld [tilespmem:s18+$0xA440]  }
0x6f: {  	v5 =	vld [tilespmem:s18+$0xA450];
	v0 =	vmul.f32 $1.131370830e+01, v0  }
0x70: {  	v6 =	vld [tilespmem:s18+$0xA460];
	v1 =	vmul.f32 $1.131370830e+01, v1  }
0x71: {  	v7 =	vld [tilespmem:s18+$0xA470];
	[tilespmem:s18+$0xA400] =	vst v0;
	v0 =	vmul.f32 $1.131370830e+01, v2  }
0x72: {  	v8 =	vld [tilespmem:s18+$0xA480];
	[tilespmem:s18+$0xA410] =	vst v1;
	v1 =	vmul.f32 $1.131370830e+01, v3  }
0x73: {  	v9 =	vld [tilespmem:s18+$0xA490];
	[tilespmem:s18+$0xA420] =	vst v0;
	v0 =	vmul.f32 $1.131370830e+01, v4  }
0x74: {  	v2 =	vmul.f32 $1.131370830e+01, v5;
	[tilespmem:s18+$0xA430] =	vst v1;
	v1 =	vld [tilespmem:s18+$0xA4A0]  }
0x75: {  	v3 =	vmul.f32 $1.131370830e+01, v6;
	[tilespmem:s18+$0xA440] =	vst v0;
	v0 =	vld [tilespmem:s18+$0xA4B0]  }
0x76: {  	[tilespmem:s18+$0xA450] =	vst v2;
	v2 =	vld [tilespmem:s18+$0xA4C0];
	v4 =	vmul.f32 $1.131370830e+01, v7  }
0x77: {  	v6 =	vmul.f32 $1.131370830e+01, v8;
	[tilespmem:s18+$0xA460] =	vst v3;
	v3 =	vld [tilespmem:s18+$0xA4D0]  }
0x78: {  	s20 =	simm.s32 $0x400;
	v5 =	vmul.f32 $1.131370830e+01, v9;
	[tilespmem:s18+$0xA470] =	vst v4;
	v4 =	vld [tilespmem:s18+$0xA4E0]  }
.LBB2_5:
0x79: {  	s21 =	sshra.s32 s20, $0x2;
	p0 =	sne.s32 s20, $0xFC00;
	[tilespmem:s18+$0xA480] =	vst v6;
	v1 =	vmul.f32 $1.131370830e+01, v1;
	v6 =	vld [tilespmem:s18+$0xA4F0]  }
0x7a: {  	v7 =	vld [tilespmem:s21+$0xA400];
	[tilespmem:s18+$0xA490] =	vst v5;
	v0 =	vmul.f32 $1.131370830e+01, v0  }
0x7b: {  	v5 =	vld [tilespmem:s21+$0xA410];
	[tilespmem:s18+$0xA4A0] =	vst v1;
	v1 =	vmul.f32 $1.131370830e+01, v2  }
0x7c: {  	v2 =	vld [tilespmem:s21+$0xA420];
	[tilespmem:s18+$0xA4B0] =	vst v0;
	v0 =	vmul.f32 $1.131370830e+01, v3  }
0x7d: {  	v3 =	vld [tilespmem:s21+$0xA430];
	[tilespmem:s18+$0xA4C0] =	vst v1;
	v1 =	vmul.f32 $1.131370830e+01, v4  }
0x7e: {  	v4 =	vld [tilespmem:s21+$0xA440];
	[tilespmem:s18+$0xA4D0] =	vst v0;
	v0 =	vmul.f32 $1.131370830e+01, v6  }
0x7f: {  	v6 =	vmul.f32 $1.131370830e+01, v7;
	v7 =	vld [tilespmem:s21+$0xA450];
	[tilespmem:s18+$0xA4E0] =	vst v1  }
0x80: {  	v1 =	vmul.f32 $1.131370830e+01, v5;
	v5 =	vld [tilespmem:s21+$0xA460];
	[tilespmem:s18+$0xA4F0] =	vst v0;
	s18 =	smov.u32 s21  }
0x81: {  	[tilespmem:s18+$0xA400] =	vst v6;
	v0 =	vmul.f32 $1.131370830e+01, v2;
	v2 =	vld [tilespmem:s18+$0xA470]  }
0x82: {  	[tilespmem:s18+$0xA410] =	vst v1;
	v1 =	vmul.f32 $1.131370830e+01, v3;
	v3 =	vld [tilespmem:s18+$0xA480]  }
0x83: {  	[tilespmem:s18+$0xA420] =	vst v0;
	v0 =	vmul.f32 $1.131370830e+01, v4;
	v4 =	vld [tilespmem:s18+$0xA490]  }
.Ltmp1:
0x84: {  	[tilespmem:s18+$0xA430] =	vst v1;
	v6 =	vmul.f32 $1.131370830e+01, v7;
	v1 =	vld [tilespmem:s18+$0xA4A0];
	(pc) =	sbr.rel @p0 .LBB2_5-.Ltmp1, $4  }
0x85: {  	[tilespmem:s18+$0xA440] =	vst v0;
	v5 =	vmul.f32 $1.131370830e+01, v5;
	v0 =	vld [tilespmem:s18+$0xA4B0]  }
0x86: {  	[tilespmem:s18+$0xA450] =	vst v6;
	v7 =	vmul.f32 $1.131370830e+01, v2;
	v2 =	vld [tilespmem:s18+$0xA4C0]  }
0x87: {  	[tilespmem:s18+$0xA460] =	vst v5;
	v6 =	vmul.f32 $1.131370830e+01, v3;
	v3 =	vld [tilespmem:s18+$0xA4D0]  }
0x88: {  	s20 =	sadd.s32 $0x400, s20;
	[tilespmem:s18+$0xA470] =	vst v7;
	v5 =	vmul.f32 $1.131370830e+01, v4;
	v4 =	vld [tilespmem:s18+$0xA4E0]  }
0x89: {  	[tilespmem:s18+$0xA480] =	vst v6;
	v1 =	vmul.f32 $1.131370830e+01, v1;
	v6 =	vld [tilespmem:s18+$0xA4F0]  }
0x8a: {  	[tilespmem:s18+$0xA490] =	vst v5;
	v0 =	vmul.f32 $1.131370830e+01, v0  }
0x8b: {  	[tilespmem:s18+$0xA4A0] =	vst v1;
	v1 =	vmul.f32 $1.131370830e+01, v2  }
0x8c: {  	[tilespmem:s18+$0xA4B0] =	vst v0;
	v0 =	vmul.f32 $1.131370830e+01, v3  }
0x8d: {  	[tilespmem:s18+$0xA4C0] =	vst v1;
	v1 =	vmul.f32 $1.131370830e+01, v4  }
0x8e: {  	s17 =	sadd.s32 s5, s17;
	[tilespmem:s18+$0xA4D0] =	vst v0;
	v0 =	vmul.f32 $1.131370830e+01, v6  }
0x8f: {  	s17 =	sshll.u32 s17, $0x4;
	[tilespmem:s18+$0xA4E0] =	vst v1  }
0x90: {  	s21 =	simm.s32 $0x0;
	s17 =	sadd.s32 s3, s17;
	[tilespmem:s18+$0xA4F0] =	vst v0  }
0x91: {  	[hbm4b:s17+s21] =	stream.linear.scatter [tilespmem:s11], [sflag:$0xD], $0x8000, $0x38;
	[tilespmem:$0x1E400] =	vst v63  }
0x92: {  	_ =	swait.ge [sflag:s28], $0x2000  }
0x93: {  	[sflag:s28] =	ssyncset.done $0x0  }
0x94: {  	[sflag:s28] =	ssyncadd.s32 $0xFFFFE000  }
0x95: {  	_ =	swait.ge [sflag:s29], $0x2000  }
0x96: {  	[sflag:s29] =	ssyncset.done $0x0  }
0x97: {  	s17 =	simm.s32 $0x0;
	[sflag:s29] =	ssyncadd.s32 $0xFFFFE000  }
0x98: {  	v0 =	vld [tilespmem:s17+$0xE400]  }
0x99: {  	v1 =	vld [tilespmem:s17+$0xE410]  }
0x9a: {  	v2 =	vld [tilespmem:s17+$0xE420]  }
0x9b: {  	v3 =	vld [tilespmem:s17+$0xE430]  }
0x9c: {  	v4 =	vld [tilespmem:s17+$0xE440]  }
0x9d: {  	v5 =	vld [tilespmem:s17+$0xE450];
	v0 =	vmul.f32 $1.131370830e+01, v0  }
0x9e: {  	v6 =	vld [tilespmem:s17+$0xE460];
	v1 =	vmul.f32 $1.131370830e+01, v1  }
0x9f: {  	v7 =	vld [tilespmem:s17+$0xE470];
	[tilespmem:s17+$0xE400] =	vst v0;
	v0 =	vmul.f32 $1.131370830e+01, v2  }
0xa0: {  	v8 =	vld [tilespmem:s17+$0xE480];
	[tilespmem:s17+$0xE410] =	vst v1;
	v1 =	vmul.f32 $1.131370830e+01, v3  }
0xa1: {  	v9 =	vld [tilespmem:s17+$0xE490];
	[tilespmem:s17+$0xE420] =	vst v0;
	v0 =	vmul.f32 $1.131370830e+01, v4  }
0xa2: {  	v2 =	vmul.f32 $1.131370830e+01, v5;
	[tilespmem:s17+$0xE430] =	vst v1;
	v1 =	vld [tilespmem:s17+$0xE4A0]  }
0xa3: {  	v3 =	vmul.f32 $1.131370830e+01, v6;
	[tilespmem:s17+$0xE440] =	vst v0;
	v0 =	vld [tilespmem:s17+$0xE4B0]  }
0xa4: {  	[tilespmem:s17+$0xE450] =	vst v2;
	v2 =	vld [tilespmem:s17+$0xE4C0];
	v4 =	vmul.f32 $1.131370830e+01, v7  }
0xa5: {  	v6 =	vmul.f32 $1.131370830e+01, v8;
	[tilespmem:s17+$0xE460] =	vst v3;
	v3 =	vld [tilespmem:s17+$0xE4D0]  }
0xa6: {  	s18 =	simm.s32 $0x400;
	v5 =	vmul.f32 $1.131370830e+01, v9;
	[tilespmem:s17+$0xE470] =	vst v4;
	v4 =	vld [tilespmem:s17+$0xE4E0]  }
.LBB2_7:
0xa7: {  	s20 =	sshra.s32 s18, $0x2;
	p0 =	sne.s32 s18, $0xFC00;
	[tilespmem:s17+$0xE480] =	vst v6;
	v1 =	vmul.f32 $1.131370830e+01, v1;
	v6 =	vld [tilespmem:s17+$0xE4F0]  }
0xa8: {  	v7 =	vld [tilespmem:s20+$0xE400];
	[tilespmem:s17+$0xE490] =	vst v5;
	v0 =	vmul.f32 $1.131370830e+01, v0  }
0xa9: {  	v5 =	vld [tilespmem:s20+$0xE410];
	[tilespmem:s17+$0xE4A0] =	vst v1;
	v1 =	vmul.f32 $1.131370830e+01, v2  }
0xaa: {  	v2 =	vld [tilespmem:s20+$0xE420];
	[tilespmem:s17+$0xE4B0] =	vst v0;
	v0 =	vmul.f32 $1.131370830e+01, v3  }
0xab: {  	v3 =	vld [tilespmem:s20+$0xE430];
	[tilespmem:s17+$0xE4C0] =	vst v1;
	v1 =	vmul.f32 $1.131370830e+01, v4  }
0xac: {  	v4 =	vld [tilespmem:s20+$0xE440];
	[tilespmem:s17+$0xE4D0] =	vst v0;
	v0 =	vmul.f32 $1.131370830e+01, v6  }
0xad: {  	v6 =	vmul.f32 $1.131370830e+01, v7;
	v7 =	vld [tilespmem:s20+$0xE450];
	[tilespmem:s17+$0xE4E0] =	vst v1  }
0xae: {  	v1 =	vmul.f32 $1.131370830e+01, v5;
	v5 =	vld [tilespmem:s20+$0xE460];
	[tilespmem:s17+$0xE4F0] =	vst v0;
	s17 =	smov.u32 s20  }
0xaf: {  	[tilespmem:s17+$0xE400] =	vst v6;
	v0 =	vmul.f32 $1.131370830e+01, v2;
	v2 =	vld [tilespmem:s17+$0xE470]  }
0xb0: {  	[tilespmem:s17+$0xE410] =	vst v1;
	v1 =	vmul.f32 $1.131370830e+01, v3;
	v3 =	vld [tilespmem:s17+$0xE480]  }
0xb1: {  	[tilespmem:s17+$0xE420] =	vst v0;
	v0 =	vmul.f32 $1.131370830e+01, v4;
	v4 =	vld [tilespmem:s17+$0xE490]  }
.Ltmp2:
0xb2: {  	[tilespmem:s17+$0xE430] =	vst v1;
	v6 =	vmul.f32 $1.131370830e+01, v7;
	v1 =	vld [tilespmem:s17+$0xE4A0];
	(pc) =	sbr.rel @p0 .LBB2_7-.Ltmp2, $4  }
0xb3: {  	[tilespmem:s17+$0xE440] =	vst v0;
	v5 =	vmul.f32 $1.131370830e+01, v5;
	v0 =	vld [tilespmem:s17+$0xE4B0]  }
0xb4: {  	[tilespmem:s17+$0xE450] =	vst v6;
	v7 =	vmul.f32 $1.131370830e+01, v2;
	v2 =	vld [tilespmem:s17+$0xE4C0]  }
0xb5: {  	[tilespmem:s17+$0xE460] =	vst v5;
	v6 =	vmul.f32 $1.131370830e+01, v3;
	v3 =	vld [tilespmem:s17+$0xE4D0]  }
0xb6: {  	s18 =	sadd.s32 $0x400, s18;
	[tilespmem:s17+$0xE470] =	vst v7;
	v5 =	vmul.f32 $1.131370830e+01, v4;
	v4 =	vld [tilespmem:s17+$0xE4E0]  }
0xb7: {  	[tilespmem:s17+$0xE480] =	vst v6;
	v1 =	vmul.f32 $1.131370830e+01, v1;
	v6 =	vld [tilespmem:s17+$0xE4F0]  }
0xb8: {  	[tilespmem:s17+$0xE490] =	vst v5;
	v0 =	vmul.f32 $1.131370830e+01, v0  }
0xb9: {  	[tilespmem:s17+$0xE4A0] =	vst v1;
	v1 =	vmul.f32 $1.131370830e+01, v2  }
0xba: {  	[tilespmem:s17+$0xE4B0] =	vst v0;
	v0 =	vmul.f32 $1.131370830e+01, v3  }
0xbb: {  	[tilespmem:s17+$0xE4C0] =	vst v1;
	v1 =	vmul.f32 $1.131370830e+01, v4  }
0xbc: {  	[tilespmem:s17+$0xE4D0] =	vst v0;
	v0 =	vmul.f32 $1.131370830e+01, v6  }
0xbd: {  	[tilespmem:s17+$0xE4E0] =	vst v1  }
0xbe: {  	[tilespmem:s17+$0xE4F0] =	vst v0  }
0xbf: {  	_ =	swait.ge [sflag:s30], $0x2000  }
0xc0: {  	[sflag:s30] =	ssyncset.done $0x0  }
0xc1: {  	[sflag:s30] =	ssyncadd.s32 $0xFFFFE000  }
0xc2: {  	_ =	swait.ge [sflag:s31], $0x2000  }
0xc3: {  	[sflag:s31] =	ssyncset.done $0x0  }
0xc4: {  	s17 =	simm.s32 $0x0;
	[sflag:s31] =	ssyncadd.s32 $0xFFFFE000  }
0xc5: {  	v0 =	vld [tilespmem:s17+$0x12400]  }
0xc6: {  	v1 =	vld [tilespmem:s17+$0x12410]  }
0xc7: {  	v2 =	vld [tilespmem:s17+$0x12420]  }
0xc8: {  	v3 =	vld [tilespmem:s17+$0x12430]  }
0xc9: {  	v4 =	vld [tilespmem:s17+$0x12440]  }
0xca: {  	v5 =	vld [tilespmem:s17+$0x12450];
	v0 =	vmul.f32 $1.131370830e+01, v0  }
0xcb: {  	v6 =	vld [tilespmem:s17+$0x12460];
	v1 =	vmul.f32 $1.131370830e+01, v1  }
0xcc: {  	v7 =	vld [tilespmem:s17+$0x12470];
	[tilespmem:s17+$0x12400] =	vst v0;
	v0 =	vmul.f32 $1.131370830e+01, v2  }
0xcd: {  	v8 =	vld [tilespmem:s17+$0x12480];
	[tilespmem:s17+$0x12410] =	vst v1;
	v1 =	vmul.f32 $1.131370830e+01, v3  }
0xce: {  	v9 =	vld [tilespmem:s17+$0x12490];
	[tilespmem:s17+$0x12420] =	vst v0;
	v0 =	vmul.f32 $1.131370830e+01, v4  }
0xcf: {  	v2 =	vmul.f32 $1.131370830e+01, v5;
	[tilespmem:s17+$0x12430] =	vst v1;
	v1 =	vld [tilespmem:s17+$0x124A0]  }
0xd0: {  	v3 =	vmul.f32 $1.131370830e+01, v6;
	[tilespmem:s17+$0x12440] =	vst v0;
	v0 =	vld [tilespmem:s17+$0x124B0]  }
0xd1: {  	[tilespmem:s17+$0x12450] =	vst v2;
	v2 =	vld [tilespmem:s17+$0x124C0];
	v4 =	vmul.f32 $1.131370830e+01, v7  }
0xd2: {  	v6 =	vmul.f32 $1.131370830e+01, v8;
	[tilespmem:s17+$0x12460] =	vst v3;
	v3 =	vld [tilespmem:s17+$0x124D0]  }
0xd3: {  	s18 =	simm.s32 $0x400;
	v5 =	vmul.f32 $1.131370830e+01, v9;
	[tilespmem:s17+$0x12470] =	vst v4;
	v4 =	vld [tilespmem:s17+$0x124E0]  }
.LBB2_9:
0xd4: {  	s20 =	sshra.s32 s18, $0x2;
	p0 =	sne.s32 s18, $0xFC00;
	[tilespmem:s17+$0x12480] =	vst v6;
	v1 =	vmul.f32 $1.131370830e+01, v1;
	v6 =	vld [tilespmem:s17+$0x124F0]  }
0xd5: {  	v7 =	vld [tilespmem:s20+$0x12400];
	[tilespmem:s17+$0x12490] =	vst v5;
	v0 =	vmul.f32 $1.131370830e+01, v0  }
0xd6: {  	v5 =	vld [tilespmem:s20+$0x12410];
	[tilespmem:s17+$0x124A0] =	vst v1;
	v1 =	vmul.f32 $1.131370830e+01, v2  }
0xd7: {  	v2 =	vld [tilespmem:s20+$0x12420];
	[tilespmem:s17+$0x124B0] =	vst v0;
	v0 =	vmul.f32 $1.131370830e+01, v3  }
0xd8: {  	v3 =	vld [tilespmem:s20+$0x12430];
	[tilespmem:s17+$0x124C0] =	vst v1;
	v1 =	vmul.f32 $1.131370830e+01, v4  }
0xd9: {  	v4 =	vld [tilespmem:s20+$0x12440];
	[tilespmem:s17+$0x124D0] =	vst v0;
	v0 =	vmul.f32 $1.131370830e+01, v6  }
0xda: {  	v6 =	vmul.f32 $1.131370830e+01, v7;
	v7 =	vld [tilespmem:s20+$0x12450];
	[tilespmem:s17+$0x124E0] =	vst v1  }
0xdb: {  	v1 =	vmul.f32 $1.131370830e+01, v5;
	v5 =	vld [tilespmem:s20+$0x12460];
	[tilespmem:s17+$0x124F0] =	vst v0;
	s17 =	smov.u32 s20  }
0xdc: {  	[tilespmem:s17+$0x12400] =	vst v6;
	v0 =	vmul.f32 $1.131370830e+01, v2;
	v2 =	vld [tilespmem:s17+$0x12470]  }
0xdd: {  	[tilespmem:s17+$0x12410] =	vst v1;
	v1 =	vmul.f32 $1.131370830e+01, v3;
	v3 =	vld [tilespmem:s17+$0x12480]  }
0xde: {  	[tilespmem:s17+$0x12420] =	vst v0;
	v0 =	vmul.f32 $1.131370830e+01, v4;
	v4 =	vld [tilespmem:s17+$0x12490]  }
.Ltmp3:
0xdf: {  	[tilespmem:s17+$0x12430] =	vst v1;
	v6 =	vmul.f32 $1.131370830e+01, v7;
	v1 =	vld [tilespmem:s17+$0x124A0];
	(pc) =	sbr.rel @p0 .LBB2_9-.Ltmp3, $4  }
0xe0: {  	[tilespmem:s17+$0x12440] =	vst v0;
	v5 =	vmul.f32 $1.131370830e+01, v5;
	v0 =	vld [tilespmem:s17+$0x124B0]  }
0xe1: {  	[tilespmem:s17+$0x12450] =	vst v6;
	v7 =	vmul.f32 $1.131370830e+01, v2;
	v2 =	vld [tilespmem:s17+$0x124C0]  }
0xe2: {  	[tilespmem:s17+$0x12460] =	vst v5;
	v6 =	vmul.f32 $1.131370830e+01, v3;
	v3 =	vld [tilespmem:s17+$0x124D0]  }
0xe3: {  	s18 =	sadd.s32 $0x400, s18;
	[tilespmem:s17+$0x12470] =	vst v7;
	v5 =	vmul.f32 $1.131370830e+01, v4;
	v4 =	vld [tilespmem:s17+$0x124E0]  }
0xe4: {  	[tilespmem:s17+$0x12480] =	vst v6;
	v1 =	vmul.f32 $1.131370830e+01, v1;
	v6 =	vld [tilespmem:s17+$0x124F0]  }
0xe5: {  	[tilespmem:s17+$0x12490] =	vst v5;
	v0 =	vmul.f32 $1.131370830e+01, v0  }
0xe6: {  	[tilespmem:s17+$0x124A0] =	vst v1;
	v1 =	vmul.f32 $1.131370830e+01, v2  }
0xe7: {  	[tilespmem:s17+$0x124B0] =	vst v0;
	v0 =	vmul.f32 $1.131370830e+01, v3  }
0xe8: {  	[tilespmem:s17+$0x124C0] =	vst v1;
	v1 =	vmul.f32 $1.131370830e+01, v4  }
0xe9: {  	s16 =	sadd.s32 s5, s16;
	[tilespmem:s17+$0x124D0] =	vst v0;
	v0 =	vmul.f32 $1.131370830e+01, v6  }
0xea: {  	s16 =	sshll.u32 s16, $0x4;
	[tilespmem:s17+$0x124E0] =	vst v1  }
0xeb: {  	s21 =	simm.s32 $0x0;
	s16 =	sadd.s32 s3, s16;
	[tilespmem:s17+$0x124F0] =	vst v0  }
0xec: {  	[hbm4b:s16+s21] =	stream.linear.scatter [tilespmem:s15], [sflag:$0xE], $0x8000, $0x38;
	[tilespmem:$0x1E400] =	vst v63  }
0xed: {  	_ =	swait.ge [sflag:s2], $0x2000  }
0xee: {  	[sflag:s2] =	ssyncset.done $0x0  }
0xef: {  	[sflag:s2] =	ssyncadd.s32 $0xFFFFE000  }
0xf0: {  	_ =	swait.ge [sflag:s0], $0x2000  }
0xf1: {  	[sflag:s0] =	ssyncset.done $0x0  }
0xf2: {  	s16 =	simm.s32 $0x0;
	[sflag:s0] =	ssyncadd.s32 $0xFFFFE000  }
0xf3: {  	v0 =	vld [tilespmem:s16+$0x16400]  }
0xf4: {  	v1 =	vld [tilespmem:s16+$0x16410]  }
0xf5: {  	v2 =	vld [tilespmem:s16+$0x16420]  }
0xf6: {  	v3 =	vld [tilespmem:s16+$0x16430]  }
0xf7: {  	v4 =	vld [tilespmem:s16+$0x16440]  }
0xf8: {  	v5 =	vld [tilespmem:s16+$0x16450];
	v0 =	vmul.f32 $1.131370830e+01, v0  }
0xf9: {  	v6 =	vld [tilespmem:s16+$0x16460];
	v1 =	vmul.f32 $1.131370830e+01, v1  }
0xfa: {  	v7 =	vld [tilespmem:s16+$0x16470];
	[tilespmem:s16+$0x16400] =	vst v0;
	v0 =	vmul.f32 $1.131370830e+01, v2  }
0xfb: {  	v8 =	vld [tilespmem:s16+$0x16480];
	[tilespmem:s16+$0x16410] =	vst v1;
	v1 =	vmul.f32 $1.131370830e+01, v3  }
0xfc: {  	v9 =	vld [tilespmem:s16+$0x16490];
	[tilespmem:s16+$0x16420] =	vst v0;
	v0 =	vmul.f32 $1.131370830e+01, v4  }
0xfd: {  	v2 =	vmul.f32 $1.131370830e+01, v5;
	[tilespmem:s16+$0x16430] =	vst v1;
	v1 =	vld [tilespmem:s16+$0x164A0]  }
0xfe: {  	v3 =	vmul.f32 $1.131370830e+01, v6;
	[tilespmem:s16+$0x16440] =	vst v0;
	v0 =	vld [tilespmem:s16+$0x164B0]  }
0xff: {  	[tilespmem:s16+$0x16450] =	vst v2;
	v2 =	vld [tilespmem:s16+$0x164C0];
	v4 =	vmul.f32 $1.131370830e+01, v7  }
0x100: {  	v6 =	vmul.f32 $1.131370830e+01, v8;
	[tilespmem:s16+$0x16460] =	vst v3;
	v3 =	vld [tilespmem:s16+$0x164D0]  }
0x101: {  	s17 =	simm.s32 $0x400;
	v5 =	vmul.f32 $1.131370830e+01, v9;
	[tilespmem:s16+$0x16470] =	vst v4;
	v4 =	vld [tilespmem:s16+$0x164E0]  }
.LBB2_11:
0x102: {  	s18 =	sshra.s32 s17, $0x2;
	p0 =	sne.s32 s17, $0xFC00;
	[tilespmem:s16+$0x16480] =	vst v6;
	v1 =	vmul.f32 $1.131370830e+01, v1;
	v6 =	vld [tilespmem:s16+$0x164F0]  }
0x103: {  	v7 =	vld [tilespmem:s18+$0x16400];
	[tilespmem:s16+$0x16490] =	vst v5;
	v0 =	vmul.f32 $1.131370830e+01, v0  }
0x104: {  	v5 =	vld [tilespmem:s18+$0x16410];
	[tilespmem:s16+$0x164A0] =	vst v1;
	v1 =	vmul.f32 $1.131370830e+01, v2  }
0x105: {  	v2 =	vld [tilespmem:s18+$0x16420];
	[tilespmem:s16+$0x164B0] =	vst v0;
	v0 =	vmul.f32 $1.131370830e+01, v3  }
0x106: {  	v3 =	vld [tilespmem:s18+$0x16430];
	[tilespmem:s16+$0x164C0] =	vst v1;
	v1 =	vmul.f32 $1.131370830e+01, v4  }
0x107: {  	v4 =	vld [tilespmem:s18+$0x16440];
	[tilespmem:s16+$0x164D0] =	vst v0;
	v0 =	vmul.f32 $1.131370830e+01, v6  }
0x108: {  	v6 =	vmul.f32 $1.131370830e+01, v7;
	v7 =	vld [tilespmem:s18+$0x16450];
	[tilespmem:s16+$0x164E0] =	vst v1  }
0x109: {  	v1 =	vmul.f32 $1.131370830e+01, v5;
	v5 =	vld [tilespmem:s18+$0x16460];
	[tilespmem:s16+$0x164F0] =	vst v0;
	s16 =	smov.u32 s18  }
0x10a: {  	[tilespmem:s16+$0x16400] =	vst v6;
	v0 =	vmul.f32 $1.131370830e+01, v2;
	v2 =	vld [tilespmem:s16+$0x16470]  }
0x10b: {  	[tilespmem:s16+$0x16410] =	vst v1;
	v1 =	vmul.f32 $1.131370830e+01, v3;
	v3 =	vld [tilespmem:s16+$0x16480]  }
0x10c: {  	[tilespmem:s16+$0x16420] =	vst v0;
	v0 =	vmul.f32 $1.131370830e+01, v4;
	v4 =	vld [tilespmem:s16+$0x16490]  }
.Ltmp4:
0x10d: {  	[tilespmem:s16+$0x16430] =	vst v1;
	v6 =	vmul.f32 $1.131370830e+01, v7;
	v1 =	vld [tilespmem:s16+$0x164A0];
	(pc) =	sbr.rel @p0 .LBB2_11-.Ltmp4, $4  }
0x10e: {  	[tilespmem:s16+$0x16440] =	vst v0;
	v5 =	vmul.f32 $1.131370830e+01, v5;
	v0 =	vld [tilespmem:s16+$0x164B0]  }
0x10f: {  	[tilespmem:s16+$0x16450] =	vst v6;
	v7 =	vmul.f32 $1.131370830e+01, v2;
	v2 =	vld [tilespmem:s16+$0x164C0]  }
0x110: {  	[tilespmem:s16+$0x16460] =	vst v5;
	v6 =	vmul.f32 $1.131370830e+01, v3;
	v3 =	vld [tilespmem:s16+$0x164D0]  }
0x111: {  	s17 =	sadd.s32 $0x400, s17;
	[tilespmem:s16+$0x16470] =	vst v7;
	v5 =	vmul.f32 $1.131370830e+01, v4;
	v4 =	vld [tilespmem:s16+$0x164E0]  }
0x112: {  	[tilespmem:s16+$0x16480] =	vst v6;
	v1 =	vmul.f32 $1.131370830e+01, v1;
	v6 =	vld [tilespmem:s16+$0x164F0]  }
0x113: {  	[tilespmem:s16+$0x16490] =	vst v5;
	v0 =	vmul.f32 $1.131370830e+01, v0  }
0x114: {  	[tilespmem:s16+$0x164A0] =	vst v1;
	v1 =	vmul.f32 $1.131370830e+01, v2  }
0x115: {  	[tilespmem:s16+$0x164B0] =	vst v0;
	v0 =	vmul.f32 $1.131370830e+01, v3  }
0x116: {  	[tilespmem:s16+$0x164C0] =	vst v1;
	v1 =	vmul.f32 $1.131370830e+01, v4  }
0x117: {  	[tilespmem:s16+$0x164D0] =	vst v0;
	v0 =	vmul.f32 $1.131370830e+01, v6  }
0x118: {  	[tilespmem:s16+$0x164E0] =	vst v1  }
0x119: {  	[tilespmem:s16+$0x164F0] =	vst v0  }
0x11a: {  	_ =	swait.ge [sflag:s6], $0x2000  }
0x11b: {  	[sflag:s6] =	ssyncset.done $0x0  }
0x11c: {  	[sflag:s6] =	ssyncadd.s32 $0xFFFFE000  }
0x11d: {  	_ =	swait.ge [sflag:s7], $0x2000  }
0x11e: {  	[sflag:s7] =	ssyncset.done $0x0  }
0x11f: {  	s16 =	simm.s32 $0x0;
	[sflag:s7] =	ssyncadd.s32 $0xFFFFE000  }
0x120: {  	v0 =	vld [tilespmem:s16+$0x1A400]  }
0x121: {  	v1 =	vld [tilespmem:s16+$0x1A410]  }
0x122: {  	v2 =	vld [tilespmem:s16+$0x1A420]  }
0x123: {  	v3 =	vld [tilespmem:s16+$0x1A430]  }
0x124: {  	v4 =	vld [tilespmem:s16+$0x1A440]  }
0x125: {  	v5 =	vld [tilespmem:s16+$0x1A450];
	v0 =	vmul.f32 $1.131370830e+01, v0  }
0x126: {  	v6 =	vld [tilespmem:s16+$0x1A460];
	v1 =	vmul.f32 $1.131370830e+01, v1  }
0x127: {  	v7 =	vld [tilespmem:s16+$0x1A470];
	[tilespmem:s16+$0x1A400] =	vst v0;
	v0 =	vmul.f32 $1.131370830e+01, v2  }
0x128: {  	v8 =	vld [tilespmem:s16+$0x1A480];
	[tilespmem:s16+$0x1A410] =	vst v1;
	v1 =	vmul.f32 $1.131370830e+01, v3  }
0x129: {  	v9 =	vld [tilespmem:s16+$0x1A490];
	[tilespmem:s16+$0x1A420] =	vst v0;
	v0 =	vmul.f32 $1.131370830e+01, v4  }
0x12a: {  	v2 =	vmul.f32 $1.131370830e+01, v5;
	[tilespmem:s16+$0x1A430] =	vst v1;
	v1 =	vld [tilespmem:s16+$0x1A4A0]  }
0x12b: {  	v3 =	vmul.f32 $1.131370830e+01, v6;
	[tilespmem:s16+$0x1A440] =	vst v0;
	v0 =	vld [tilespmem:s16+$0x1A4B0]  }
0x12c: {  	[tilespmem:s16+$0x1A450] =	vst v2;
	v2 =	vld [tilespmem:s16+$0x1A4C0];
	v4 =	vmul.f32 $1.131370830e+01, v7  }
0x12d: {  	v6 =	vmul.f32 $1.131370830e+01, v8;
	[tilespmem:s16+$0x1A460] =	vst v3;
	v3 =	vld [tilespmem:s16+$0x1A4D0]  }
0x12e: {  	s17 =	simm.s32 $0x400;
	v5 =	vmul.f32 $1.131370830e+01, v9;
	[tilespmem:s16+$0x1A470] =	vst v4;
	v4 =	vld [tilespmem:s16+$0x1A4E0]  }
.LBB2_13:
0x12f: {  	s18 =	sshra.s32 s17, $0x2;
	p0 =	sne.s32 s17, $0xFC00;
	[tilespmem:s16+$0x1A480] =	vst v6;
	v1 =	vmul.f32 $1.131370830e+01, v1;
	v6 =	vld [tilespmem:s16+$0x1A4F0]  }
0x130: {  	v7 =	vld [tilespmem:s18+$0x1A400];
	[tilespmem:s16+$0x1A490] =	vst v5;
	v0 =	vmul.f32 $1.131370830e+01, v0  }
0x131: {  	v5 =	vld [tilespmem:s18+$0x1A410];
	[tilespmem:s16+$0x1A4A0] =	vst v1;
	v1 =	vmul.f32 $1.131370830e+01, v2  }
0x132: {  	v2 =	vld [tilespmem:s18+$0x1A420];
	[tilespmem:s16+$0x1A4B0] =	vst v0;
	v0 =	vmul.f32 $1.131370830e+01, v3  }
0x133: {  	v3 =	vld [tilespmem:s18+$0x1A430];
	[tilespmem:s16+$0x1A4C0] =	vst v1;
	v1 =	vmul.f32 $1.131370830e+01, v4  }
0x134: {  	v4 =	vld [tilespmem:s18+$0x1A440];
	[tilespmem:s16+$0x1A4D0] =	vst v0;
	v0 =	vmul.f32 $1.131370830e+01, v6  }
0x135: {  	v6 =	vmul.f32 $1.131370830e+01, v7;
	v7 =	vld [tilespmem:s18+$0x1A450];
	[tilespmem:s16+$0x1A4E0] =	vst v1  }
0x136: {  	v1 =	vmul.f32 $1.131370830e+01, v5;
	v5 =	vld [tilespmem:s18+$0x1A460];
	[tilespmem:s16+$0x1A4F0] =	vst v0;
	s16 =	smov.u32 s18  }
0x137: {  	[tilespmem:s16+$0x1A400] =	vst v6;
	v0 =	vmul.f32 $1.131370830e+01, v2;
	v2 =	vld [tilespmem:s16+$0x1A470]  }
0x138: {  	[tilespmem:s16+$0x1A410] =	vst v1;
	v1 =	vmul.f32 $1.131370830e+01, v3;
	v3 =	vld [tilespmem:s16+$0x1A480]  }
0x139: {  	[tilespmem:s16+$0x1A420] =	vst v0;
	v0 =	vmul.f32 $1.131370830e+01, v4;
	v4 =	vld [tilespmem:s16+$0x1A490]  }
.Ltmp5:
0x13a: {  	[tilespmem:s16+$0x1A430] =	vst v1;
	v6 =	vmul.f32 $1.131370830e+01, v7;
	v1 =	vld [tilespmem:s16+$0x1A4A0];
	(pc) =	sbr.rel @p0 .LBB2_13-.Ltmp5, $4  }
0x13b: {  	[tilespmem:s16+$0x1A440] =	vst v0;
	v5 =	vmul.f32 $1.131370830e+01, v5;
	v0 =	vld [tilespmem:s16+$0x1A4B0]  }
0x13c: {  	[tilespmem:s16+$0x1A450] =	vst v6;
	v7 =	vmul.f32 $1.131370830e+01, v2;
	v2 =	vld [tilespmem:s16+$0x1A4C0]  }
0x13d: {  	[tilespmem:s16+$0x1A460] =	vst v5;
	v6 =	vmul.f32 $1.131370830e+01, v3;
	v3 =	vld [tilespmem:s16+$0x1A4D0]  }
0x13e: {  	s17 =	sadd.s32 $0x400, s17;
	[tilespmem:s16+$0x1A470] =	vst v7;
	v5 =	vmul.f32 $1.131370830e+01, v4;
	v4 =	vld [tilespmem:s16+$0x1A4E0]  }
0x13f: {  	[tilespmem:s16+$0x1A480] =	vst v6;
	v1 =	vmul.f32 $1.131370830e+01, v1;
	v59 =	vld [tilespmem:s16+$0x1A4F0]  }
0x140: {  	[tilespmem:s16+$0x1A490] =	vst v5;
	v0 =	vmul.f32 $1.131370830e+01, v0  }
0x141: {  	s8 =	sadd.s32 $0x1, s8;
	[tilespmem:s16+$0x1A4A0] =	vst v1;
	v60 =	vmul.f32 $1.131370830e+01, v2  }
0x142: {  	p0 =	sne.s32 s8, $0x21;
	[tilespmem:s16+$0x1A4B0] =	vst v0;
	v61 =	vmul.f32 $1.131370830e+01, v3  }
.Ltmp6:
0x143: {  	[tilespmem:s16+$0x1A4C0] =	vst v60;
	v62 =	vmul.f32 $1.131370830e+01, v4;
	(pc) =	sbr.rel @p0 .LBB2_2-.Ltmp6, $4  }
0x144: {  	s9 =	sadd.s32 s5, s9;
	[tilespmem:s16+$0x1A4D0] =	vst v61;
	v63 =	vmul.f32 $1.131370830e+01, v59  }
0x145: {  	s9 =	sshll.u32 s9, $0x4;
	[tilespmem:s16+$0x1A4E0] =	vst v62  }
0x146: {  	s9 =	sadd.s32 s3, s9;
	[tilespmem:s16+$0x1A4F0] =	vst v63  }
0x147: {  	[hbm4b:s9+s4] =	stream.linear.scatter [tilespmem:s19], [sflag:$0xF], $0x8000, $0x38;
	[tilespmem:$0x1E400] =	vst v63  }
0x148: {  	s17 =	simm.s32 $0xD  }
0x149: {  	_ =	swait.ge [sflag:s17], $0x8000  }
0x14a: {  	[sflag:s17] =	ssyncset.done $0x0  }
0x14b: {  	s8 =	simm.s32 $0x6300;
	[sflag:s17] =	ssyncadd.s32 $0xFFFF8000  }
0x14c: {  	[tilespmem:s11], [sflag:$0x1] =	stream.indirect.gather [hbm4b:s1+s10], $0x80, s8, s10, $0xb8;
	[tilespmem:$0x1E400] =	vst v63  }
0x14d: {  	s18 =	simm.s32 $0x6340  }
0x14e: {  	[tilespmem:s12], [sflag:$0x2] =	stream.indirect.gather [hbm4b:s1+s10], $0x80, s18, s10, $0xb8;
	[tilespmem:$0x1E400] =	vst v63  }
0x14f: {  	s20 =	simm.s32 $0x6380  }
0x150: {  	[tilespmem:s13], [sflag:$0x3] =	stream.indirect.gather [hbm4b:s1+s10], $0x80, s20, s10, $0xb8;
	[tilespmem:$0x1E400] =	vst v63  }
0x151: {  	s21 =	simm.s32 $0x63C0  }
0x152: {  	[tilespmem:s14], [sflag:$0x4] =	stream.indirect.gather [hbm4b:s1+s10], $0x80, s21, s10, $0xb8;
	[tilespmem:$0x1E400] =	vst v63  }
0x153: {  	_ =	swait.ge [sflag:s23], $0x2000  }
0x154: {  	[sflag:s23] =	ssyncset.done $0x0  }
0x155: {  	[sflag:s23] =	ssyncadd.s32 $0xFFFFE000  }
0x156: {  	_ =	swait.ge [sflag:s24], $0x2000  }
0x157: {  	[sflag:s24] =	ssyncset.done $0x0  }
0x158: {  	s8 =	simm.s32 $0x0;
	[sflag:s24] =	ssyncadd.s32 $0xFFFFE000  }
0x159: {  	v0 =	vld [tilespmem:s8+$0x6400]  }
0x15a: {  	v1 =	vld [tilespmem:s8+$0x6410]  }
0x15b: {  	v2 =	vld [tilespmem:s8+$0x6420]  }
0x15c: {  	v3 =	vld [tilespmem:s8+$0x6430]  }
0x15d: {  	v4 =	vld [tilespmem:s8+$0x6440]  }
0x15e: {  	v5 =	vld [tilespmem:s8+$0x6450];
	v0 =	vmul.f32 $1.131370830e+01, v0  }
0x15f: {  	v6 =	vld [tilespmem:s8+$0x6460];
	v1 =	vmul.f32 $1.131370830e+01, v1  }
0x160: {  	v7 =	vld [tilespmem:s8+$0x6470];
	[tilespmem:s8+$0x6400] =	vst v0;
	v0 =	vmul.f32 $1.131370830e+01, v2  }
0x161: {  	v8 =	vld [tilespmem:s8+$0x6480];
	[tilespmem:s8+$0x6410] =	vst v1;
	v1 =	vmul.f32 $1.131370830e+01, v3  }
0x162: {  	v9 =	vld [tilespmem:s8+$0x6490];
	[tilespmem:s8+$0x6420] =	vst v0;
	v0 =	vmul.f32 $1.131370830e+01, v4  }
0x163: {  	v2 =	vmul.f32 $1.131370830e+01, v5;
	[tilespmem:s8+$0x6430] =	vst v1;
	v1 =	vld [tilespmem:s8+$0x64A0]  }
0x164: {  	v3 =	vmul.f32 $1.131370830e+01, v6;
	[tilespmem:s8+$0x6440] =	vst v0;
	v0 =	vld [tilespmem:s8+$0x64B0]  }
0x165: {  	[tilespmem:s8+$0x6450] =	vst v2;
	v2 =	vld [tilespmem:s8+$0x64C0];
	v4 =	vmul.f32 $1.131370830e+01, v7  }
0x166: {  	v6 =	vmul.f32 $1.131370830e+01, v8;
	[tilespmem:s8+$0x6460] =	vst v3;
	v3 =	vld [tilespmem:s8+$0x64D0]  }
0x167: {  	s9 =	simm.s32 $0x400;
	v5 =	vmul.f32 $1.131370830e+01, v9;
	[tilespmem:s8+$0x6470] =	vst v4;
	v4 =	vld [tilespmem:s8+$0x64E0]  }
.LBB2_16:
0x168: {  	s16 =	sshra.s32 s9, $0x2;
	p0 =	sne.s32 s9, $0xFC00;
	[tilespmem:s8+$0x6480] =	vst v6;
	v1 =	vmul.f32 $1.131370830e+01, v1;
	v6 =	vld [tilespmem:s8+$0x64F0]  }
0x169: {  	v7 =	vld [tilespmem:s16+$0x6400];
	[tilespmem:s8+$0x6490] =	vst v5;
	v0 =	vmul.f32 $1.131370830e+01, v0  }
0x16a: {  	v5 =	vld [tilespmem:s16+$0x6410];
	[tilespmem:s8+$0x64A0] =	vst v1;
	v1 =	vmul.f32 $1.131370830e+01, v2  }
0x16b: {  	v2 =	vld [tilespmem:s16+$0x6420];
	[tilespmem:s8+$0x64B0] =	vst v0;
	v0 =	vmul.f32 $1.131370830e+01, v3  }
0x16c: {  	v3 =	vld [tilespmem:s16+$0x6430];
	[tilespmem:s8+$0x64C0] =	vst v1;
	v1 =	vmul.f32 $1.131370830e+01, v4  }
0x16d: {  	v4 =	vld [tilespmem:s16+$0x6440];
	[tilespmem:s8+$0x64D0] =	vst v0;
	v0 =	vmul.f32 $1.131370830e+01, v6  }
0x16e: {  	v6 =	vmul.f32 $1.131370830e+01, v7;
	v7 =	vld [tilespmem:s16+$0x6450];
	[tilespmem:s8+$0x64E0] =	vst v1  }
0x16f: {  	v1 =	vmul.f32 $1.131370830e+01, v5;
	v5 =	vld [tilespmem:s16+$0x6460];
	[tilespmem:s8+$0x64F0] =	vst v0;
	s8 =	smov.u32 s16  }
0x170: {  	[tilespmem:s8+$0x6400] =	vst v6;
	v0 =	vmul.f32 $1.131370830e+01, v2;
	v2 =	vld [tilespmem:s8+$0x6470]  }
0x171: {  	[tilespmem:s8+$0x6410] =	vst v1;
	v1 =	vmul.f32 $1.131370830e+01, v3;
	v3 =	vld [tilespmem:s8+$0x6480]  }
0x172: {  	[tilespmem:s8+$0x6420] =	vst v0;
	v0 =	vmul.f32 $1.131370830e+01, v4;
	v4 =	vld [tilespmem:s8+$0x6490]  }
.Ltmp7:
0x173: {  	[tilespmem:s8+$0x6430] =	vst v1;
	v6 =	vmul.f32 $1.131370830e+01, v7;
	v1 =	vld [tilespmem:s8+$0x64A0];
	(pc) =	sbr.rel @p0 .LBB2_16-.Ltmp7, $4  }
0x174: {  	[tilespmem:s8+$0x6440] =	vst v0;
	v5 =	vmul.f32 $1.131370830e+01, v5;
	v0 =	vld [tilespmem:s8+$0x64B0]  }
0x175: {  	[tilespmem:s8+$0x6450] =	vst v6;
	v7 =	vmul.f32 $1.131370830e+01, v2;
	v2 =	vld [tilespmem:s8+$0x64C0]  }
0x176: {  	[tilespmem:s8+$0x6460] =	vst v5;
	v6 =	vmul.f32 $1.131370830e+01, v3;
	v3 =	vld [tilespmem:s8+$0x64D0]  }
0x177: {  	s9 =	sadd.s32 $0x400, s9;
	[tilespmem:s8+$0x6470] =	vst v7;
	v5 =	vmul.f32 $1.131370830e+01, v4;
	v4 =	vld [tilespmem:s8+$0x64E0]  }
0x178: {  	[tilespmem:s8+$0x6480] =	vst v6;
	v1 =	vmul.f32 $1.131370830e+01, v1;
	v6 =	vld [tilespmem:s8+$0x64F0]  }
0x179: {  	[tilespmem:s8+$0x6490] =	vst v5;
	v0 =	vmul.f32 $1.131370830e+01, v0  }
0x17a: {  	[tilespmem:s8+$0x64A0] =	vst v1;
	v1 =	vmul.f32 $1.131370830e+01, v2  }
0x17b: {  	[tilespmem:s8+$0x64B0] =	vst v0;
	v0 =	vmul.f32 $1.131370830e+01, v3  }
0x17c: {  	[tilespmem:s8+$0x64C0] =	vst v1;
	v1 =	vmul.f32 $1.131370830e+01, v4  }
0x17d: {  	[tilespmem:s8+$0x64D0] =	vst v0;
	v0 =	vmul.f32 $1.131370830e+01, v6  }
0x17e: {  	[tilespmem:s8+$0x64E0] =	vst v1  }
0x17f: {  	[tilespmem:s8+$0x64F0] =	vst v0  }
0x180: {  	_ =	swait.ge [sflag:s25], $0x2000  }
0x181: {  	[sflag:s25] =	ssyncset.done $0x0  }
0x182: {  	[sflag:s25] =	ssyncadd.s32 $0xFFFFE000  }
0x183: {  	_ =	swait.ge [sflag:s26], $0x2000  }
0x184: {  	[sflag:s26] =	ssyncset.done $0x0  }
0x185: {  	s8 =	simm.s32 $0x0;
	[sflag:s26] =	ssyncadd.s32 $0xFFFFE000  }
0x186: {  	v0 =	vld [tilespmem:s8+$0xA400]  }
0x187: {  	v1 =	vld [tilespmem:s8+$0xA410]  }
0x188: {  	v2 =	vld [tilespmem:s8+$0xA420]  }
0x189: {  	v3 =	vld [tilespmem:s8+$0xA430]  }
0x18a: {  	v4 =	vld [tilespmem:s8+$0xA440]  }
0x18b: {  	v5 =	vld [tilespmem:s8+$0xA450];
	v0 =	vmul.f32 $1.131370830e+01, v0  }
0x18c: {  	v6 =	vld [tilespmem:s8+$0xA460];
	v1 =	vmul.f32 $1.131370830e+01, v1  }
0x18d: {  	v7 =	vld [tilespmem:s8+$0xA470];
	[tilespmem:s8+$0xA400] =	vst v0;
	v0 =	vmul.f32 $1.131370830e+01, v2  }
0x18e: {  	v8 =	vld [tilespmem:s8+$0xA480];
	[tilespmem:s8+$0xA410] =	vst v1;
	v1 =	vmul.f32 $1.131370830e+01, v3  }
0x18f: {  	v9 =	vld [tilespmem:s8+$0xA490];
	[tilespmem:s8+$0xA420] =	vst v0;
	v0 =	vmul.f32 $1.131370830e+01, v4  }
0x190: {  	v2 =	vmul.f32 $1.131370830e+01, v5;
	[tilespmem:s8+$0xA430] =	vst v1;
	v1 =	vld [tilespmem:s8+$0xA4A0]  }
0x191: {  	v3 =	vmul.f32 $1.131370830e+01, v6;
	[tilespmem:s8+$0xA440] =	vst v0;
	v0 =	vld [tilespmem:s8+$0xA4B0]  }
0x192: {  	[tilespmem:s8+$0xA450] =	vst v2;
	v2 =	vld [tilespmem:s8+$0xA4C0];
	v4 =	vmul.f32 $1.131370830e+01, v7  }
0x193: {  	v6 =	vmul.f32 $1.131370830e+01, v8;
	[tilespmem:s8+$0xA460] =	vst v3;
	v3 =	vld [tilespmem:s8+$0xA4D0]  }
0x194: {  	s9 =	simm.s32 $0x400;
	v5 =	vmul.f32 $1.131370830e+01, v9;
	[tilespmem:s8+$0xA470] =	vst v4;
	v4 =	vld [tilespmem:s8+$0xA4E0]  }
.LBB2_18:
0x195: {  	s16 =	sshra.s32 s9, $0x2;
	p0 =	sne.s32 s9, $0xFC00;
	[tilespmem:s8+$0xA480] =	vst v6;
	v1 =	vmul.f32 $1.131370830e+01, v1;
	v6 =	vld [tilespmem:s8+$0xA4F0]  }
0x196: {  	v7 =	vld [tilespmem:s16+$0xA400];
	[tilespmem:s8+$0xA490] =	vst v5;
	v0 =	vmul.f32 $1.131370830e+01, v0  }
0x197: {  	v5 =	vld [tilespmem:s16+$0xA410];
	[tilespmem:s8+$0xA4A0] =	vst v1;
	v1 =	vmul.f32 $1.131370830e+01, v2  }
0x198: {  	v2 =	vld [tilespmem:s16+$0xA420];
	[tilespmem:s8+$0xA4B0] =	vst v0;
	v0 =	vmul.f32 $1.131370830e+01, v3  }
0x199: {  	v3 =	vld [tilespmem:s16+$0xA430];
	[tilespmem:s8+$0xA4C0] =	vst v1;
	v1 =	vmul.f32 $1.131370830e+01, v4  }
0x19a: {  	v4 =	vld [tilespmem:s16+$0xA440];
	[tilespmem:s8+$0xA4D0] =	vst v0;
	v0 =	vmul.f32 $1.131370830e+01, v6  }
0x19b: {  	v6 =	vmul.f32 $1.131370830e+01, v7;
	v7 =	vld [tilespmem:s16+$0xA450];
	[tilespmem:s8+$0xA4E0] =	vst v1  }
0x19c: {  	v1 =	vmul.f32 $1.131370830e+01, v5;
	v5 =	vld [tilespmem:s16+$0xA460];
	[tilespmem:s8+$0xA4F0] =	vst v0;
	s8 =	smov.u32 s16  }
0x19d: {  	[tilespmem:s8+$0xA400] =	vst v6;
	v0 =	vmul.f32 $1.131370830e+01, v2;
	v2 =	vld [tilespmem:s8+$0xA470]  }
0x19e: {  	[tilespmem:s8+$0xA410] =	vst v1;
	v1 =	vmul.f32 $1.131370830e+01, v3;
	v3 =	vld [tilespmem:s8+$0xA480]  }
0x19f: {  	[tilespmem:s8+$0xA420] =	vst v0;
	v0 =	vmul.f32 $1.131370830e+01, v4;
	v4 =	vld [tilespmem:s8+$0xA490]  }
.Ltmp8:
0x1a0: {  	[tilespmem:s8+$0xA430] =	vst v1;
	v6 =	vmul.f32 $1.131370830e+01, v7;
	v1 =	vld [tilespmem:s8+$0xA4A0];
	(pc) =	sbr.rel @p0 .LBB2_18-.Ltmp8, $4  }
0x1a1: {  	[tilespmem:s8+$0xA440] =	vst v0;
	v5 =	vmul.f32 $1.131370830e+01, v5;
	v0 =	vld [tilespmem:s8+$0xA4B0]  }
0x1a2: {  	[tilespmem:s8+$0xA450] =	vst v6;
	v7 =	vmul.f32 $1.131370830e+01, v2;
	v2 =	vld [tilespmem:s8+$0xA4C0]  }
0x1a3: {  	[tilespmem:s8+$0xA460] =	vst v5;
	v6 =	vmul.f32 $1.131370830e+01, v3;
	v3 =	vld [tilespmem:s8+$0xA4D0]  }
0x1a4: {  	s9 =	sadd.s32 $0x400, s9;
	[tilespmem:s8+$0xA470] =	vst v7;
	v5 =	vmul.f32 $1.131370830e+01, v4;
	v4 =	vld [tilespmem:s8+$0xA4E0]  }
0x1a5: {  	[tilespmem:s8+$0xA480] =	vst v6;
	v1 =	vmul.f32 $1.131370830e+01, v1;
	v59 =	vld [tilespmem:s8+$0xA4F0]  }
0x1a6: {  	[tilespmem:s8+$0xA490] =	vst v5;
	v0 =	vmul.f32 $1.131370830e+01, v0  }
0x1a7: {  	[tilespmem:s8+$0xA4A0] =	vst v1;
	v60 =	vmul.f32 $1.131370830e+01, v2  }
0x1a8: {  	[tilespmem:s8+$0xA4B0] =	vst v0;
	v61 =	vmul.f32 $1.131370830e+01, v3  }
0x1a9: {  	[tilespmem:s8+$0xA4C0] =	vst v60;
	v62 =	vmul.f32 $1.131370830e+01, v4  }
0x1aa: {  	[tilespmem:s8+$0xA4D0] =	vst v61;
	v63 =	vmul.f32 $1.131370830e+01, v59  }
0x1ab: {  	[tilespmem:s8+$0xA4E0] =	vst v62  }
0x1ac: {  	s18 =	rddreg [dreg:$0x5];
	[tilespmem:s8+$0xA4F0] =	vst v63  }
0x1ad: {  	[hbm4b:s18+s4] =	stream.linear.scatter [tilespmem:s11], [sflag:$0xD], $0x8000, $0x38;
	[tilespmem:$0x1E400] =	vst v63  }
0x1ae: {  	_ =	swait.ge [sflag:s17], $0x8000  }
0x1af: {  	[sflag:s17] =	ssyncset.done $0x0  }
0x1b0: {  	s20 =	simm.s32 $0xE;
	[sflag:s17] =	ssyncadd.s32 $0xFFFF8000  }
0x1b1: {  	_ =	swait.ge [sflag:s20], $0x8000  }
0x1b2: {  	[sflag:s20] =	ssyncset.done $0x0  }
0x1b3: {  	s9 =	simm.s32 $0xF;
	[sflag:s20] =	ssyncadd.s32 $0xFFFF8000  }
0x1b4: {  	_ =	swait.ge [sflag:s9], $0x8000  }
0x1b5: {  	s16 =	rddreg [dreg:$0x7]  }
0x1b6: {  	s21 =	rddreg [dreg:$0x6];
	s16 =	sadd.s32 $0x1, s16  }
0x1b7: {  	p0 =	sne.s32 s16, s21  }
.Ltmp9:
0x1b8: {  	_ = 	snop;
	(pc) =	sbr.rel @p0 .LBB2_1-.Ltmp9, $3  }
0x1b9: {  	_ =	sdelay $0x1  }
0x1ba: {  	[sflag:s9] =	ssyncset.done $0x0  }
0x1bb: {  	[sflag:s9] =	ssyncadd.s32 $0xFFFF8000  }
0x1bc: {  	_ =	sfence.sel $0x180000  }
0x1bd: {  	[bflag:$0x0] =	sbarrier.arrive $0xFFFF  }
0x1be: {  	_ =	strace $0x90000047  }
0x1bf: {  	s0 =	stileid.u32;
	[bflag:$0x2] =	sbarrier.arrive $0xFFFF  }
0x1c0: {  	p0 =	sne.s32 s0, $0x0;
	s0 =	rddreg [dreg:$0x3]  }
0x1c1: {  	s0 =	sadd.s32 @!p0 $0x100000, s0  }
0x1c2: {  	[sflag:s0] =	ssyncadd.tile.s32 @!p0 $0x1;
	_ =	shalt  }
.Lfunc_end2:
_tile_overlayer_lowered:
.L_overlay_start_2:
0x1c3: {  	(tag) =	ssettag $0x2  }
0x1c4: {  	s0 =	rddreg [dreg:$0x0];
	s2 =	stileid.u32  }
0x1c5: {  	s1 =	rddreg [dreg:$0x1];
	p0 =	sne.s32 s2, $0x0  }
0x1c6: {  	s3 =	rddreg [dreg:$0x2];
	[bflag:$0x3] =	sbarrier.arrive $0xFFFF;
	s2 =	simm.s32 @!p0 $0x1C10  }
0x1c7: {  	[timem:s3], [sflag:s2] =	dma.local @!p0 [hbm:s0], s1  }
0x1c8: {  	s0 =	simm.s32 @!p0 $0x10  }
0x1c9: {  	_ =	swait.ge @!p0 [sflag:s0], s1  }
0x1ca: {  	s1 =	ssub.s32 @!p0 $0x0, s1;
	[sflag:s0] =	ssyncset.done @!p0 $0x0  }
0x1cb: {  	[sflag:s0] =	ssyncadd.s32 @!p0 s1  }
0x1cc: {  	[bflag:$0x3] =	sbarrier.arrive $0xFFFF  }
0x1cd: {  	_ =	shalt  }

</sc_bundles>
